<compile_context>
chip_gen: v7x
topology: tpu7x:2x2x1
jax: 0.10.2.dev20260603
libtpu: 0.0.44.dev20260713+nightly
codegen_flags: <defaults>
</compile_context>

<pallas_src>
import functools

import jax
import jax.numpy as jnp
from jax import lax
from jax.experimental import pallas as pl
from jax.experimental.pallas import tpu as pltpu
from jax.experimental.pallas import tpu_sc as plsc

_INFO = plsc.get_sparse_core_info()
_NC = _INFO.num_cores
_NS = _INFO.num_subcores
_NW = _NC * _NS

_BT = 4096
_T = 200
_D = 64
_B = _BT * _T
_C = 128
_TR = _T // 8
_CB = _BT // _C
_UNITS = _TR * _CB
_UPW = _UNITS // _NW
_JPW = _UPW * 8
_PER_W = _JPW * _C


def _make_gather():
  mesh = plsc.VectorSubcoreMesh(core_axis_name="c", subcore_axis_name="s")

  @functools.partial(
      pl.kernel,
      mesh=mesh,
      out_type=jax.ShapeDtypeStruct((_T, 8, _CB, 8, _C), jnp.float32),
      scratch_types=[
          pltpu.VMEM((_PER_W,), jnp.int32),
          pltpu.VMEM((_C, 2 * _D), jnp.float32),
          pltpu.VMEM((_C, 2 * _D), jnp.float32),
          pltpu.VMEM((8, 8, _C), jnp.float32),
          pltpu.VMEM((8, 8, _C), jnp.float32),
          pltpu.SemaphoreType.DMA,
          pltpu.SemaphoreType.DMA,
          pltpu.SemaphoreType.DMA,
      ],
      compiler_params=pltpu.CompilerParams(
          use_tc_tiling_on_sc=True, needs_layout_passes=False
      ),
  )
  def gather_kernel(idx_hbm, table_hbm, out_hbm, idx_v, rows0, rows1,
                    tb0, tb1, gsem, ssem0, ssem1):
    w = lax.axis_index("s") * _NC + lax.axis_index("c")
    base = w * _PER_W
    pltpu.sync_copy(idx_hbm.at[pl.ds(base, _PER_W)], idx_v)

    rows = [rows0, rows1]
    tb = [tb0, tb1]
    ssem = [ssem0, ssem1]
    iv = lax.iota(jnp.int32, 16)
    gvecs = [iv + 16 * g for g in range(8)]

    def fire_gather(j, buf):
      pltpu.async_copy(
          table_hbm.at[idx_v.at[pl.ds(j * _C, _C)]], buf, gsem
      )

    def wait_gather(buf):
      pltpu.make_async_copy(
          table_hbm.at[idx_v.at[pl.ds(0, _C)]], buf, gsem
      ).wait()

    def out_slice(j):
      u = w * _UPW + j // 8
      t = (u // _CB) * 8 + j % 8
      return out_hbm.at[t, :, u % _CB, :, :]

    fire_gather(0, rows[0])

    @pl.loop(0, _JPW, step=2)
    def _unit(j0):
      for b in range(2):
        j = j0 + b

        @pl.when(j + 1 < _JPW)
        def _next():
          fire_gather(j + 1, rows[1 - b])

        wait_gather(rows[b])

        @pl.when(j >= 2)
        def _drain():
          pltpu.make_async_copy(tb[b], out_slice(j - 2), ssem[b]).wait()

        @plsc.parallel_loop(0, 16, unroll=2)
        def _tp(k):
          evec = (iv + k) & 15
          rvec = evec >> 3
          e1vec = evec & 7
          for e0 in (0, 16, 32, 48):
            ev = evec + e0
            rv = rvec + (e0 >> 3)
            for m in range(8):
              v = plsc.load_gather(rows[b], [gvecs[m], ev])
              plsc.store_scatter(tb[b], [rv, e1vec, gvecs[m]], v)

        pltpu.async_copy(tb[b], out_slice(j), ssem[b])

    pltpu.make_async_copy(tb[0], out_slice(_JPW - 2), ssem[0]).wait()
    pltpu.make_async_copy(tb[1], out_slice(_JPW - 1), ssem[1]).wait()

  return gather_kernel


_gather = _make_gather()


@jax.jit
def kernel(X, tok_emb):
  xp = X.T.reshape(_TR, 8, _CB, _C).transpose(0, 2, 1, 3).reshape(-1)
  tpad = jnp.pad(tok_emb, ((0, 0), (0, _D)))
  out5 = _gather(xp.astype(jnp.int32), tpad)
  return out5.transpose(2, 4, 0, 1, 3).reshape(_BT, _T, _D)

# --- scband reference (transcript-rebuilt; emitter-appended) ---
"""Pipeline reference for scband-llamamodel-85409719648941 (READ-ONLY COPY).

The authoritative reference and input builder live on the scoring server;
editing this copy changes nothing except your own understanding.
"""

import jax, jax.numpy as jnp
import numpy as np

VOCAB = 1000000
EMB = 64

def setup_inputs(seed: int = 0) -> dict:
    key = jax.random.key(seed)
    k1, k2 = jax.random.split(key)
    X = jax.random.randint(k1, (4096, 200), 0, VOCAB, dtype=jnp.int64 if jax.config.jax_enable_x64 else jnp.int32)
    tok_emb = jax.random.normal(k2, (VOCAB, EMB), dtype=jnp.float32) * 0.02
    return {"X": X, "tok_emb": tok_emb}

def reference(X, tok_emb):
    # LLAMAModel.forward: x = self.tok_emb(X) -> embedding lookup
    x = jnp.take(tok_emb, X, axis=0)  # [B, T, EMB]
    return x

if __name__ == "__main__":
    import jax
    _d = setup_inputs()
    print(jax.jit(kernel)(*tuple(_d.values())))

</pallas_src>

<mosaic_0001>
#map = affine_map<(d0, d1) -> (0)>
#map1 = affine_map<(d0, d1) -> (0, 0)>
#map2 = affine_map<(d0, d1) -> (0, 0, 0, 0, 0)>
module attributes {stable_mosaic.version = 14 : i64} {
  func.func @gather_kernel(%arg0: i32, %arg1: i32, %arg2: memref<819200xi32, #tpu.memory_space<hbm>>, %arg3: memref<1000000x128xf32, #tpu.memory_space<hbm>>, %arg4: memref<200x8x32x8x128xf32, #tpu.memory_space<hbm>>, %arg5: memref<25600xi32, #tpu.memory_space<vmem>>, %arg6: memref<128x128xf32, #tpu.memory_space<vmem>>, %arg7: memref<128x128xf32, #tpu.memory_space<vmem>>, %arg8: memref<8x8x128xf32, #tpu.memory_space<vmem>>, %arg9: memref<8x8x128xf32, #tpu.memory_space<vmem>>, %arg10: memref<!tpu.dma_semaphore, #tpu.memory_space<semaphore_mem>>, %arg11: memref<!tpu.dma_semaphore, #tpu.memory_space<semaphore_mem>>, %arg12: memref<!tpu.dma_semaphore, #tpu.memory_space<semaphore_mem>>) attributes {dimension_semantics = [#tpu.dimension_semantics<core_parallel>, #tpu.dimension_semantics<subcore_parallel>], iteration_bounds = array<i64: 2, 16>, scalar_prefetch = 0 : i64, scratch_operands = 8 : i64, tpu.core_type = #tpu.core_type<sc_vector_subcore>, window_params = [{transform_indices = #map}, {transform_indices = #map1}, {transform_indices = #map2}]} {
    %mul3A = arith.constant 2 : i32
    %mul3A_0 = arith.muli %arg1, %mul3A : i32
    %add3A = arith.addi %mul3A_0, %arg0 : i32
    %mul3A_1 = arith.constant 25600 : i32
    %mul3A_2 = arith.muli %add3A, %mul3A_1 : i32
    "tpu.region"() ({
      %run_scoped3A = tpu.sem_alloc : memref<!tpu.dma_semaphore, #tpu.memory_space<semaphore_mem>>
      %dma_start3A_140 = tpu.memref_slice %arg2[%mul3A_2] : memref<819200xi32, #tpu.memory_space<hbm>> -> memref<25600xi32, #tpu.memory_space<hbm>>
      %dma_start3A_141 = tpu.memref_slice %arg2[%mul3A_2] : memref<819200xi32, #tpu.memory_space<hbm>> -> memref<25600xi32, #tpu.memory_space<hbm>>
      tpu.enqueue_dma source(%dma_start3A_141 : memref<25600xi32, #tpu.memory_space<hbm>>) target(%arg5 : memref<25600xi32, #tpu.memory_space<vmem>>) target_semaphore(%run_scoped3A : memref<!tpu.dma_semaphore, #tpu.memory_space<semaphore_mem>>)
      %dma_wait3A_142 = tpu.memref_slice %arg2[%mul3A_2] : memref<819200xi32, #tpu.memory_space<hbm>> -> memref<25600xi32, #tpu.memory_space<hbm>>
      %dma_wait3A_143 = tpu.memref_slice %arg2[%mul3A_2] : memref<819200xi32, #tpu.memory_space<hbm>> -> memref<25600xi32, #tpu.memory_space<hbm>>
      tpu.wait_dma2 semaphore(%run_scoped3A : memref<!tpu.dma_semaphore, #tpu.memory_space<semaphore_mem>>) src(%dma_wait3A_143 : memref<25600xi32, #tpu.memory_space<hbm>>) dst(%arg5 : memref<25600xi32, #tpu.memory_space<vmem>>)
      tpu.yield
    }) : () -> ()
    %iota3A = tpu.iota {dimensions = array<i32: 0>} : vector<16xi32>
    %add3A_3 = arith.constant 0 : i32
    %add3A_4 = vector.broadcast %add3A_3 : i32 to vector<16xi32>
    %add3A_5 = arith.addi %iota3A, %add3A_4 : vector<16xi32>
    %add3A_6 = arith.constant 16 : i32
    %add3A_7 = vector.broadcast %add3A_6 : i32 to vector<16xi32>
    %add3A_8 = arith.addi %iota3A, %add3A_7 : vector<16xi32>
    %add3A_9 = arith.constant 32 : i32
    %add3A_10 = vector.broadcast %add3A_9 : i32 to vector<16xi32>
    %add3A_11 = arith.addi %iota3A, %add3A_10 : vector<16xi32>
    %add3A_12 = arith.constant 48 : i32
    %add3A_13 = vector.broadcast %add3A_12 : i32 to vector<16xi32>
    %add3A_14 = arith.addi %iota3A, %add3A_13 : vector<16xi32>
    %add3A_15 = arith.constant 64 : i32
    %add3A_16 = vector.broadcast %add3A_15 : i32 to vector<16xi32>
    %add3A_17 = arith.addi %iota3A, %add3A_16 : vector<16xi32>
    %add3A_18 = arith.constant 80 : i32
    %add3A_19 = vector.broadcast %add3A_18 : i32 to vector<16xi32>
    %add3A_20 = arith.addi %iota3A, %add3A_19 : vector<16xi32>
    %add3A_21 = arith.constant 96 : i32
    %add3A_22 = vector.broadcast %add3A_21 : i32 to vector<16xi32>
    %add3A_23 = arith.addi %iota3A, %add3A_22 : vector<16xi32>
    %add3A_24 = arith.constant 112 : i32
    %add3A_25 = vector.broadcast %add3A_24 : i32 to vector<16xi32>
    %add3A_26 = arith.addi %iota3A, %add3A_25 : vector<16xi32>
    %dma_start3A = arith.constant 0 : i32
    %dma_start3A_27 = tpu.memref_slice %arg5[%dma_start3A] : memref<25600xi32, #tpu.memory_space<vmem>> -> memref<128xi32, #tpu.memory_space<vmem>>
    %dma_start3A_28 = arith.constant 0 : i32
    %dma_start3A_29 = arith.constant 0 : i32
    %dma_start3A_30 = tpu.memref_slice %arg3[%dma_start3A_28, %dma_start3A_29] : memref<1000000x128xf32, #tpu.memory_space<hbm>> -> memref<1000000x128xf32, #tpu.memory_space<hbm>>
    tpu.enqueue_indirect_dma source(%dma_start3A_30 : memref<1000000x128xf32, #tpu.memory_space<hbm>>) target(%arg6 : memref<128x128xf32, #tpu.memory_space<vmem>>) offsets(%dma_start3A_27 : memref<128xi32, #tpu.memory_space<vmem>>) semaphore(%arg10 : memref<!tpu.dma_semaphore, #tpu.memory_space<semaphore_mem>>)
    %scan3A = arith.constant 0 : i32
    %scan3A_31 = arith.constant 100 : i32
    %scan3A_32 = arith.addi %scan3A, %scan3A_31 : i32
    %scan3A_33 = arith.constant 1 : i32
    scf.for %scan3A_140 = %scan3A to %scan3A_32 step %scan3A_33  : i32 {
      %mul3A_141 = arith.constant 2 : i32
      %mul3A_142 = arith.muli %scan3A_140, %mul3A_141 : i32
      %add3A_143 = arith.constant 0 : i32
      %add3A_144 = arith.addi %add3A_143, %mul3A_142 : i32
      %add3A_145 = arith.constant 0 : i32
      %add3A_146 = arith.addi %add3A_144, %add3A_145 : i32
      %add3A_147 = arith.constant 1 : i32
      %add3A_148 = arith.addi %add3A_146, %add3A_147 : i32
      %lt3A_149 = arith.constant 200 : i32
      %lt3A_150 = arith.cmpi slt, %add3A_148, %lt3A_149 : i32
      %convert_element_type3A = arith.extui %lt3A_150 : i1 to i32
      %cond3A = arith.constant 0 : i32
      %cond3A_151 = arith.cmpi ne, %convert_element_type3A, %cond3A : i32
      scf.if %cond3A_151 {
        %add3A_377 = arith.constant 1 : i32
        %add3A_378 = arith.addi %add3A_146, %add3A_377 : i32
        %mul3A_379 = arith.constant 128 : i32
        %mul3A_380 = arith.muli %add3A_378, %mul3A_379 : i32
        %dma_start3A_381 = tpu.memref_slice %arg5[%mul3A_380] : memref<25600xi32, #tpu.memory_space<vmem>> -> memref<128xi32, #tpu.memory_space<vmem>>
        %dma_start3A_382 = arith.constant 0 : i32
        %dma_start3A_383 = arith.constant 0 : i32
        %dma_start3A_384 = tpu.memref_slice %arg3[%dma_start3A_382, %dma_start3A_383] : memref<1000000x128xf32, #tpu.memory_space<hbm>> -> memref<1000000x128xf32, #tpu.memory_space<hbm>>
        tpu.enqueue_indirect_dma source(%dma_start3A_384 : memref<1000000x128xf32, #tpu.memory_space<hbm>>) target(%arg7 : memref<128x128xf32, #tpu.memory_space<vmem>>) offsets(%dma_start3A_381 : memref<128xi32, #tpu.memory_space<vmem>>) semaphore(%arg10 : memref<!tpu.dma_semaphore, #tpu.memory_space<semaphore_mem>>)
      } else {
      }
      %dma_wait3A_152 = arith.constant 0 : i32
      %dma_wait3A_153 = tpu.memref_slice %arg5[%dma_wait3A_152] : memref<25600xi32, #tpu.memory_space<vmem>> -> memref<128xi32, #tpu.memory_space<vmem>>
      %dma_wait3A_154 = arith.constant 0 : i32
      %dma_wait3A_155 = arith.constant 0 : i32
      %dma_wait3A_156 = tpu.memref_slice %arg3[%dma_wait3A_154, %dma_wait3A_155] : memref<1000000x128xf32, #tpu.memory_space<hbm>> -> memref<1000000x128xf32, #tpu.memory_space<hbm>>
      tpu.wait_indirect_dma semaphore(%arg10 : memref<!tpu.dma_semaphore, #tpu.memory_space<semaphore_mem>>) src(%dma_wait3A_156 : memref<1000000x128xf32, #tpu.memory_space<hbm>>) dst(%arg6 : memref<128x128xf32, #tpu.memory_space<vmem>>)
      %ge3A = arith.constant 2 : i32
      %ge3A_157 = arith.cmpi sge, %add3A_146, %ge3A : i32
      %convert_element_type3A_158 = arith.extui %ge3A_157 : i1 to i32
      %cond3A_159 = arith.constant 0 : i32
      %cond3A_160 = arith.cmpi ne, %convert_element_type3A_158, %cond3A_159 : i32
      scf.if %cond3A_160 {
        %sub3A_377 = arith.constant 2 : i32
        %sub3A_378 = arith.subi %add3A_146, %sub3A_377 : i32
        %mul3A_379 = arith.constant 25 : i32
        %mul3A_380 = arith.muli %add3A, %mul3A_379 : i32
        %jit3A_381 = arith.constant 8 : i32
        %div3A_382 = arith.divsi %sub3A_378, %jit3A_381 : i32
        %sign3A_383 = arith.constant 0 : i32
        %sign3A_384 = arith.cmpi sgt, %sub3A_378, %sign3A_383 : i32
        %sign3A_385 = arith.extui %sign3A_384 : i1 to i32
        %sign3A_386 = arith.constant 0 : i32
        %sign3A_387 = arith.cmpi slt, %sub3A_378, %sign3A_386 : i32
        %sign3A_388 = arith.extui %sign3A_387 : i1 to i32
        %sign3A_389 = arith.subi %sign3A_385, %sign3A_388 : i32
        %sign3A_390 = arith.constant 0 : i32
        %sign3A_391 = arith.cmpi sgt, %jit3A_381, %sign3A_390 : i32
        %sign3A_392 = arith.extui %sign3A_391 : i1 to i32
        %sign3A_393 = arith.constant 0 : i32
        %sign3A_394 = arith.cmpi slt, %jit3A_381, %sign3A_393 : i32
        %sign3A_395 = arith.extui %sign3A_394 : i1 to i32
        %sign3A_396 = arith.subi %sign3A_392, %sign3A_395 : i32
        %ne3A_397 = arith.cmpi ne, %sign3A_389, %sign3A_396 : i32
        %rem3A_398 = arith.remsi %sub3A_378, %jit3A_381 : i32
        %ne3A_399 = arith.constant 0 : i32
        %ne3A_400 = arith.cmpi ne, %rem3A_398, %ne3A_399 : i32
        %and3A_401 = arith.andi %ne3A_397, %ne3A_400 : i1
        %sub3A_402 = arith.constant 1 : i32
        %sub3A_403 = arith.subi %div3A_382, %sub3A_402 : i32
        %select_n3A_404 = arith.select %and3A_401, %sub3A_403, %div3A_382 : i32
        %add3A_405 = arith.addi %mul3A_380, %select_n3A_404 : i32
        %jit3A_406 = arith.constant 32 : i32
        %div3A_407 = arith.divsi %add3A_405, %jit3A_406 : i32
        %sign3A_408 = arith.constant 0 : i32
        %sign3A_409 = arith.cmpi sgt, %add3A_405, %sign3A_408 : i32
        %sign3A_410 = arith.extui %sign3A_409 : i1 to i32
        %sign3A_411 = arith.constant 0 : i32
        %sign3A_412 = arith.cmpi slt, %add3A_405, %sign3A_411 : i32
        %sign3A_413 = arith.extui %sign3A_412 : i1 to i32
        %sign3A_414 = arith.subi %sign3A_410, %sign3A_413 : i32
        %sign3A_415 = arith.constant 0 : i32
        %sign3A_416 = arith.cmpi sgt, %jit3A_406, %sign3A_415 : i32
        %sign3A_417 = arith.extui %sign3A_416 : i1 to i32
        %sign3A_418 = arith.constant 0 : i32
        %sign3A_419 = arith.cmpi slt, %jit3A_406, %sign3A_418 : i32
        %sign3A_420 = arith.extui %sign3A_419 : i1 to i32
        %sign3A_421 = arith.subi %sign3A_417, %sign3A_420 : i32
        %ne3A_422 = arith.cmpi ne, %sign3A_414, %sign3A_421 : i32
        %rem3A_423 = arith.remsi %add3A_405, %jit3A_406 : i32
        %ne3A_424 = arith.constant 0 : i32
        %ne3A_425 = arith.cmpi ne, %rem3A_423, %ne3A_424 : i32
        %and3A_426 = arith.andi %ne3A_422, %ne3A_425 : i1
        %sub3A_427 = arith.constant 1 : i32
        %sub3A_428 = arith.subi %div3A_407, %sub3A_427 : i32
        %select_n3A_429 = arith.select %and3A_426, %sub3A_428, %div3A_407 : i32
        %mul3A_430 = arith.constant 8 : i32
        %mul3A_431 = arith.muli %select_n3A_429, %mul3A_430 : i32
        %jit3A_432 = arith.constant 8 : i32
        %eq3A_433 = arith.constant 0 : i32
        %eq3A_434 = arith.cmpi eq, %jit3A_432, %eq3A_433 : i32
        %jit3A_435 = arith.constant 1 : i32
        %select_n3A_436 = arith.select %eq3A_434, %jit3A_435, %jit3A_432 : i32
        %rem3A_437 = arith.remsi %sub3A_378, %select_n3A_436 : i32
        %ne3A_438 = arith.constant 0 : i32
        %ne3A_439 = arith.cmpi ne, %rem3A_437, %ne3A_438 : i32
        %lt3A_440 = arith.constant 0 : i32
        %lt3A_441 = arith.cmpi slt, %rem3A_437, %lt3A_440 : i32
        %lt3A_442 = arith.constant 0 : i32
        %lt3A_443 = arith.cmpi slt, %select_n3A_436, %lt3A_442 : i32
        %ne3A_444 = arith.xori %lt3A_441, %lt3A_443 : i1
        %and3A_445 = arith.andi %ne3A_444, %ne3A_439 : i1
        %add3A_446 = arith.addi %rem3A_437, %select_n3A_436 : i32
        %select_n3A_447 = arith.select %and3A_445, %add3A_446, %rem3A_437 : i32
        %add3A_448 = arith.addi %mul3A_431, %select_n3A_447 : i32
        %jit3A_449 = arith.constant 32 : i32
        %eq3A_450 = arith.constant 0 : i32
        %eq3A_451 = arith.cmpi eq, %jit3A_449, %eq3A_450 : i32
        %jit3A_452 = arith.constant 1 : i32
        %select_n3A_453 = arith.select %eq3A_451, %jit3A_452, %jit3A_449 : i32
        %rem3A_454 = arith.remsi %add3A_405, %select_n3A_453 : i32
        %ne3A_455 = arith.constant 0 : i32
        %ne3A_456 = arith.cmpi ne, %rem3A_454, %ne3A_455 : i32
        %lt3A_457 = arith.constant 0 : i32
        %lt3A_458 = arith.cmpi slt, %rem3A_454, %lt3A_457 : i32
        %lt3A_459 = arith.constant 0 : i32
        %lt3A_460 = arith.cmpi slt, %select_n3A_453, %lt3A_459 : i32
        %ne3A_461 = arith.xori %lt3A_458, %lt3A_460 : i1
        %and3A_462 = arith.andi %ne3A_461, %ne3A_456 : i1
        %add3A_463 = arith.addi %rem3A_454, %select_n3A_453 : i32
        %select_n3A_464 = arith.select %and3A_462, %add3A_463, %rem3A_454 : i32
        %dma_wait3A_465 = arith.constant 0 : i32
        %dma_wait3A_466 = arith.constant 0 : i32
        %dma_wait3A_467 = arith.constant 0 : i32
        %dma_wait3A_468 = tpu.memref_slice %arg4[%add3A_448, %dma_wait3A_465, %select_n3A_464, %dma_wait3A_466, %dma_wait3A_467] : memref<200x8x32x8x128xf32, #tpu.memory_space<hbm>> -> memref<1x8x1x8x128xf32, #tpu.memory_space<hbm>>
        %dma_wait3A_469 = tpu.memref_squeeze %dma_wait3A_468 : memref<1x8x1x8x128xf32, #tpu.memory_space<hbm>> -> memref<8x8x128xf32, #tpu.memory_space<hbm>>
        %dma_wait3A_470 = arith.constant 0 : i32
        %dma_wait3A_471 = arith.constant 0 : i32
        %dma_wait3A_472 = arith.constant 0 : i32
        %dma_wait3A_473 = tpu.memref_slice %arg4[%add3A_448, %dma_wait3A_470, %select_n3A_464, %dma_wait3A_471, %dma_wait3A_472] : memref<200x8x32x8x128xf32, #tpu.memory_space<hbm>> -> memref<1x8x1x8x128xf32, #tpu.memory_space<hbm>>
        %dma_wait3A_474 = tpu.memref_squeeze %dma_wait3A_473 : memref<1x8x1x8x128xf32, #tpu.memory_space<hbm>> -> memref<8x8x128xf32, #tpu.memory_space<hbm>>
        tpu.wait_dma2 semaphore(%arg11 : memref<!tpu.dma_semaphore, #tpu.memory_space<semaphore_mem>>) src(%arg8 : memref<8x8x128xf32, #tpu.memory_space<vmem>>) dst(%dma_wait3A_474 : memref<8x8x128xf32, #tpu.memory_space<hbm>>)
      } else {
      }
      %parallel_loop3A = arith.constant 0 : i32
      %parallel_loop3A_161 = arith.constant 16 : i32
      %parallel_loop3A_162 = arith.constant 1 : i32
      scf.for %parallel_loop3A_377 = %parallel_loop3A to %parallel_loop3A_161 step %parallel_loop3A_162  : i32 {
        %parallel_loop3A_378 = vector.broadcast %parallel_loop3A_377 : i32 to vector<16xi32>
        %parallel_loop3A_379 = arith.addi %iota3A, %parallel_loop3A_378 : vector<16xi32>
        %parallel_loop3A_380 = arith.constant 15 : i32
        %parallel_loop3A_381 = vector.broadcast %parallel_loop3A_380 : i32 to vector<16xi32>
        %parallel_loop3A_382 = arith.andi %parallel_loop3A_379, %parallel_loop3A_381 : vector<16xi32>
        %parallel_loop3A_383 = arith.constant 3 : i32
        %parallel_loop3A_384 = vector.broadcast %parallel_loop3A_383 : i32 to vector<16xi32>
        %parallel_loop3A_385 = arith.shrsi %parallel_loop3A_382, %parallel_loop3A_384 : vector<16xi32>
        %parallel_loop3A_386 = arith.constant 7 : i32
        %parallel_loop3A_387 = vector.broadcast %parallel_loop3A_386 : i32 to vector<16xi32>
        %parallel_loop3A_388 = arith.andi %parallel_loop3A_382, %parallel_loop3A_387 : vector<16xi32>
        %parallel_loop3A_389 = arith.constant 0 : i32
        %parallel_loop3A_390 = vector.broadcast %parallel_loop3A_389 : i32 to vector<16xi32>
        %parallel_loop3A_391 = arith.addi %parallel_loop3A_382, %parallel_loop3A_390 : vector<16xi32>
        %parallel_loop3A_392 = arith.constant 0 : i32
        %parallel_loop3A_393 = vector.broadcast %parallel_loop3A_392 : i32 to vector<16xi32>
        %parallel_loop3A_394 = arith.addi %parallel_loop3A_385, %parallel_loop3A_393 : vector<16xi32>
        %parallel_loop3A_395 = tpu.vector_load_idx %arg6[%add3A_5, %parallel_loop3A_391] : memref<128x128xf32, #tpu.memory_space<vmem>>[vector<16xi32>, vector<16xi32>], vector<16xf32>,
        tpu.vector_store_idx %arg8[%parallel_loop3A_394, %parallel_loop3A_388, %add3A_5], %parallel_loop3A_395 : memref<8x8x128xf32, #tpu.memory_space<vmem>>[vector<16xi32>, vector<16xi32>, vector<16xi32>], vector<16xf32>,
        %parallel_loop3A_396 = tpu.vector_load_idx %arg6[%add3A_8, %parallel_loop3A_391] : memref<128x128xf32, #tpu.memory_space<vmem>>[vector<16xi32>, vector<16xi32>], vector<16xf32>,
        tpu.vector_store_idx %arg8[%parallel_loop3A_394, %parallel_loop3A_388, %add3A_8], %parallel_loop3A_396 : memref<8x8x128xf32, #tpu.memory_space<vmem>>[vector<16xi32>, vector<16xi32>, vector<16xi32>], vector<16xf32>,
        %parallel_loop3A_397 = tpu.vector_load_idx %arg6[%add3A_11, %parallel_loop3A_391] : memref<128x128xf32, #tpu.memory_space<vmem>>[vector<16xi32>, vector<16xi32>], vector<16xf32>,
        tpu.vector_store_idx %arg8[%parallel_loop3A_394, %parallel_loop3A_388, %add3A_11], %parallel_loop3A_397 : memref<8x8x128xf32, #tpu.memory_space<vmem>>[vector<16xi32>, vector<16xi32>, vector<16xi32>], vector<16xf32>,
        %parallel_loop3A_398 = tpu.vector_load_idx %arg6[%add3A_14, %parallel_loop3A_391] : memref<128x128xf32, #tpu.memory_space<vmem>>[vector<16xi32>, vector<16xi32>], vector<16xf32>,
        tpu.vector_store_idx %arg8[%parallel_loop3A_394, %parallel_loop3A_388, %add3A_14], %parallel_loop3A_398 : memref<8x8x128xf32, #tpu.memory_space<vmem>>[vector<16xi32>, vector<16xi32>, vector<16xi32>], vector<16xf32>,
        %parallel_loop3A_399 = tpu.vector_load_idx %arg6[%add3A_17, %parallel_loop3A_391] : memref<128x128xf32, #tpu.memory_space<vmem>>[vector<16xi32>, vector<16xi32>], vector<16xf32>,
        tpu.vector_store_idx %arg8[%parallel_loop3A_394, %parallel_loop3A_388, %add3A_17], %parallel_loop3A_399 : memref<8x8x128xf32, #tpu.memory_space<vmem>>[vector<16xi32>, vector<16xi32>, vector<16xi32>], vector<16xf32>,
        %parallel_loop3A_400 = tpu.vector_load_idx %arg6[%add3A_20, %parallel_loop3A_391] : memref<128x128xf32, #tpu.memory_space<vmem>>[vector<16xi32>, vector<16xi32>], vector<16xf32>,
        tpu.vector_store_idx %arg8[%parallel_loop3A_394, %parallel_loop3A_388, %add3A_20], %parallel_loop3A_400 : memref<8x8x128xf32, #tpu.memory_space<vmem>>[vector<16xi32>, vector<16xi32>, vector<16xi32>], vector<16xf32>,
        %parallel_loop3A_401 = tpu.vector_load_idx %arg6[%add3A_23, %parallel_loop3A_391] : memref<128x128xf32, #tpu.memory_space<vmem>>[vector<16xi32>, vector<16xi32>], vector<16xf32>,
        tpu.vector_store_idx %arg8[%parallel_loop3A_394, %parallel_loop3A_388, %add3A_23], %parallel_loop3A_401 : memref<8x8x128xf32, #tpu.memory_space<vmem>>[vector<16xi32>, vector<16xi32>, vector<16xi32>], vector<16xf32>,
        %parallel_loop3A_402 = tpu.vector_load_idx %arg6[%add3A_26, %parallel_loop3A_391] : memref<128x128xf32, #tpu.memory_space<vmem>>[vector<16xi32>, vector<16xi32>], vector<16xf32>,
        tpu.vector_store_idx %arg8[%parallel_loop3A_394, %parallel_loop3A_388, %add3A_26], %parallel_loop3A_402 : memref<8x8x128xf32, #tpu.memory_space<vmem>>[vector<16xi32>, vector<16xi32>, vector<16xi32>], vector<16xf32>,
        %parallel_loop3A_403 = arith.constant 16 : i32
        %parallel_loop3A_404 = vector.broadcast %parallel_loop3A_403 : i32 to vector<16xi32>
        %parallel_loop3A_405 = arith.addi %parallel_loop3A_382, %parallel_loop3A_404 : vector<16xi32>
        %parallel_loop3A_406 = arith.constant 2 : i32
        %parallel_loop3A_407 = vector.broadcast %parallel_loop3A_406 : i32 to vector<16xi32>
        %parallel_loop3A_408 = arith.addi %parallel_loop3A_385, %parallel_loop3A_407 : vector<16xi32>
        %parallel_loop3A_409 = tpu.vector_load_idx %arg6[%add3A_5, %parallel_loop3A_405] : memref<128x128xf32, #tpu.memory_space<vmem>>[vector<16xi32>, vector<16xi32>], vector<16xf32>,
        tpu.vector_store_idx %arg8[%parallel_loop3A_408, %parallel_loop3A_388, %add3A_5], %parallel_loop3A_409 : memref<8x8x128xf32, #tpu.memory_space<vmem>>[vector<16xi32>, vector<16xi32>, vector<16xi32>], vector<16xf32>,
        %parallel_loop3A_410 = tpu.vector_load_idx %arg6[%add3A_8, %parallel_loop3A_405] : memref<128x128xf32, #tpu.memory_space<vmem>>[vector<16xi32>, vector<16xi32>], vector<16xf32>,
        tpu.vector_store_idx %arg8[%parallel_loop3A_408, %parallel_loop3A_388, %add3A_8], %parallel_loop3A_410 : memref<8x8x128xf32, #tpu.memory_space<vmem>>[vector<16xi32>, vector<16xi32>, vector<16xi32>], vector<16xf32>,
        %parallel_loop3A_411 = tpu.vector_load_idx %arg6[%add3A_11, %parallel_loop3A_405] : memref<128x128xf32, #tpu.memory_space<vmem>>[vector<16xi32>, vector<16xi32>], vector<16xf32>,
        tpu.vector_store_idx %arg8[%parallel_loop3A_408, %parallel_loop3A_388, %add3A_11], %parallel_loop3A_411 : memref<8x8x128xf32, #tpu.memory_space<vmem>>[vector<16xi32>, vector<16xi32>, vector<16xi32>], vector<16xf32>,
        %parallel_loop3A_412 = tpu.vector_load_idx %arg6[%add3A_14, %parallel_loop3A_405] : memref<128x128xf32, #tpu.memory_space<vmem>>[vector<16xi32>, vector<16xi32>], vector<16xf32>,
        tpu.vector_store_idx %arg8[%parallel_loop3A_408, %parallel_loop3A_388, %add3A_14], %parallel_loop3A_412 : memref<8x8x128xf32, #tpu.memory_space<vmem>>[vector<16xi32>, vector<16xi32>, vector<16xi32>], vector<16xf32>,
        %parallel_loop3A_413 = tpu.vector_load_idx %arg6[%add3A_17, %parallel_loop3A_405] : memref<128x128xf32, #tpu.memory_space<vmem>>[vector<16xi32>, vector<16xi32>], vector<16xf32>,
        tpu.vector_store_idx %arg8[%parallel_loop3A_408, %parallel_loop3A_388, %add3A_17], %parallel_loop3A_413 : memref<8x8x128xf32, #tpu.memory_space<vmem>>[vector<16xi32>, vector<16xi32>, vector<16xi32>], vector<16xf32>,
        %parallel_loop3A_414 = tpu.vector_load_idx %arg6[%add3A_20, %parallel_loop3A_405] : memref<128x128xf32, #tpu.memory_space<vmem>>[vector<16xi32>, vector<16xi32>], vector<16xf32>,
        tpu.vector_store_idx %arg8[%parallel_loop3A_408, %parallel_loop3A_388, %add3A_20], %parallel_loop3A_414 : memref<8x8x128xf32, #tpu.memory_space<vmem>>[vector<16xi32>, vector<16xi32>, vector<16xi32>], vector<16xf32>,
        %parallel_loop3A_415 = tpu.vector_load_idx %arg6[%add3A_23, %parallel_loop3A_405] : memref<128x128xf32, #tpu.memory_space<vmem>>[vector<16xi32>, vector<16xi32>], vector<16xf32>,
        tpu.vector_store_idx %arg8[%parallel_loop3A_408, %parallel_loop3A_388, %add3A_23], %parallel_loop3A_415 : memref<8x8x128xf32, #tpu.memory_space<vmem>>[vector<16xi32>, vector<16xi32>, vector<16xi32>], vector<16xf32>,
        %parallel_loop3A_416 = tpu.vector_load_idx %arg6[%add3A_26, %parallel_loop3A_405] : memref<128x128xf32, #tpu.memory_space<vmem>>[vector<16xi32>, vector<16xi32>], vector<16xf32>,
        tpu.vector_store_idx %arg8[%parallel_loop3A_408, %parallel_loop3A_388, %add3A_26], %parallel_loop3A_416 : memref<8x8x128xf32, #tpu.memory_space<vmem>>[vector<16xi32>, vector<16xi32>, vector<16xi32>], vector<16xf32>,
        %parallel_loop3A_417 = arith.constant 32 : i32
        %parallel_loop3A_418 = vector.broadcast %parallel_loop3A_417 : i32 to vector<16xi32>
        %parallel_loop3A_419 = arith.addi %parallel_loop3A_382, %parallel_loop3A_418 : vector<16xi32>
        %parallel_loop3A_420 = arith.constant 4 : i32
        %parallel_loop3A_421 = vector.broadcast %parallel_loop3A_420 : i32 to vector<16xi32>
        %parallel_loop3A_422 = arith.addi %parallel_loop3A_385, %parallel_loop3A_421 : vector<16xi32>
        %parallel_loop3A_423 = tpu.vector_load_idx %arg6[%add3A_5, %parallel_loop3A_419] : memref<128x128xf32, #tpu.memory_space<vmem>>[vector<16xi32>, vector<16xi32>], vector<16xf32>,
        tpu.vector_store_idx %arg8[%parallel_loop3A_422, %parallel_loop3A_388, %add3A_5], %parallel_loop3A_423 : memref<8x8x128xf32, #tpu.memory_space<vmem>>[vector<16xi32>, vector<16xi32>, vector<16xi32>], vector<16xf32>,
        %parallel_loop3A_424 = tpu.vector_load_idx %arg6[%add3A_8, %parallel_loop3A_419] : memref<128x128xf32, #tpu.memory_space<vmem>>[vector<16xi32>, vector<16xi32>], vector<16xf32>,
        tpu.vector_store_idx %arg8[%parallel_loop3A_422, %parallel_loop3A_388, %add3A_8], %parallel_loop3A_424 : memref<8x8x128xf32, #tpu.memory_space<vmem>>[vector<16xi32>, vector<16xi32>, vector<16xi32>], vector<16xf32>,
        %parallel_loop3A_425 = tpu.vector_load_idx %arg6[%add3A_11, %parallel_loop3A_419] : memref<128x128xf32, #tpu.memory_space<vmem>>[vector<16xi32>, vector<16xi32>], vector<16xf32>,
        tpu.vector_store_idx %arg8[%parallel_loop3A_422, %parallel_loop3A_388, %add3A_11], %parallel_loop3A_425 : memref<8x8x128xf32, #tpu.memory_space<vmem>>[vector<16xi32>, vector<16xi32>, vector<16xi32>], vector<16xf32>,
        %parallel_loop3A_426 = tpu.vector_load_idx %arg6[%add3A_14, %parallel_loop3A_419] : memref<128x128xf32, #tpu.memory_space<vmem>>[vector<16xi32>, vector<16xi32>], vector<16xf32>,
        tpu.vector_store_idx %arg8[%parallel_loop3A_422, %parallel_loop3A_388, %add3A_14], %parallel_loop3A_426 : memref<8x8x128xf32, #tpu.memory_space<vmem>>[vector<16xi32>, vector<16xi32>, vector<16xi32>], vector<16xf32>,
        %parallel_loop3A_427 = tpu.vector_load_idx %arg6[%add3A_17, %parallel_loop3A_419] : memref<128x128xf32, #tpu.memory_space<vmem>>[vector<16xi32>, vector<16xi32>], vector<16xf32>,
        tpu.vector_store_idx %arg8[%parallel_loop3A_422, %parallel_loop3A_388, %add3A_17], %parallel_loop3A_427 : memref<8x8x128xf32, #tpu.memory_space<vmem>>[vector<16xi32>, vector<16xi32>, vector<16xi32>], vector<16xf32>,
        %parallel_loop3A_428 = tpu.vector_load_idx %arg6[%add3A_20, %parallel_loop3A_419] : memref<128x128xf32, #tpu.memory_space<vmem>>[vector<16xi32>, vector<16xi32>], vector<16xf32>,
        tpu.vector_store_idx %arg8[%parallel_loop3A_422, %parallel_loop3A_388, %add3A_20], %parallel_loop3A_428 : memref<8x8x128xf32, #tpu.memory_space<vmem>>[vector<16xi32>, vector<16xi32>, vector<16xi32>], vector<16xf32>,
        %parallel_loop3A_429 = tpu.vector_load_idx %arg6[%add3A_23, %parallel_loop3A_419] : memref<128x128xf32, #tpu.memory_space<vmem>>[vector<16xi32>, vector<16xi32>], vector<16xf32>,
        tpu.vector_store_idx %arg8[%parallel_loop3A_422, %parallel_loop3A_388, %add3A_23], %parallel_loop3A_429 : memref<8x8x128xf32, #tpu.memory_space<vmem>>[vector<16xi32>, vector<16xi32>, vector<16xi32>], vector<16xf32>,
        %parallel_loop3A_430 = tpu.vector_load_idx %arg6[%add3A_26, %parallel_loop3A_419] : memref<128x128xf32, #tpu.memory_space<vmem>>[vector<16xi32>, vector<16xi32>], vector<16xf32>,
        tpu.vector_store_idx %arg8[%parallel_loop3A_422, %parallel_loop3A_388, %add3A_26], %parallel_loop3A_430 : memref<8x8x128xf32, #tpu.memory_space<vmem>>[vector<16xi32>, vector<16xi32>, vector<16xi32>], vector<16xf32>,
        %parallel_loop3A_431 = arith.constant 48 : i32
        %parallel_loop3A_432 = vector.broadcast %parallel_loop3A_431 : i32 to vector<16xi32>
        %parallel_loop3A_433 = arith.addi %parallel_loop3A_382, %parallel_loop3A_432 : vector<16xi32>
        %parallel_loop3A_434 = arith.constant 6 : i32
        %parallel_loop3A_435 = vector.broadcast %parallel_loop3A_434 : i32 to vector<16xi32>
        %parallel_loop3A_436 = arith.addi %parallel_loop3A_385, %parallel_loop3A_435 : vector<16xi32>
        %parallel_loop3A_437 = tpu.vector_load_idx %arg6[%add3A_5, %parallel_loop3A_433] : memref<128x128xf32, #tpu.memory_space<vmem>>[vector<16xi32>, vector<16xi32>], vector<16xf32>,
        tpu.vector_store_idx %arg8[%parallel_loop3A_436, %parallel_loop3A_388, %add3A_5], %parallel_loop3A_437 : memref<8x8x128xf32, #tpu.memory_space<vmem>>[vector<16xi32>, vector<16xi32>, vector<16xi32>], vector<16xf32>,
        %parallel_loop3A_438 = tpu.vector_load_idx %arg6[%add3A_8, %parallel_loop3A_433] : memref<128x128xf32, #tpu.memory_space<vmem>>[vector<16xi32>, vector<16xi32>], vector<16xf32>,
        tpu.vector_store_idx %arg8[%parallel_loop3A_436, %parallel_loop3A_388, %add3A_8], %parallel_loop3A_438 : memref<8x8x128xf32, #tpu.memory_space<vmem>>[vector<16xi32>, vector<16xi32>, vector<16xi32>], vector<16xf32>,
        %parallel_loop3A_439 = tpu.vector_load_idx %arg6[%add3A_11, %parallel_loop3A_433] : memref<128x128xf32, #tpu.memory_space<vmem>>[vector<16xi32>, vector<16xi32>], vector<16xf32>,
        tpu.vector_store_idx %arg8[%parallel_loop3A_436, %parallel_loop3A_388, %add3A_11], %parallel_loop3A_439 : memref<8x8x128xf32, #tpu.memory_space<vmem>>[vector<16xi32>, vector<16xi32>, vector<16xi32>], vector<16xf32>,
        %parallel_loop3A_440 = tpu.vector_load_idx %arg6[%add3A_14, %parallel_loop3A_433] : memref<128x128xf32, #tpu.memory_space<vmem>>[vector<16xi32>, vector<16xi32>], vector<16xf32>,
        tpu.vector_store_idx %arg8[%parallel_loop3A_436, %parallel_loop3A_388, %add3A_14], %parallel_loop3A_440 : memref<8x8x128xf32, #tpu.memory_space<vmem>>[vector<16xi32>, vector<16xi32>, vector<16xi32>], vector<16xf32>,
        %parallel_loop3A_441 = tpu.vector_load_idx %arg6[%add3A_17, %parallel_loop3A_433] : memref<128x128xf32, #tpu.memory_space<vmem>>[vector<16xi32>, vector<16xi32>], vector<16xf32>,
        tpu.vector_store_idx %arg8[%parallel_loop3A_436, %parallel_loop3A_388, %add3A_17], %parallel_loop3A_441 : memref<8x8x128xf32, #tpu.memory_space<vmem>>[vector<16xi32>, vector<16xi32>, vector<16xi32>], vector<16xf32>,
        %parallel_loop3A_442 = tpu.vector_load_idx %arg6[%add3A_20, %parallel_loop3A_433] : memref<128x128xf32, #tpu.memory_space<vmem>>[vector<16xi32>, vector<16xi32>], vector<16xf32>,
        tpu.vector_store_idx %arg8[%parallel_loop3A_436, %parallel_loop3A_388, %add3A_20], %parallel_loop3A_442 : memref<8x8x128xf32, #tpu.memory_space<vmem>>[vector<16xi32>, vector<16xi32>, vector<16xi32>], vector<16xf32>,
        %parallel_loop3A_443 = tpu.vector_load_idx %arg6[%add3A_23, %parallel_loop3A_433] : memref<128x128xf32, #tpu.memory_space<vmem>>[vector<16xi32>, vector<16xi32>], vector<16xf32>,
        tpu.vector_store_idx %arg8[%parallel_loop3A_436, %parallel_loop3A_388, %add3A_23], %parallel_loop3A_443 : memref<8x8x128xf32, #tpu.memory_space<vmem>>[vector<16xi32>, vector<16xi32>, vector<16xi32>], vector<16xf32>,
        %parallel_loop3A_444 = tpu.vector_load_idx %arg6[%add3A_26, %parallel_loop3A_433] : memref<128x128xf32, #tpu.memory_space<vmem>>[vector<16xi32>, vector<16xi32>], vector<16xf32>,
        tpu.vector_store_idx %arg8[%parallel_loop3A_436, %parallel_loop3A_388, %add3A_26], %parallel_loop3A_444 : memref<8x8x128xf32, #tpu.memory_space<vmem>>[vector<16xi32>, vector<16xi32>, vector<16xi32>], vector<16xf32>,
      } {sc.loop_unroll_factor = 2 : i64, sc.parallel_access}
      %mul3A_163 = arith.constant 25 : i32
      %mul3A_164 = arith.muli %add3A, %mul3A_163 : i32
      %jit3A_165 = arith.constant 8 : i32
      %div3A_166 = arith.divsi %add3A_146, %jit3A_165 : i32
      %sign3A_167 = arith.constant 0 : i32
      %sign3A_168 = arith.cmpi sgt, %add3A_146, %sign3A_167 : i32
      %sign3A_169 = arith.extui %sign3A_168 : i1 to i32
      %sign3A_170 = arith.constant 0 : i32
      %sign3A_171 = arith.cmpi slt, %add3A_146, %sign3A_170 : i32
      %sign3A_172 = arith.extui %sign3A_171 : i1 to i32
      %sign3A_173 = arith.subi %sign3A_169, %sign3A_172 : i32
      %sign3A_174 = arith.constant 0 : i32
      %sign3A_175 = arith.cmpi sgt, %jit3A_165, %sign3A_174 : i32
      %sign3A_176 = arith.extui %sign3A_175 : i1 to i32
      %sign3A_177 = arith.constant 0 : i32
      %sign3A_178 = arith.cmpi slt, %jit3A_165, %sign3A_177 : i32
      %sign3A_179 = arith.extui %sign3A_178 : i1 to i32
      %sign3A_180 = arith.subi %sign3A_176, %sign3A_179 : i32
      %ne3A_181 = arith.cmpi ne, %sign3A_173, %sign3A_180 : i32
      %rem3A_182 = arith.remsi %add3A_146, %jit3A_165 : i32
      %ne3A_183 = arith.constant 0 : i32
      %ne3A_184 = arith.cmpi ne, %rem3A_182, %ne3A_183 : i32
      %and3A_185 = arith.andi %ne3A_181, %ne3A_184 : i1
      %sub3A_186 = arith.constant 1 : i32
      %sub3A_187 = arith.subi %div3A_166, %sub3A_186 : i32
      %select_n3A_188 = arith.select %and3A_185, %sub3A_187, %div3A_166 : i32
      %add3A_189 = arith.addi %mul3A_164, %select_n3A_188 : i32
      %jit3A_190 = arith.constant 32 : i32
      %div3A_191 = arith.divsi %add3A_189, %jit3A_190 : i32
      %sign3A_192 = arith.constant 0 : i32
      %sign3A_193 = arith.cmpi sgt, %add3A_189, %sign3A_192 : i32
      %sign3A_194 = arith.extui %sign3A_193 : i1 to i32
      %sign3A_195 = arith.constant 0 : i32
      %sign3A_196 = arith.cmpi slt, %add3A_189, %sign3A_195 : i32
      %sign3A_197 = arith.extui %sign3A_196 : i1 to i32
      %sign3A_198 = arith.subi %sign3A_194, %sign3A_197 : i32
      %sign3A_199 = arith.constant 0 : i32
      %sign3A_200 = arith.cmpi sgt, %jit3A_190, %sign3A_199 : i32
      %sign3A_201 = arith.extui %sign3A_200 : i1 to i32
      %sign3A_202 = arith.constant 0 : i32
      %sign3A_203 = arith.cmpi slt, %jit3A_190, %sign3A_202 : i32
      %sign3A_204 = arith.extui %sign3A_203 : i1 to i32
      %sign3A_205 = arith.subi %sign3A_201, %sign3A_204 : i32
      %ne3A_206 = arith.cmpi ne, %sign3A_198, %sign3A_205 : i32
      %rem3A_207 = arith.remsi %add3A_189, %jit3A_190 : i32
      %ne3A_208 = arith.constant 0 : i32
      %ne3A_209 = arith.cmpi ne, %rem3A_207, %ne3A_208 : i32
      %and3A_210 = arith.andi %ne3A_206, %ne3A_209 : i1
      %sub3A_211 = arith.constant 1 : i32
      %sub3A_212 = arith.subi %div3A_191, %sub3A_211 : i32
      %select_n3A_213 = arith.select %and3A_210, %sub3A_212, %div3A_191 : i32
      %mul3A_214 = arith.constant 8 : i32
      %mul3A_215 = arith.muli %select_n3A_213, %mul3A_214 : i32
      %jit3A_216 = arith.constant 8 : i32
      %eq3A_217 = arith.constant 0 : i32
      %eq3A_218 = arith.cmpi eq, %jit3A_216, %eq3A_217 : i32
      %jit3A_219 = arith.constant 1 : i32
      %select_n3A_220 = arith.select %eq3A_218, %jit3A_219, %jit3A_216 : i32
      %rem3A_221 = arith.remsi %add3A_146, %select_n3A_220 : i32
      %ne3A_222 = arith.constant 0 : i32
      %ne3A_223 = arith.cmpi ne, %rem3A_221, %ne3A_222 : i32
      %lt3A_224 = arith.constant 0 : i32
      %lt3A_225 = arith.cmpi slt, %rem3A_221, %lt3A_224 : i32
      %lt3A_226 = arith.constant 0 : i32
      %lt3A_227 = arith.cmpi slt, %select_n3A_220, %lt3A_226 : i32
      %ne3A_228 = arith.xori %lt3A_225, %lt3A_227 : i1
      %and3A_229 = arith.andi %ne3A_228, %ne3A_223 : i1
      %add3A_230 = arith.addi %rem3A_221, %select_n3A_220 : i32
      %select_n3A_231 = arith.select %and3A_229, %add3A_230, %rem3A_221 : i32
      %add3A_232 = arith.addi %mul3A_215, %select_n3A_231 : i32
      %jit3A_233 = arith.constant 32 : i32
      %eq3A_234 = arith.constant 0 : i32
      %eq3A_235 = arith.cmpi eq, %jit3A_233, %eq3A_234 : i32
      %jit3A_236 = arith.constant 1 : i32
      %select_n3A_237 = arith.select %eq3A_235, %jit3A_236, %jit3A_233 : i32
      %rem3A_238 = arith.remsi %add3A_189, %select_n3A_237 : i32
      %ne3A_239 = arith.constant 0 : i32
      %ne3A_240 = arith.cmpi ne, %rem3A_238, %ne3A_239 : i32
      %lt3A_241 = arith.constant 0 : i32
      %lt3A_242 = arith.cmpi slt, %rem3A_238, %lt3A_241 : i32
      %lt3A_243 = arith.constant 0 : i32
      %lt3A_244 = arith.cmpi slt, %select_n3A_237, %lt3A_243 : i32
      %ne3A_245 = arith.xori %lt3A_242, %lt3A_244 : i1
      %and3A_246 = arith.andi %ne3A_245, %ne3A_240 : i1
      %add3A_247 = arith.addi %rem3A_238, %select_n3A_237 : i32
      %select_n3A_248 = arith.select %and3A_246, %add3A_247, %rem3A_238 : i32
      %dma_start3A_249 = arith.constant 0 : i32
      %dma_start3A_250 = arith.constant 0 : i32
      %dma_start3A_251 = arith.constant 0 : i32
      %dma_start3A_252 = tpu.memref_slice %arg4[%add3A_232, %dma_start3A_249, %select_n3A_248, %dma_start3A_250, %dma_start3A_251] : memref<200x8x32x8x128xf32, #tpu.memory_space<hbm>> -> memref<1x8x1x8x128xf32, #tpu.memory_space<hbm>>
      %dma_start3A_253 = tpu.memref_squeeze %dma_start3A_252 : memref<1x8x1x8x128xf32, #tpu.memory_space<hbm>> -> memref<8x8x128xf32, #tpu.memory_space<hbm>>
      %dma_start3A_254 = arith.constant 0 : i32
      %dma_start3A_255 = arith.constant 0 : i32
      %dma_start3A_256 = arith.constant 0 : i32
      %dma_start3A_257 = tpu.memref_slice %arg4[%add3A_232, %dma_start3A_254, %select_n3A_248, %dma_start3A_255, %dma_start3A_256] : memref<200x8x32x8x128xf32, #tpu.memory_space<hbm>> -> memref<1x8x1x8x128xf32, #tpu.memory_space<hbm>>
      %dma_start3A_258 = tpu.memref_squeeze %dma_start3A_257 : memref<1x8x1x8x128xf32, #tpu.memory_space<hbm>> -> memref<8x8x128xf32, #tpu.memory_space<hbm>>
      tpu.enqueue_dma source(%arg8 : memref<8x8x128xf32, #tpu.memory_space<vmem>>) target(%dma_start3A_258 : memref<8x8x128xf32, #tpu.memory_space<hbm>>) target_semaphore(%arg11 : memref<!tpu.dma_semaphore, #tpu.memory_space<semaphore_mem>>)
      %add3A_259 = arith.constant 1 : i32
      %add3A_260 = arith.addi %add3A_144, %add3A_259 : i32
      %add3A_261 = arith.constant 1 : i32
      %add3A_262 = arith.addi %add3A_260, %add3A_261 : i32
      %lt3A_263 = arith.constant 200 : i32
      %lt3A_264 = arith.cmpi slt, %add3A_262, %lt3A_263 : i32
      %convert_element_type3A_265 = arith.extui %lt3A_264 : i1 to i32
      %cond3A_266 = arith.constant 0 : i32
      %cond3A_267 = arith.cmpi ne, %convert_element_type3A_265, %cond3A_266 : i32
      scf.if %cond3A_267 {
        %add3A_377 = arith.constant 1 : i32
        %add3A_378 = arith.addi %add3A_260, %add3A_377 : i32
        %mul3A_379 = arith.constant 128 : i32
        %mul3A_380 = arith.muli %add3A_378, %mul3A_379 : i32
        %dma_start3A_381 = tpu.memref_slice %arg5[%mul3A_380] : memref<25600xi32, #tpu.memory_space<vmem>> -> memref<128xi32, #tpu.memory_space<vmem>>
        %dma_start3A_382 = arith.constant 0 : i32
        %dma_start3A_383 = arith.constant 0 : i32
        %dma_start3A_384 = tpu.memref_slice %arg3[%dma_start3A_382, %dma_start3A_383] : memref<1000000x128xf32, #tpu.memory_space<hbm>> -> memref<1000000x128xf32, #tpu.memory_space<hbm>>
        tpu.enqueue_indirect_dma source(%dma_start3A_384 : memref<1000000x128xf32, #tpu.memory_space<hbm>>) target(%arg6 : memref<128x128xf32, #tpu.memory_space<vmem>>) offsets(%dma_start3A_381 : memref<128xi32, #tpu.memory_space<vmem>>) semaphore(%arg10 : memref<!tpu.dma_semaphore, #tpu.memory_space<semaphore_mem>>)
      } else {
      }
      %dma_wait3A_268 = arith.constant 0 : i32
      %dma_wait3A_269 = tpu.memref_slice %arg5[%dma_wait3A_268] : memref<25600xi32, #tpu.memory_space<vmem>> -> memref<128xi32, #tpu.memory_space<vmem>>
      %dma_wait3A_270 = arith.constant 0 : i32
      %dma_wait3A_271 = arith.constant 0 : i32
      %dma_wait3A_272 = tpu.memref_slice %arg3[%dma_wait3A_270, %dma_wait3A_271] : memref<1000000x128xf32, #tpu.memory_space<hbm>> -> memref<1000000x128xf32, #tpu.memory_space<hbm>>
      tpu.wait_indirect_dma semaphore(%arg10 : memref<!tpu.dma_semaphore, #tpu.memory_space<semaphore_mem>>) src(%dma_wait3A_272 : memref<1000000x128xf32, #tpu.memory_space<hbm>>) dst(%arg7 : memref<128x128xf32, #tpu.memory_space<vmem>>)
      %ge3A_273 = arith.constant 2 : i32
      %ge3A_274 = arith.cmpi sge, %add3A_260, %ge3A_273 : i32
      %convert_element_type3A_275 = arith.extui %ge3A_274 : i1 to i32
      %cond3A_276 = arith.constant 0 : i32
      %cond3A_277 = arith.cmpi ne, %convert_element_type3A_275, %cond3A_276 : i32
      scf.if %cond3A_277 {
        %sub3A_377 = arith.constant 2 : i32
        %sub3A_378 = arith.subi %add3A_260, %sub3A_377 : i32
        %mul3A_379 = arith.constant 25 : i32
        %mul3A_380 = arith.muli %add3A, %mul3A_379 : i32
        %jit3A_381 = arith.constant 8 : i32
        %div3A_382 = arith.divsi %sub3A_378, %jit3A_381 : i32
        %sign3A_383 = arith.constant 0 : i32
        %sign3A_384 = arith.cmpi sgt, %sub3A_378, %sign3A_383 : i32
        %sign3A_385 = arith.extui %sign3A_384 : i1 to i32
        %sign3A_386 = arith.constant 0 : i32
        %sign3A_387 = arith.cmpi slt, %sub3A_378, %sign3A_386 : i32
        %sign3A_388 = arith.extui %sign3A_387 : i1 to i32
        %sign3A_389 = arith.subi %sign3A_385, %sign3A_388 : i32
        %sign3A_390 = arith.constant 0 : i32
        %sign3A_391 = arith.cmpi sgt, %jit3A_381, %sign3A_390 : i32
        %sign3A_392 = arith.extui %sign3A_391 : i1 to i32
        %sign3A_393 = arith.constant 0 : i32
        %sign3A_394 = arith.cmpi slt, %jit3A_381, %sign3A_393 : i32
        %sign3A_395 = arith.extui %sign3A_394 : i1 to i32
        %sign3A_396 = arith.subi %sign3A_392, %sign3A_395 : i32
        %ne3A_397 = arith.cmpi ne, %sign3A_389, %sign3A_396 : i32
        %rem3A_398 = arith.remsi %sub3A_378, %jit3A_381 : i32
        %ne3A_399 = arith.constant 0 : i32
        %ne3A_400 = arith.cmpi ne, %rem3A_398, %ne3A_399 : i32
        %and3A_401 = arith.andi %ne3A_397, %ne3A_400 : i1
        %sub3A_402 = arith.constant 1 : i32
        %sub3A_403 = arith.subi %div3A_382, %sub3A_402 : i32
        %select_n3A_404 = arith.select %and3A_401, %sub3A_403, %div3A_382 : i32
        %add3A_405 = arith.addi %mul3A_380, %select_n3A_404 : i32
        %jit3A_406 = arith.constant 32 : i32
        %div3A_407 = arith.divsi %add3A_405, %jit3A_406 : i32
        %sign3A_408 = arith.constant 0 : i32
        %sign3A_409 = arith.cmpi sgt, %add3A_405, %sign3A_408 : i32
        %sign3A_410 = arith.extui %sign3A_409 : i1 to i32
        %sign3A_411 = arith.constant 0 : i32
        %sign3A_412 = arith.cmpi slt, %add3A_405, %sign3A_411 : i32
        %sign3A_413 = arith.extui %sign3A_412 : i1 to i32
        %sign3A_414 = arith.subi %sign3A_410, %sign3A_413 : i32
        %sign3A_415 = arith.constant 0 : i32
        %sign3A_416 = arith.cmpi sgt, %jit3A_406, %sign3A_415 : i32
        %sign3A_417 = arith.extui %sign3A_416 : i1 to i32
        %sign3A_418 = arith.constant 0 : i32
        %sign3A_419 = arith.cmpi slt, %jit3A_406, %sign3A_418 : i32
        %sign3A_420 = arith.extui %sign3A_419 : i1 to i32
        %sign3A_421 = arith.subi %sign3A_417, %sign3A_420 : i32
        %ne3A_422 = arith.cmpi ne, %sign3A_414, %sign3A_421 : i32
        %rem3A_423 = arith.remsi %add3A_405, %jit3A_406 : i32
        %ne3A_424 = arith.constant 0 : i32
        %ne3A_425 = arith.cmpi ne, %rem3A_423, %ne3A_424 : i32
        %and3A_426 = arith.andi %ne3A_422, %ne3A_425 : i1
        %sub3A_427 = arith.constant 1 : i32
        %sub3A_428 = arith.subi %div3A_407, %sub3A_427 : i32
        %select_n3A_429 = arith.select %and3A_426, %sub3A_428, %div3A_407 : i32
        %mul3A_430 = arith.constant 8 : i32
        %mul3A_431 = arith.muli %select_n3A_429, %mul3A_430 : i32
        %jit3A_432 = arith.constant 8 : i32
        %eq3A_433 = arith.constant 0 : i32
        %eq3A_434 = arith.cmpi eq, %jit3A_432, %eq3A_433 : i32
        %jit3A_435 = arith.constant 1 : i32
        %select_n3A_436 = arith.select %eq3A_434, %jit3A_435, %jit3A_432 : i32
        %rem3A_437 = arith.remsi %sub3A_378, %select_n3A_436 : i32
        %ne3A_438 = arith.constant 0 : i32
        %ne3A_439 = arith.cmpi ne, %rem3A_437, %ne3A_438 : i32
        %lt3A_440 = arith.constant 0 : i32
        %lt3A_441 = arith.cmpi slt, %rem3A_437, %lt3A_440 : i32
        %lt3A_442 = arith.constant 0 : i32
        %lt3A_443 = arith.cmpi slt, %select_n3A_436, %lt3A_442 : i32
        %ne3A_444 = arith.xori %lt3A_441, %lt3A_443 : i1
        %and3A_445 = arith.andi %ne3A_444, %ne3A_439 : i1
        %add3A_446 = arith.addi %rem3A_437, %select_n3A_436 : i32
        %select_n3A_447 = arith.select %and3A_445, %add3A_446, %rem3A_437 : i32
        %add3A_448 = arith.addi %mul3A_431, %select_n3A_447 : i32
        %jit3A_449 = arith.constant 32 : i32
        %eq3A_450 = arith.constant 0 : i32
        %eq3A_451 = arith.cmpi eq, %jit3A_449, %eq3A_450 : i32
        %jit3A_452 = arith.constant 1 : i32
        %select_n3A_453 = arith.select %eq3A_451, %jit3A_452, %jit3A_449 : i32
        %rem3A_454 = arith.remsi %add3A_405, %select_n3A_453 : i32
        %ne3A_455 = arith.constant 0 : i32
        %ne3A_456 = arith.cmpi ne, %rem3A_454, %ne3A_455 : i32
        %lt3A_457 = arith.constant 0 : i32
        %lt3A_458 = arith.cmpi slt, %rem3A_454, %lt3A_457 : i32
        %lt3A_459 = arith.constant 0 : i32
        %lt3A_460 = arith.cmpi slt, %select_n3A_453, %lt3A_459 : i32
        %ne3A_461 = arith.xori %lt3A_458, %lt3A_460 : i1
        %and3A_462 = arith.andi %ne3A_461, %ne3A_456 : i1
        %add3A_463 = arith.addi %rem3A_454, %select_n3A_453 : i32
        %select_n3A_464 = arith.select %and3A_462, %add3A_463, %rem3A_454 : i32
        %dma_wait3A_465 = arith.constant 0 : i32
        %dma_wait3A_466 = arith.constant 0 : i32
        %dma_wait3A_467 = arith.constant 0 : i32
        %dma_wait3A_468 = tpu.memref_slice %arg4[%add3A_448, %dma_wait3A_465, %select_n3A_464, %dma_wait3A_466, %dma_wait3A_467] : memref<200x8x32x8x128xf32, #tpu.memory_space<hbm>> -> memref<1x8x1x8x128xf32, #tpu.memory_space<hbm>>
        %dma_wait3A_469 = tpu.memref_squeeze %dma_wait3A_468 : memref<1x8x1x8x128xf32, #tpu.memory_space<hbm>> -> memref<8x8x128xf32, #tpu.memory_space<hbm>>
        %dma_wait3A_470 = arith.constant 0 : i32
        %dma_wait3A_471 = arith.constant 0 : i32
        %dma_wait3A_472 = arith.constant 0 : i32
        %dma_wait3A_473 = tpu.memref_slice %arg4[%add3A_448, %dma_wait3A_470, %select_n3A_464, %dma_wait3A_471, %dma_wait3A_472] : memref<200x8x32x8x128xf32, #tpu.memory_space<hbm>> -> memref<1x8x1x8x128xf32, #tpu.memory_space<hbm>>
        %dma_wait3A_474 = tpu.memref_squeeze %dma_wait3A_473 : memref<1x8x1x8x128xf32, #tpu.memory_space<hbm>> -> memref<8x8x128xf32, #tpu.memory_space<hbm>>
        tpu.wait_dma2 semaphore(%arg12 : memref<!tpu.dma_semaphore, #tpu.memory_space<semaphore_mem>>) src(%arg9 : memref<8x8x128xf32, #tpu.memory_space<vmem>>) dst(%dma_wait3A_474 : memref<8x8x128xf32, #tpu.memory_space<hbm>>)
      } else {
      }
      %parallel_loop3A_278 = arith.constant 0 : i32
      %parallel_loop3A_279 = arith.constant 16 : i32
      %parallel_loop3A_280 = arith.constant 1 : i32
      scf.for %parallel_loop3A_377 = %parallel_loop3A_278 to %parallel_loop3A_279 step %parallel_loop3A_280  : i32 {
        %parallel_loop3A_378 = vector.broadcast %parallel_loop3A_377 : i32 to vector<16xi32>
        %parallel_loop3A_379 = arith.addi %iota3A, %parallel_loop3A_378 : vector<16xi32>
        %parallel_loop3A_380 = arith.constant 15 : i32
        %parallel_loop3A_381 = vector.broadcast %parallel_loop3A_380 : i32 to vector<16xi32>
        %parallel_loop3A_382 = arith.andi %parallel_loop3A_379, %parallel_loop3A_381 : vector<16xi32>
        %parallel_loop3A_383 = arith.constant 3 : i32
        %parallel_loop3A_384 = vector.broadcast %parallel_loop3A_383 : i32 to vector<16xi32>
        %parallel_loop3A_385 = arith.shrsi %parallel_loop3A_382, %parallel_loop3A_384 : vector<16xi32>
        %parallel_loop3A_386 = arith.constant 7 : i32
        %parallel_loop3A_387 = vector.broadcast %parallel_loop3A_386 : i32 to vector<16xi32>
        %parallel_loop3A_388 = arith.andi %parallel_loop3A_382, %parallel_loop3A_387 : vector<16xi32>
        %parallel_loop3A_389 = arith.constant 0 : i32
        %parallel_loop3A_390 = vector.broadcast %parallel_loop3A_389 : i32 to vector<16xi32>
        %parallel_loop3A_391 = arith.addi %parallel_loop3A_382, %parallel_loop3A_390 : vector<16xi32>
        %parallel_loop3A_392 = arith.constant 0 : i32
        %parallel_loop3A_393 = vector.broadcast %parallel_loop3A_392 : i32 to vector<16xi32>
        %parallel_loop3A_394 = arith.addi %parallel_loop3A_385, %parallel_loop3A_393 : vector<16xi32>
        %parallel_loop3A_395 = tpu.vector_load_idx %arg7[%add3A_5, %parallel_loop3A_391] : memref<128x128xf32, #tpu.memory_space<vmem>>[vector<16xi32>, vector<16xi32>], vector<16xf32>,
        tpu.vector_store_idx %arg9[%parallel_loop3A_394, %parallel_loop3A_388, %add3A_5], %parallel_loop3A_395 : memref<8x8x128xf32, #tpu.memory_space<vmem>>[vector<16xi32>, vector<16xi32>, vector<16xi32>], vector<16xf32>,
        %parallel_loop3A_396 = tpu.vector_load_idx %arg7[%add3A_8, %parallel_loop3A_391] : memref<128x128xf32, #tpu.memory_space<vmem>>[vector<16xi32>, vector<16xi32>], vector<16xf32>,
        tpu.vector_store_idx %arg9[%parallel_loop3A_394, %parallel_loop3A_388, %add3A_8], %parallel_loop3A_396 : memref<8x8x128xf32, #tpu.memory_space<vmem>>[vector<16xi32>, vector<16xi32>, vector<16xi32>], vector<16xf32>,
        %parallel_loop3A_397 = tpu.vector_load_idx %arg7[%add3A_11, %parallel_loop3A_391] : memref<128x128xf32, #tpu.memory_space<vmem>>[vector<16xi32>, vector<16xi32>], vector<16xf32>,
        tpu.vector_store_idx %arg9[%parallel_loop3A_394, %parallel_loop3A_388, %add3A_11], %parallel_loop3A_397 : memref<8x8x128xf32, #tpu.memory_space<vmem>>[vector<16xi32>, vector<16xi32>, vector<16xi32>], vector<16xf32>,
        %parallel_loop3A_398 = tpu.vector_load_idx %arg7[%add3A_14, %parallel_loop3A_391] : memref<128x128xf32, #tpu.memory_space<vmem>>[vector<16xi32>, vector<16xi32>], vector<16xf32>,
        tpu.vector_store_idx %arg9[%parallel_loop3A_394, %parallel_loop3A_388, %add3A_14], %parallel_loop3A_398 : memref<8x8x128xf32, #tpu.memory_space<vmem>>[vector<16xi32>, vector<16xi32>, vector<16xi32>], vector<16xf32>,
        %parallel_loop3A_399 = tpu.vector_load_idx %arg7[%add3A_17, %parallel_loop3A_391] : memref<128x128xf32, #tpu.memory_space<vmem>>[vector<16xi32>, vector<16xi32>], vector<16xf32>,
        tpu.vector_store_idx %arg9[%parallel_loop3A_394, %parallel_loop3A_388, %add3A_17], %parallel_loop3A_399 : memref<8x8x128xf32, #tpu.memory_space<vmem>>[vector<16xi32>, vector<16xi32>, vector<16xi32>], vector<16xf32>,
        %parallel_loop3A_400 = tpu.vector_load_idx %arg7[%add3A_20, %parallel_loop3A_391] : memref<128x128xf32, #tpu.memory_space<vmem>>[vector<16xi32>, vector<16xi32>], vector<16xf32>,
        tpu.vector_store_idx %arg9[%parallel_loop3A_394, %parallel_loop3A_388, %add3A_20], %parallel_loop3A_400 : memref<8x8x128xf32, #tpu.memory_space<vmem>>[vector<16xi32>, vector<16xi32>, vector<16xi32>], vector<16xf32>,
        %parallel_loop3A_401 = tpu.vector_load_idx %arg7[%add3A_23, %parallel_loop3A_391] : memref<128x128xf32, #tpu.memory_space<vmem>>[vector<16xi32>, vector<16xi32>], vector<16xf32>,
        tpu.vector_store_idx %arg9[%parallel_loop3A_394, %parallel_loop3A_388, %add3A_23], %parallel_loop3A_401 : memref<8x8x128xf32, #tpu.memory_space<vmem>>[vector<16xi32>, vector<16xi32>, vector<16xi32>], vector<16xf32>,
        %parallel_loop3A_402 = tpu.vector_load_idx %arg7[%add3A_26, %parallel_loop3A_391] : memref<128x128xf32, #tpu.memory_space<vmem>>[vector<16xi32>, vector<16xi32>], vector<16xf32>,
        tpu.vector_store_idx %arg9[%parallel_loop3A_394, %parallel_loop3A_388, %add3A_26], %parallel_loop3A_402 : memref<8x8x128xf32, #tpu.memory_space<vmem>>[vector<16xi32>, vector<16xi32>, vector<16xi32>], vector<16xf32>,
        %parallel_loop3A_403 = arith.constant 16 : i32
        %parallel_loop3A_404 = vector.broadcast %parallel_loop3A_403 : i32 to vector<16xi32>
        %parallel_loop3A_405 = arith.addi %parallel_loop3A_382, %parallel_loop3A_404 : vector<16xi32>
        %parallel_loop3A_406 = arith.constant 2 : i32
        %parallel_loop3A_407 = vector.broadcast %parallel_loop3A_406 : i32 to vector<16xi32>
        %parallel_loop3A_408 = arith.addi %parallel_loop3A_385, %parallel_loop3A_407 : vector<16xi32>
        %parallel_loop3A_409 = tpu.vector_load_idx %arg7[%add3A_5, %parallel_loop3A_405] : memref<128x128xf32, #tpu.memory_space<vmem>>[vector<16xi32>, vector<16xi32>], vector<16xf32>,
        tpu.vector_store_idx %arg9[%parallel_loop3A_408, %parallel_loop3A_388, %add3A_5], %parallel_loop3A_409 : memref<8x8x128xf32, #tpu.memory_space<vmem>>[vector<16xi32>, vector<16xi32>, vector<16xi32>], vector<16xf32>,
        %parallel_loop3A_410 = tpu.vector_load_idx %arg7[%add3A_8, %parallel_loop3A_405] : memref<128x128xf32, #tpu.memory_space<vmem>>[vector<16xi32>, vector<16xi32>], vector<16xf32>,
        tpu.vector_store_idx %arg9[%parallel_loop3A_408, %parallel_loop3A_388, %add3A_8], %parallel_loop3A_410 : memref<8x8x128xf32, #tpu.memory_space<vmem>>[vector<16xi32>, vector<16xi32>, vector<16xi32>], vector<16xf32>,
        %parallel_loop3A_411 = tpu.vector_load_idx %arg7[%add3A_11, %parallel_loop3A_405] : memref<128x128xf32, #tpu.memory_space<vmem>>[vector<16xi32>, vector<16xi32>], vector<16xf32>,
        tpu.vector_store_idx %arg9[%parallel_loop3A_408, %parallel_loop3A_388, %add3A_11], %parallel_loop3A_411 : memref<8x8x128xf32, #tpu.memory_space<vmem>>[vector<16xi32>, vector<16xi32>, vector<16xi32>], vector<16xf32>,
        %parallel_loop3A_412 = tpu.vector_load_idx %arg7[%add3A_14, %parallel_loop3A_405] : memref<128x128xf32, #tpu.memory_space<vmem>>[vector<16xi32>, vector<16xi32>], vector<16xf32>,
        tpu.vector_store_idx %arg9[%parallel_loop3A_408, %parallel_loop3A_388, %add3A_14], %parallel_loop3A_412 : memref<8x8x128xf32, #tpu.memory_space<vmem>>[vector<16xi32>, vector<16xi32>, vector<16xi32>], vector<16xf32>,
        %parallel_loop3A_413 = tpu.vector_load_idx %arg7[%add3A_17, %parallel_loop3A_405] : memref<128x128xf32, #tpu.memory_space<vmem>>[vector<16xi32>, vector<16xi32>], vector<16xf32>,
        tpu.vector_store_idx %arg9[%parallel_loop3A_408, %parallel_loop3A_388, %add3A_17], %parallel_loop3A_413 : memref<8x8x128xf32, #tpu.memory_space<vmem>>[vector<16xi32>, vector<16xi32>, vector<16xi32>], vector<16xf32>,
        %parallel_loop3A_414 = tpu.vector_load_idx %arg7[%add3A_20, %parallel_loop3A_405] : memref<128x128xf32, #tpu.memory_space<vmem>>[vector<16xi32>, vector<16xi32>], vector<16xf32>,
        tpu.vector_store_idx %arg9[%parallel_loop3A_408, %parallel_loop3A_388, %add3A_20], %parallel_loop3A_414 : memref<8x8x128xf32, #tpu.memory_space<vmem>>[vector<16xi32>, vector<16xi32>, vector<16xi32>], vector<16xf32>,
        %parallel_loop3A_415 = tpu.vector_load_idx %arg7[%add3A_23, %parallel_loop3A_405] : memref<128x128xf32, #tpu.memory_space<vmem>>[vector<16xi32>, vector<16xi32>], vector<16xf32>,
        tpu.vector_store_idx %arg9[%parallel_loop3A_408, %parallel_loop3A_388, %add3A_23], %parallel_loop3A_415 : memref<8x8x128xf32, #tpu.memory_space<vmem>>[vector<16xi32>, vector<16xi32>, vector<16xi32>], vector<16xf32>,
        %parallel_loop3A_416 = tpu.vector_load_idx %arg7[%add3A_26, %parallel_loop3A_405] : memref<128x128xf32, #tpu.memory_space<vmem>>[vector<16xi32>, vector<16xi32>], vector<16xf32>,
        tpu.vector_store_idx %arg9[%parallel_loop3A_408, %parallel_loop3A_388, %add3A_26], %parallel_loop3A_416 : memref<8x8x128xf32, #tpu.memory_space<vmem>>[vector<16xi32>, vector<16xi32>, vector<16xi32>], vector<16xf32>,
        %parallel_loop3A_417 = arith.constant 32 : i32
        %parallel_loop3A_418 = vector.broadcast %parallel_loop3A_417 : i32 to vector<16xi32>
        %parallel_loop3A_419 = arith.addi %parallel_loop3A_382, %parallel_loop3A_418 : vector<16xi32>
        %parallel_loop3A_420 = arith.constant 4 : i32
        %parallel_loop3A_421 = vector.broadcast %parallel_loop3A_420 : i32 to vector<16xi32>
        %parallel_loop3A_422 = arith.addi %parallel_loop3A_385, %parallel_loop3A_421 : vector<16xi32>
        %parallel_loop3A_423 = tpu.vector_load_idx %arg7[%add3A_5, %parallel_loop3A_419] : memref<128x128xf32, #tpu.memory_space<vmem>>[vector<16xi32>, vector<16xi32>], vector<16xf32>,
        tpu.vector_store_idx %arg9[%parallel_loop3A_422, %parallel_loop3A_388, %add3A_5], %parallel_loop3A_423 : memref<8x8x128xf32, #tpu.memory_space<vmem>>[vector<16xi32>, vector<16xi32>, vector<16xi32>], vector<16xf32>,
        %parallel_loop3A_424 = tpu.vector_load_idx %arg7[%add3A_8, %parallel_loop3A_419] : memref<128x128xf32, #tpu.memory_space<vmem>>[vector<16xi32>, vector<16xi32>], vector<16xf32>,
        tpu.vector_store_idx %arg9[%parallel_loop3A_422, %parallel_loop3A_388, %add3A_8], %parallel_loop3A_424 : memref<8x8x128xf32, #tpu.memory_space<vmem>>[vector<16xi32>, vector<16xi32>, vector<16xi32>], vector<16xf32>,
        %parallel_loop3A_425 = tpu.vector_load_idx %arg7[%add3A_11, %parallel_loop3A_419] : memref<128x128xf32, #tpu.memory_space<vmem>>[vector<16xi32>, vector<16xi32>], vector<16xf32>,
        tpu.vector_store_idx %arg9[%parallel_loop3A_422, %parallel_loop3A_388, %add3A_11], %parallel_loop3A_425 : memref<8x8x128xf32, #tpu.memory_space<vmem>>[vector<16xi32>, vector<16xi32>, vector<16xi32>], vector<16xf32>,
        %parallel_loop3A_426 = tpu.vector_load_idx %arg7[%add3A_14, %parallel_loop3A_419] : memref<128x128xf32, #tpu.memory_space<vmem>>[vector<16xi32>, vector<16xi32>], vector<16xf32>,
        tpu.vector_store_idx %arg9[%parallel_loop3A_422, %parallel_loop3A_388, %add3A_14], %parallel_loop3A_426 : memref<8x8x128xf32, #tpu.memory_space<vmem>>[vector<16xi32>, vector<16xi32>, vector<16xi32>], vector<16xf32>,
        %parallel_loop3A_427 = tpu.vector_load_idx %arg7[%add3A_17, %parallel_loop3A_419] : memref<128x128xf32, #tpu.memory_space<vmem>>[vector<16xi32>, vector<16xi32>], vector<16xf32>,
        tpu.vector_store_idx %arg9[%parallel_loop3A_422, %parallel_loop3A_388, %add3A_17], %parallel_loop3A_427 : memref<8x8x128xf32, #tpu.memory_space<vmem>>[vector<16xi32>, vector<16xi32>, vector<16xi32>], vector<16xf32>,
        %parallel_loop3A_428 = tpu.vector_load_idx %arg7[%add3A_20, %parallel_loop3A_419] : memref<128x128xf32, #tpu.memory_space<vmem>>[vector<16xi32>, vector<16xi32>], vector<16xf32>,
        tpu.vector_store_idx %arg9[%parallel_loop3A_422, %parallel_loop3A_388, %add3A_20], %parallel_loop3A_428 : memref<8x8x128xf32, #tpu.memory_space<vmem>>[vector<16xi32>, vector<16xi32>, vector<16xi32>], vector<16xf32>,
        %parallel_loop3A_429 = tpu.vector_load_idx %arg7[%add3A_23, %parallel_loop3A_419] : memref<128x128xf32, #tpu.memory_space<vmem>>[vector<16xi32>, vector<16xi32>], vector<16xf32>,
        tpu.vector_store_idx %arg9[%parallel_loop3A_422, %parallel_loop3A_388, %add3A_23], %parallel_loop3A_429 : memref<8x8x128xf32, #tpu.memory_space<vmem>>[vector<16xi32>, vector<16xi32>, vector<16xi32>], vector<16xf32>,
        %parallel_loop3A_430 = tpu.vector_load_idx %arg7[%add3A_26, %parallel_loop3A_419] : memref<128x128xf32, #tpu.memory_space<vmem>>[vector<16xi32>, vector<16xi32>], vector<16xf32>,
        tpu.vector_store_idx %arg9[%parallel_loop3A_422, %parallel_loop3A_388, %add3A_26], %parallel_loop3A_430 : memref<8x8x128xf32, #tpu.memory_space<vmem>>[vector<16xi32>, vector<16xi32>, vector<16xi32>], vector<16xf32>,
        %parallel_loop3A_431 = arith.constant 48 : i32
        %parallel_loop3A_432 = vector.broadcast %parallel_loop3A_431 : i32 to vector<16xi32>
        %parallel_loop3A_433 = arith.addi %parallel_loop3A_382, %parallel_loop3A_432 : vector<16xi32>
        %parallel_loop3A_434 = arith.constant 6 : i32
        %parallel_loop3A_435 = vector.broadcast %parallel_loop3A_434 : i32 to vector<16xi32>
        %parallel_loop3A_436 = arith.addi %parallel_loop3A_385, %parallel_loop3A_435 : vector<16xi32>
        %parallel_loop3A_437 = tpu.vector_load_idx %arg7[%add3A_5, %parallel_loop3A_433] : memref<128x128xf32, #tpu.memory_space<vmem>>[vector<16xi32>, vector<16xi32>], vector<16xf32>,
        tpu.vector_store_idx %arg9[%parallel_loop3A_436, %parallel_loop3A_388, %add3A_5], %parallel_loop3A_437 : memref<8x8x128xf32, #tpu.memory_space<vmem>>[vector<16xi32>, vector<16xi32>, vector<16xi32>], vector<16xf32>,
        %parallel_loop3A_438 = tpu.vector_load_idx %arg7[%add3A_8, %parallel_loop3A_433] : memref<128x128xf32, #tpu.memory_space<vmem>>[vector<16xi32>, vector<16xi32>], vector<16xf32>,
        tpu.vector_store_idx %arg9[%parallel_loop3A_436, %parallel_loop3A_388, %add3A_8], %parallel_loop3A_438 : memref<8x8x128xf32, #tpu.memory_space<vmem>>[vector<16xi32>, vector<16xi32>, vector<16xi32>], vector<16xf32>,
        %parallel_loop3A_439 = tpu.vector_load_idx %arg7[%add3A_11, %parallel_loop3A_433] : memref<128x128xf32, #tpu.memory_space<vmem>>[vector<16xi32>, vector<16xi32>], vector<16xf32>,
        tpu.vector_store_idx %arg9[%parallel_loop3A_436, %parallel_loop3A_388, %add3A_11], %parallel_loop3A_439 : memref<8x8x128xf32, #tpu.memory_space<vmem>>[vector<16xi32>, vector<16xi32>, vector<16xi32>], vector<16xf32>,
        %parallel_loop3A_440 = tpu.vector_load_idx %arg7[%add3A_14, %parallel_loop3A_433] : memref<128x128xf32, #tpu.memory_space<vmem>>[vector<16xi32>, vector<16xi32>], vector<16xf32>,
        tpu.vector_store_idx %arg9[%parallel_loop3A_436, %parallel_loop3A_388, %add3A_14], %parallel_loop3A_440 : memref<8x8x128xf32, #tpu.memory_space<vmem>>[vector<16xi32>, vector<16xi32>, vector<16xi32>], vector<16xf32>,
        %parallel_loop3A_441 = tpu.vector_load_idx %arg7[%add3A_17, %parallel_loop3A_433] : memref<128x128xf32, #tpu.memory_space<vmem>>[vector<16xi32>, vector<16xi32>], vector<16xf32>,
        tpu.vector_store_idx %arg9[%parallel_loop3A_436, %parallel_loop3A_388, %add3A_17], %parallel_loop3A_441 : memref<8x8x128xf32, #tpu.memory_space<vmem>>[vector<16xi32>, vector<16xi32>, vector<16xi32>], vector<16xf32>,
        %parallel_loop3A_442 = tpu.vector_load_idx %arg7[%add3A_20, %parallel_loop3A_433] : memref<128x128xf32, #tpu.memory_space<vmem>>[vector<16xi32>, vector<16xi32>], vector<16xf32>,
        tpu.vector_store_idx %arg9[%parallel_loop3A_436, %parallel_loop3A_388, %add3A_20], %parallel_loop3A_442 : memref<8x8x128xf32, #tpu.memory_space<vmem>>[vector<16xi32>, vector<16xi32>, vector<16xi32>], vector<16xf32>,
        %parallel_loop3A_443 = tpu.vector_load_idx %arg7[%add3A_23, %parallel_loop3A_433] : memref<128x128xf32, #tpu.memory_space<vmem>>[vector<16xi32>, vector<16xi32>], vector<16xf32>,
        tpu.vector_store_idx %arg9[%parallel_loop3A_436, %parallel_loop3A_388, %add3A_23], %parallel_loop3A_443 : memref<8x8x128xf32, #tpu.memory_space<vmem>>[vector<16xi32>, vector<16xi32>, vector<16xi32>], vector<16xf32>,
        %parallel_loop3A_444 = tpu.vector_load_idx %arg7[%add3A_26, %parallel_loop3A_433] : memref<128x128xf32, #tpu.memory_space<vmem>>[vector<16xi32>, vector<16xi32>], vector<16xf32>,
        tpu.vector_store_idx %arg9[%parallel_loop3A_436, %parallel_loop3A_388, %add3A_26], %parallel_loop3A_444 : memref<8x8x128xf32, #tpu.memory_space<vmem>>[vector<16xi32>, vector<16xi32>, vector<16xi32>], vector<16xf32>,
      } {sc.loop_unroll_factor = 2 : i64, sc.parallel_access}
      %mul3A_281 = arith.constant 25 : i32
      %mul3A_282 = arith.muli %add3A, %mul3A_281 : i32
      %jit3A_283 = arith.constant 8 : i32
      %div3A_284 = arith.divsi %add3A_260, %jit3A_283 : i32
      %sign3A_285 = arith.constant 0 : i32
      %sign3A_286 = arith.cmpi sgt, %add3A_260, %sign3A_285 : i32
      %sign3A_287 = arith.extui %sign3A_286 : i1 to i32
      %sign3A_288 = arith.constant 0 : i32
      %sign3A_289 = arith.cmpi slt, %add3A_260, %sign3A_288 : i32
      %sign3A_290 = arith.extui %sign3A_289 : i1 to i32
      %sign3A_291 = arith.subi %sign3A_287, %sign3A_290 : i32
      %sign3A_292 = arith.constant 0 : i32
      %sign3A_293 = arith.cmpi sgt, %jit3A_283, %sign3A_292 : i32
      %sign3A_294 = arith.extui %sign3A_293 : i1 to i32
      %sign3A_295 = arith.constant 0 : i32
      %sign3A_296 = arith.cmpi slt, %jit3A_283, %sign3A_295 : i32
      %sign3A_297 = arith.extui %sign3A_296 : i1 to i32
      %sign3A_298 = arith.subi %sign3A_294, %sign3A_297 : i32
      %ne3A_299 = arith.cmpi ne, %sign3A_291, %sign3A_298 : i32
      %rem3A_300 = arith.remsi %add3A_260, %jit3A_283 : i32
      %ne3A_301 = arith.constant 0 : i32
      %ne3A_302 = arith.cmpi ne, %rem3A_300, %ne3A_301 : i32
      %and3A_303 = arith.andi %ne3A_299, %ne3A_302 : i1
      %sub3A_304 = arith.constant 1 : i32
      %sub3A_305 = arith.subi %div3A_284, %sub3A_304 : i32
      %select_n3A_306 = arith.select %and3A_303, %sub3A_305, %div3A_284 : i32
      %add3A_307 = arith.addi %mul3A_282, %select_n3A_306 : i32
      %jit3A_308 = arith.constant 32 : i32
      %div3A_309 = arith.divsi %add3A_307, %jit3A_308 : i32
      %sign3A_310 = arith.constant 0 : i32
      %sign3A_311 = arith.cmpi sgt, %add3A_307, %sign3A_310 : i32
      %sign3A_312 = arith.extui %sign3A_311 : i1 to i32
      %sign3A_313 = arith.constant 0 : i32
      %sign3A_314 = arith.cmpi slt, %add3A_307, %sign3A_313 : i32
      %sign3A_315 = arith.extui %sign3A_314 : i1 to i32
      %sign3A_316 = arith.subi %sign3A_312, %sign3A_315 : i32
      %sign3A_317 = arith.constant 0 : i32
      %sign3A_318 = arith.cmpi sgt, %jit3A_308, %sign3A_317 : i32
      %sign3A_319 = arith.extui %sign3A_318 : i1 to i32
      %sign3A_320 = arith.constant 0 : i32
      %sign3A_321 = arith.cmpi slt, %jit3A_308, %sign3A_320 : i32
      %sign3A_322 = arith.extui %sign3A_321 : i1 to i32
      %sign3A_323 = arith.subi %sign3A_319, %sign3A_322 : i32
      %ne3A_324 = arith.cmpi ne, %sign3A_316, %sign3A_323 : i32
      %rem3A_325 = arith.remsi %add3A_307, %jit3A_308 : i32
      %ne3A_326 = arith.constant 0 : i32
      %ne3A_327 = arith.cmpi ne, %rem3A_325, %ne3A_326 : i32
      %and3A_328 = arith.andi %ne3A_324, %ne3A_327 : i1
      %sub3A_329 = arith.constant 1 : i32
      %sub3A_330 = arith.subi %div3A_309, %sub3A_329 : i32
      %select_n3A_331 = arith.select %and3A_328, %sub3A_330, %div3A_309 : i32
      %mul3A_332 = arith.constant 8 : i32
      %mul3A_333 = arith.muli %select_n3A_331, %mul3A_332 : i32
      %jit3A_334 = arith.constant 8 : i32
      %eq3A_335 = arith.constant 0 : i32
      %eq3A_336 = arith.cmpi eq, %jit3A_334, %eq3A_335 : i32
      %jit3A_337 = arith.constant 1 : i32
      %select_n3A_338 = arith.select %eq3A_336, %jit3A_337, %jit3A_334 : i32
      %rem3A_339 = arith.remsi %add3A_260, %select_n3A_338 : i32
      %ne3A_340 = arith.constant 0 : i32
      %ne3A_341 = arith.cmpi ne, %rem3A_339, %ne3A_340 : i32
      %lt3A_342 = arith.constant 0 : i32
      %lt3A_343 = arith.cmpi slt, %rem3A_339, %lt3A_342 : i32
      %lt3A_344 = arith.constant 0 : i32
      %lt3A_345 = arith.cmpi slt, %select_n3A_338, %lt3A_344 : i32
      %ne3A_346 = arith.xori %lt3A_343, %lt3A_345 : i1
      %and3A_347 = arith.andi %ne3A_346, %ne3A_341 : i1
      %add3A_348 = arith.addi %rem3A_339, %select_n3A_338 : i32
      %select_n3A_349 = arith.select %and3A_347, %add3A_348, %rem3A_339 : i32
      %add3A_350 = arith.addi %mul3A_333, %select_n3A_349 : i32
      %jit3A_351 = arith.constant 32 : i32
      %eq3A_352 = arith.constant 0 : i32
      %eq3A_353 = arith.cmpi eq, %jit3A_351, %eq3A_352 : i32
      %jit3A_354 = arith.constant 1 : i32
      %select_n3A_355 = arith.select %eq3A_353, %jit3A_354, %jit3A_351 : i32
      %rem3A_356 = arith.remsi %add3A_307, %select_n3A_355 : i32
      %ne3A_357 = arith.constant 0 : i32
      %ne3A_358 = arith.cmpi ne, %rem3A_356, %ne3A_357 : i32
      %lt3A_359 = arith.constant 0 : i32
      %lt3A_360 = arith.cmpi slt, %rem3A_356, %lt3A_359 : i32
      %lt3A_361 = arith.constant 0 : i32
      %lt3A_362 = arith.cmpi slt, %select_n3A_355, %lt3A_361 : i32
      %ne3A_363 = arith.xori %lt3A_360, %lt3A_362 : i1
      %and3A_364 = arith.andi %ne3A_363, %ne3A_358 : i1
      %add3A_365 = arith.addi %rem3A_356, %select_n3A_355 : i32
      %select_n3A_366 = arith.select %and3A_364, %add3A_365, %rem3A_356 : i32
      %dma_start3A_367 = arith.constant 0 : i32
      %dma_start3A_368 = arith.constant 0 : i32
      %dma_start3A_369 = arith.constant 0 : i32
      %dma_start3A_370 = tpu.memref_slice %arg4[%add3A_350, %dma_start3A_367, %select_n3A_366, %dma_start3A_368, %dma_start3A_369] : memref<200x8x32x8x128xf32, #tpu.memory_space<hbm>> -> memref<1x8x1x8x128xf32, #tpu.memory_space<hbm>>
      %dma_start3A_371 = tpu.memref_squeeze %dma_start3A_370 : memref<1x8x1x8x128xf32, #tpu.memory_space<hbm>> -> memref<8x8x128xf32, #tpu.memory_space<hbm>>
      %dma_start3A_372 = arith.constant 0 : i32
      %dma_start3A_373 = arith.constant 0 : i32
      %dma_start3A_374 = arith.constant 0 : i32
      %dma_start3A_375 = tpu.memref_slice %arg4[%add3A_350, %dma_start3A_372, %select_n3A_366, %dma_start3A_373, %dma_start3A_374] : memref<200x8x32x8x128xf32, #tpu.memory_space<hbm>> -> memref<1x8x1x8x128xf32, #tpu.memory_space<hbm>>
      %dma_start3A_376 = tpu.memref_squeeze %dma_start3A_375 : memref<1x8x1x8x128xf32, #tpu.memory_space<hbm>> -> memref<8x8x128xf32, #tpu.memory_space<hbm>>
      tpu.enqueue_dma source(%arg9 : memref<8x8x128xf32, #tpu.memory_space<vmem>>) target(%dma_start3A_376 : memref<8x8x128xf32, #tpu.memory_space<hbm>>) target_semaphore(%arg12 : memref<!tpu.dma_semaphore, #tpu.memory_space<semaphore_mem>>)
    }
    %scan3A_34 = arith.constant 100 : i32
    %mul3A_35 = arith.constant 25 : i32
    %mul3A_36 = arith.muli %add3A, %mul3A_35 : i32
    %add3A_37 = arith.constant 24 : i32
    %add3A_38 = arith.addi %mul3A_36, %add3A_37 : i32
    %jit3A = arith.constant 32 : i32
    %div3A = arith.divsi %add3A_38, %jit3A : i32
    %sign3A = arith.constant 0 : i32
    %sign3A_39 = arith.cmpi sgt, %add3A_38, %sign3A : i32
    %sign3A_40 = arith.extui %sign3A_39 : i1 to i32
    %sign3A_41 = arith.constant 0 : i32
    %sign3A_42 = arith.cmpi slt, %add3A_38, %sign3A_41 : i32
    %sign3A_43 = arith.extui %sign3A_42 : i1 to i32
    %sign3A_44 = arith.subi %sign3A_40, %sign3A_43 : i32
    %sign3A_45 = arith.constant 0 : i32
    %sign3A_46 = arith.cmpi sgt, %jit3A, %sign3A_45 : i32
    %sign3A_47 = arith.extui %sign3A_46 : i1 to i32
    %sign3A_48 = arith.constant 0 : i32
    %sign3A_49 = arith.cmpi slt, %jit3A, %sign3A_48 : i32
    %sign3A_50 = arith.extui %sign3A_49 : i1 to i32
    %sign3A_51 = arith.subi %sign3A_47, %sign3A_50 : i32
    %ne3A = arith.cmpi ne, %sign3A_44, %sign3A_51 : i32
    %rem3A = arith.remsi %add3A_38, %jit3A : i32
    %ne3A_52 = arith.constant 0 : i32
    %ne3A_53 = arith.cmpi ne, %rem3A, %ne3A_52 : i32
    %and3A = arith.andi %ne3A, %ne3A_53 : i1
    %sub3A = arith.constant 1 : i32
    %sub3A_54 = arith.subi %div3A, %sub3A : i32
    %select_n3A = arith.select %and3A, %sub3A_54, %div3A : i32
    %mul3A_55 = arith.constant 8 : i32
    %mul3A_56 = arith.muli %select_n3A, %mul3A_55 : i32
    %add3A_57 = arith.constant 6 : i32
    %add3A_58 = arith.addi %mul3A_56, %add3A_57 : i32
    %jit3A_59 = arith.constant 32 : i32
    %eq3A = arith.constant 0 : i32
    %eq3A_60 = arith.cmpi eq, %jit3A_59, %eq3A : i32
    %jit3A_61 = arith.constant 1 : i32
    %select_n3A_62 = arith.select %eq3A_60, %jit3A_61, %jit3A_59 : i32
    %rem3A_63 = arith.remsi %add3A_38, %select_n3A_62 : i32
    %ne3A_64 = arith.constant 0 : i32
    %ne3A_65 = arith.cmpi ne, %rem3A_63, %ne3A_64 : i32
    %lt3A = arith.constant 0 : i32
    %lt3A_66 = arith.cmpi slt, %rem3A_63, %lt3A : i32
    %lt3A_67 = arith.constant 0 : i32
    %lt3A_68 = arith.cmpi slt, %select_n3A_62, %lt3A_67 : i32
    %ne3A_69 = arith.xori %lt3A_66, %lt3A_68 : i1
    %and3A_70 = arith.andi %ne3A_69, %ne3A_65 : i1
    %add3A_71 = arith.addi %rem3A_63, %select_n3A_62 : i32
    %select_n3A_72 = arith.select %and3A_70, %add3A_71, %rem3A_63 : i32
    %dma_wait3A = arith.constant 0 : i32
    %dma_wait3A_73 = arith.constant 0 : i32
    %dma_wait3A_74 = arith.constant 0 : i32
    %dma_wait3A_75 = tpu.memref_slice %arg4[%add3A_58, %dma_wait3A, %select_n3A_72, %dma_wait3A_73, %dma_wait3A_74] : memref<200x8x32x8x128xf32, #tpu.memory_space<hbm>> -> memref<1x8x1x8x128xf32, #tpu.memory_space<hbm>>
    %dma_wait3A_76 = tpu.memref_squeeze %dma_wait3A_75 : memref<1x8x1x8x128xf32, #tpu.memory_space<hbm>> -> memref<8x8x128xf32, #tpu.memory_space<hbm>>
    %dma_wait3A_77 = arith.constant 0 : i32
    %dma_wait3A_78 = arith.constant 0 : i32
    %dma_wait3A_79 = arith.constant 0 : i32
    %dma_wait3A_80 = tpu.memref_slice %arg4[%add3A_58, %dma_wait3A_77, %select_n3A_72, %dma_wait3A_78, %dma_wait3A_79] : memref<200x8x32x8x128xf32, #tpu.memory_space<hbm>> -> memref<1x8x1x8x128xf32, #tpu.memory_space<hbm>>
    %dma_wait3A_81 = tpu.memref_squeeze %dma_wait3A_80 : memref<1x8x1x8x128xf32, #tpu.memory_space<hbm>> -> memref<8x8x128xf32, #tpu.memory_space<hbm>>
    tpu.wait_dma2 semaphore(%arg11 : memref<!tpu.dma_semaphore, #tpu.memory_space<semaphore_mem>>) src(%arg8 : memref<8x8x128xf32, #tpu.memory_space<vmem>>) dst(%dma_wait3A_81 : memref<8x8x128xf32, #tpu.memory_space<hbm>>)
    %mul3A_82 = arith.constant 25 : i32
    %mul3A_83 = arith.muli %add3A, %mul3A_82 : i32
    %add3A_84 = arith.constant 24 : i32
    %add3A_85 = arith.addi %mul3A_83, %add3A_84 : i32
    %jit3A_86 = arith.constant 32 : i32
    %div3A_87 = arith.divsi %add3A_85, %jit3A_86 : i32
    %sign3A_88 = arith.constant 0 : i32
    %sign3A_89 = arith.cmpi sgt, %add3A_85, %sign3A_88 : i32
    %sign3A_90 = arith.extui %sign3A_89 : i1 to i32
    %sign3A_91 = arith.constant 0 : i32
    %sign3A_92 = arith.cmpi slt, %add3A_85, %sign3A_91 : i32
    %sign3A_93 = arith.extui %sign3A_92 : i1 to i32
    %sign3A_94 = arith.subi %sign3A_90, %sign3A_93 : i32
    %sign3A_95 = arith.constant 0 : i32
    %sign3A_96 = arith.cmpi sgt, %jit3A_86, %sign3A_95 : i32
    %sign3A_97 = arith.extui %sign3A_96 : i1 to i32
    %sign3A_98 = arith.constant 0 : i32
    %sign3A_99 = arith.cmpi slt, %jit3A_86, %sign3A_98 : i32
    %sign3A_100 = arith.extui %sign3A_99 : i1 to i32
    %sign3A_101 = arith.subi %sign3A_97, %sign3A_100 : i32
    %ne3A_102 = arith.cmpi ne, %sign3A_94, %sign3A_101 : i32
    %rem3A_103 = arith.remsi %add3A_85, %jit3A_86 : i32
    %ne3A_104 = arith.constant 0 : i32
    %ne3A_105 = arith.cmpi ne, %rem3A_103, %ne3A_104 : i32
    %and3A_106 = arith.andi %ne3A_102, %ne3A_105 : i1
    %sub3A_107 = arith.constant 1 : i32
    %sub3A_108 = arith.subi %div3A_87, %sub3A_107 : i32
    %select_n3A_109 = arith.select %and3A_106, %sub3A_108, %div3A_87 : i32
    %mul3A_110 = arith.constant 8 : i32
    %mul3A_111 = arith.muli %select_n3A_109, %mul3A_110 : i32
    %add3A_112 = arith.constant 7 : i32
    %add3A_113 = arith.addi %mul3A_111, %add3A_112 : i32
    %jit3A_114 = arith.constant 32 : i32
    %eq3A_115 = arith.constant 0 : i32
    %eq3A_116 = arith.cmpi eq, %jit3A_114, %eq3A_115 : i32
    %jit3A_117 = arith.constant 1 : i32
    %select_n3A_118 = arith.select %eq3A_116, %jit3A_117, %jit3A_114 : i32
    %rem3A_119 = arith.remsi %add3A_85, %select_n3A_118 : i32
    %ne3A_120 = arith.constant 0 : i32
    %ne3A_121 = arith.cmpi ne, %rem3A_119, %ne3A_120 : i32
    %lt3A_122 = arith.constant 0 : i32
    %lt3A_123 = arith.cmpi slt, %rem3A_119, %lt3A_122 : i32
    %lt3A_124 = arith.constant 0 : i32
    %lt3A_125 = arith.cmpi slt, %select_n3A_118, %lt3A_124 : i32
    %ne3A_126 = arith.xori %lt3A_123, %lt3A_125 : i1
    %and3A_127 = arith.andi %ne3A_126, %ne3A_121 : i1
    %add3A_128 = arith.addi %rem3A_119, %select_n3A_118 : i32
    %select_n3A_129 = arith.select %and3A_127, %add3A_128, %rem3A_119 : i32
    %dma_wait3A_130 = arith.constant 0 : i32
    %dma_wait3A_131 = arith.constant 0 : i32
    %dma_wait3A_132 = arith.constant 0 : i32
    %dma_wait3A_133 = tpu.memref_slice %arg4[%add3A_113, %dma_wait3A_130, %select_n3A_129, %dma_wait3A_131, %dma_wait3A_132] : memref<200x8x32x8x128xf32, #tpu.memory_space<hbm>> -> memref<1x8x1x8x128xf32, #tpu.memory_space<hbm>>
    %dma_wait3A_134 = tpu.memref_squeeze %dma_wait3A_133 : memref<1x8x1x8x128xf32, #tpu.memory_space<hbm>> -> memref<8x8x128xf32, #tpu.memory_space<hbm>>
    %dma_wait3A_135 = arith.constant 0 : i32
    %dma_wait3A_136 = arith.constant 0 : i32
    %dma_wait3A_137 = arith.constant 0 : i32
    %dma_wait3A_138 = tpu.memref_slice %arg4[%add3A_113, %dma_wait3A_135, %select_n3A_129, %dma_wait3A_136, %dma_wait3A_137] : memref<200x8x32x8x128xf32, #tpu.memory_space<hbm>> -> memref<1x8x1x8x128xf32, #tpu.memory_space<hbm>>
    %dma_wait3A_139 = tpu.memref_squeeze %dma_wait3A_138 : memref<1x8x1x8x128xf32, #tpu.memory_space<hbm>> -> memref<8x8x128xf32, #tpu.memory_space<hbm>>
    tpu.wait_dma2 semaphore(%arg12 : memref<!tpu.dma_semaphore, #tpu.memory_space<semaphore_mem>>) src(%arg9 : memref<8x8x128xf32, #tpu.memory_space<vmem>>) dst(%dma_wait3A_139 : memref<8x8x128xf32, #tpu.memory_space<hbm>>)
    return
  }
}

</mosaic_0001>

<sc_bundles>
// kernel: kernel.3.cloned.1.call-start
scs
__scs_entry_jumppad:
0x0: {  	(pc) =	sbr.rel $0x88, $3  }
0x1: {  	(tag) =	ssettag $0x0;
	lr =	simm.s32 $0x1  }
0x2: {  	[smem:$0x3F9F] =	sst lr;
	_ =	strace $0xD0000000  }
0x3: {  	_ = 	snop  }
0x4: {  	_ = 	snop  }
0x5: {  	_ = 	snop  }
0x6: {  	_ = 	snop  }
0x7: {  	_ = 	snop  }
__scs_overlays_trampoline_lowered:
0x8: {  	[smem:$0x3FAE] =	sst s0  }
0x9: {  	[smem:$0x3FAF] =	sst s1  }
0xa: {  	[smem:$0x3FB0] =	sst s2  }
0xb: {  	[smem:$0x3FB1] =	sst s3  }
0xc: {  	[smem:$0x3FB2] =	sst s4  }
0xd: {  	[smem:$0x3FB3] =	sst s5  }
0xe: {  	[smem:$0x3FB4] =	sst s6  }
0xf: {  	[smem:$0x3FB5] =	sst s7  }
0x10: {  	[smem:$0x3FB6] =	sst s8  }
0x11: {  	[smem:$0x3FB7] =	sst s9;
	s0 =	simm.s32 @!p0 $0x0  }
0x12: {  	s1 =	sld [smem:$0x3F9D];
	s0 =	simm.s32 @p0 $0x1  }
0x13: {  	[smem:$0x3FB8] =	sst s0;
	s0 =	simm.s32 @!p1 $0x0  }
0x14: {  	s2 =	sld [smem:$0x3F9C];
	s0 =	simm.s32 @p1 $0x1  }
0x15: {  	[smem:$0x3FB9] =	sst s0;
	s0 =	simm.s32 @!p2 $0x0  }
0x16: {  	s3 =	sld [smem:$0x3FDB];
	s0 =	simm.s32 @p2 $0x1  }
0x17: {  	s4 =	simm.s32 $0x1BF5;
	[smem:$0x3FBB] =	sst s0  }
0x18: {  	s0 =	sld [smem:$0x3F9E];
	_ =	swait.ge [sflag:s4], $0x0  }
0x19: {  	s7 =	sld [smem:$0x3F9F]  }
0x1a: {  	s8 =	sadd.s32 $0xFFFFE003, lr  }
0x1b: {  	s9 =	sadd.s32 $0xFFFFFEF7, lr;
	s5 =	simm.s32 $0xFFFFFFFF;
	p2 =	slt.u32 s8, $0xFFFFF086  }
0x1c: {  	p1 =	slt.u32 s9, $0xF7A;
	s5 =	simm.s32 @!p2 $0x0  }
0x1d: {  	s5 =	simm.s32 @p1 $0x1;
	p0 =	seq.s32 s7, s2  }
0x1e: {  	s7 =	smul.u32 @!p0 $0xF7A, s2;
	p2 =	seq.s32 @!p0 s5, $0x0  }
0x1f: {  	s9 =	smul.u32 $0xF7A, s1;
	s8 =	simm.s32 @!p0 $0x1BF5;
	p2 =	por !p2, p0  }
0x20: {  	[sflag:s8] =	ssyncset.s32 @!p0 $0xFFFFF086;
	s6 =	sadd.s32 @!p0 s3, s7;
	s7 =	simm.s32 @!p0 $0x108  }
0x21: {  	s3 =	sadd.s32 s3, s9;
	s6 =	sadd.s32 @!p0 $0x88, s6;
	s7 =	simm.s32 @p2 $0x1082  }
0x22: {  	[simem:s7], [sflag:s8] =	dma.local @!p0 [hbm:s6], $0xF7A  }
0x23: {  	s9 =	sor.u32 $0xD0000000, s2;
	s6 =	simm.s32 $0x108;
	_ =	swait.ge @!p0 [sflag:s8], $0x0  }
0x24: {  	s3 =	sadd.s32 $0x88, s3;
	s6 =	simm.s32 @!p1 $0x1082;
	[sflag:s4] =	ssyncset.s32 $0xFFFFF086  }
0x25: {  	[simem:s6], [sflag:s4] =	dma.local [hbm:s3], $0xF7A  }
0x26: {  	[smem:$0x3F9F] =	sst s1;
	(tag) =	ssettag s2;
	_ =	strace s9  }
0x27: {  	s1 =	sld [smem:$0x3FAF]  }
0x28: {  	s2 =	sld [smem:$0x3FB0]  }
0x29: {  	s4 =	sld [smem:$0x3FB2]  }
0x2a: {  	p0 =	seq.s32 s5, $0x0;
	s5 =	sld [smem:$0x3FB3]  }
0x2b: {  	s6 =	sld [smem:$0x3FB4]  }
0x2c: {  	s7 =	sld [smem:$0x3FB5]  }
0x2d: {  	s3 =	simm.s32 $0x108;
	s8 =	sld [smem:$0x3FB6]  }
0x2e: {  	s3 =	simm.s32 @!p0 $0x1082;
	s9 =	sld [smem:$0x3FB7]  }
0x2f: {  	lr =	sadd.s32 s0, s3;
	s0 =	sld [smem:$0x3FAE]  }
0x30: {  	s3 =	sld [smem:$0x3FB1]  }
0x31: {  	[smem:$0x3FBA] =	sst s10  }
0x32: {  	s10 =	sld [smem:$0x3FB8];
	_ =	sdelay $0x3  }
0x33: {  	p0 =	seq.s32 s10, $0x1;
	s10 =	sld [smem:$0x3FBA];
	_ =	sdelay $0x3  }
0x34: {  	[smem:$0x3FBA] =	sst s10  }
0x35: {  	s10 =	sld [smem:$0x3FB9];
	_ =	sdelay $0x3  }
0x36: {  	p1 =	seq.s32 s10, $0x1;
	s10 =	sld [smem:$0x3FBA];
	_ =	sdelay $0x3  }
0x37: {  	[smem:$0x3FBA] =	sst s10  }
0x38: {  	s10 =	sld [smem:$0x3FBB]  }
0x39: {  	_ = 	snop;
	(pc) =	sbr.ind lr, $3  }
0x3a: {  	_ = 	snop  }
0x3b: {  	_ = 	snop  }
0x3c: {  	p2 =	seq.s32 s10, $0x1;
	s10 =	sld [smem:$0x3FBA]  }
0x3d: {  	_ =	shalt  }
0x3e: {  	_ =	shalt  }
0x3f: {  	_ =	shalt  }
0x40: {  	_ =	shalt  }
0x41: {  	_ =	shalt  }
0x42: {  	_ =	shalt  }
0x43: {  	_ =	shalt  }
0x44: {  	_ =	shalt  }
0x45: {  	_ =	shalt  }
0x46: {  	_ =	shalt  }
0x47: {  	_ =	shalt  }
0x48: {  	_ =	shalt  }
0x49: {  	_ =	shalt  }
0x4a: {  	_ =	shalt  }
0x4b: {  	_ =	shalt  }
0x4c: {  	_ =	shalt  }
0x4d: {  	_ =	shalt  }
0x4e: {  	_ =	shalt  }
0x4f: {  	_ =	shalt  }
0x50: {  	_ =	shalt  }
0x51: {  	_ =	shalt  }
0x52: {  	_ =	shalt  }
0x53: {  	_ =	shalt  }
0x54: {  	_ =	shalt  }
0x55: {  	_ =	shalt  }
0x56: {  	_ =	shalt  }
0x57: {  	_ =	shalt  }
0x58: {  	_ =	shalt  }
0x59: {  	_ =	shalt  }
0x5a: {  	_ =	shalt  }
0x5b: {  	_ =	shalt  }
0x5c: {  	_ =	shalt  }
0x5d: {  	_ =	shalt  }
0x5e: {  	_ =	shalt  }
0x5f: {  	_ =	shalt  }
0x60: {  	_ =	shalt  }
0x61: {  	_ =	shalt  }
0x62: {  	_ =	shalt  }
0x63: {  	_ =	shalt  }
0x64: {  	_ =	shalt  }
0x65: {  	_ =	shalt  }
0x66: {  	_ =	shalt  }
0x67: {  	_ =	shalt  }
0x68: {  	_ =	shalt  }
0x69: {  	_ =	shalt  }
0x6a: {  	_ =	shalt  }
0x6b: {  	_ =	shalt  }
0x6c: {  	_ =	shalt  }
0x6d: {  	_ =	shalt  }
0x6e: {  	_ =	shalt  }
0x6f: {  	_ =	shalt  }
0x70: {  	_ =	shalt  }
0x71: {  	_ =	shalt  }
0x72: {  	_ =	shalt  }
0x73: {  	_ =	shalt  }
0x74: {  	_ =	shalt  }
0x75: {  	_ =	shalt  }
0x76: {  	_ =	shalt  }
0x77: {  	_ =	shalt  }
0x78: {  	_ =	shalt  }
0x79: {  	_ =	shalt  }
0x7a: {  	_ =	shalt  }
0x7b: {  	_ =	shalt  }
0x7c: {  	_ =	shalt  }
0x7d: {  	_ =	shalt  }
0x7e: {  	_ =	shalt  }
0x7f: {  	_ =	shalt  }
0x80: {  	_ =	shalt  }
0x81: {  	_ =	shalt  }
0x82: {  	_ =	shalt  }
0x83: {  	_ =	shalt  }
0x84: {  	_ =	shalt  }
0x85: {  	_ =	shalt  }
0x86: {  	_ =	shalt  }
0x87: {  	_ =	shalt  }
.Lfunc_end0:
.L_simem_size_0:
called_computation_lowered:
.L_overlay_start_0:
0x88: {  	s2 =	sld [smem:$0x3FD9]  }
0x89: {  	s3 =	sld [smem:$0x3FFE];
	_ =	sdelay $0x1  }
0x8a: {  	s1 =	srdreg.scid  }
0x8b: {  	s0 =	sand.u32 $0x1, s1  }
0x8c: {  	s17 =	sshll.u32 s0, $0xA;
	s2 =	sadd.s32 s3, s2  }
0x8d: {  	s2 =	sadd.s32 s2, s17  }
0x8e: {  	[smem:$0x3FC6] =	sst s2  }
0x8f: {  	_ = 	snop  }
0x90: {  	s2 =	sld [smem:$0x3FC9]  }
0x91: {  	s18 =	sld [smem:$0x3FD0];
	(tm) =	ssettm $0x1  }
0x92: {  	s4 =	sld [smem:$0x3FFB];
	_ =	sdelay $0x3  }
0x93: {  	_ =	strace s4  }
0x94: {  	s4 =	sld [smem:$0x3FFC];
	_ =	sdelay $0x3  }
0x95: {  	_ =	strace s4  }
0x96: {  	s4 =	sld [smem:$0x3FFD];
	_ =	sdelay $0x3  }
0x97: {  	_ =	strace s4  }
0x98: {  	_ =	strace $0x8FFFFFFF  }
0x99: {  	s19 =	sld [smem:$0x3FDB];
	_ =	sdelay $0x1  }
0x9a: {  	s5 =	simm.s32 $_scs_section_size  }
0x9b: {  	s6 =	simm.s32 $_size__tile_overlayer_lowered;
	s7 =	simm.s32 $_tile_overlayer_lowered  }
0x9c: {  	s22 =	simm.s32 $0x1BFF;
	s21 =	sshll.u32 s7, $0x1;
	s4 =	sadd.s32 s5, s19  }
0x9d: {  	s8 =	simm.s32 $0x0;
	s20 =	sshll.u32 s6, $0x1;
	s6 =	sadd.s32 s21, s4  }
0x9e: {  	[timem:s8], [sflag:s22] =	dma.local [hbm:s6], s20  }
0x9f: {  	_ =	swait.ge [sflag:s22], s20  }
0xa0: {  	s5 =	ssub.s32 $0x0, s20;
	[sflag:s22] =	ssyncset.done $0x0  }
0xa1: {  	[sflag:s22] =	ssyncadd.s32 s5;
	_ =	sdelay $0x1  }
0xa2: {  	s23 =	simm.s32 $0x1B8B  }
0xa3: {  	_ =	swait.ge [sflag:s23], $0x1  }
0xa4: {  	[sflag:s23] =	ssyncset.done $0x0  }
0xa5: {  	s25 =	simm.s32 $0x1B8E;
	s24 =	sld [smem:$0x3FFE];
	[sflag:s23] =	ssyncadd.s32 $0xFFFFFFFF  }
0xa6: {  	s26 =	simm.s32 $execute0_lowered;
	[smem:$0x3FD2] =	sst s25  }
0xa7: {  	s6 =	sshll.u32 s26, $0x1;
	_ =	strace $0x80000046;
	[dreg:$0x1] =	wrdreg $0xFFFFFFFF  }
0xa8: {  	s28 =	simm.s32 $_size_execute0_lowered;
	s4 =	sadd.s32 s4, s6;
	[dreg:$0x0] =	wrdreg $0x0  }
0xa9: {  	s6 =	sshll.u32 s28, $0x1;
	[dreg:$0x2] =	wrdreg s4  }
0xaa: {  	[dreg:$0x3] =	wrdreg s6  }
0xab: {  	[dreg:$0x4] =	wrdreg $0xC0  }
0xac: {  	_ =	task [dreg:s8], $0x5FFFF  }
0xad: {  	[dreg:$0x1] =	wrdreg $0xFFFFFFFF  }
0xae: {  	[dreg:$0x0] =	wrdreg $0x60  }
0xaf: {  	[dreg:$0x2] =	wrdreg s2  }
0xb0: {  	[dreg:$0x3] =	wrdreg s24  }
0xb1: {  	[dreg:$0x4] =	wrdreg s18  }
0xb2: {  	[dreg:$0x5] =	wrdreg $0x9  }
0xb3: {  	_ =	task.clear_ibuf [dreg:s8], $0x6FFFF;
	_ =	strace $0x90000046  }
0xb4: {  	s29 =	simm.s32 $0x9;
	_ =	strace $0x80000048  }
0xb5: {  	_ =	swait.ge [sflag:s29], $0x1  }
0xb6: {  	[sflag:s29] =	ssyncadd.s32 $0xFFFFFFFF  }
0xb7: {  	_ =	strace $0x90000048  }
0xb8: {  	_ =	sfence  }
0xb9: {  	s30 =	sld [smem:$0x0];
	_ =	sdelay $0x2  }
0xba: {  	s31 =	sshll.u32 s1, $0xD;
	s1 =	sshrl.u32 s1, $0x2  }
0xbb: {  	s3 =	sand.u32 $0x4000, s31;
	s1 =	sadd.s32 s1, s30  }
0xbc: {  	s0 =	sor.u32 s3, s0;
	s1 =	sshll.u32 s1, $0x11  }
0xbd: {  	s0 =	sor.u32 s1, s0  }
0xbe: {  	s0 =	sadd.s32 $0x8F2B, s0  }
0xbf: {  	[sflag:s0] =	ssyncadd.remote.s32 $0x1  }
0xc0: {  	_ =	sfence.sel $0xFFFF  }
0xc1: {  	[dreg:$0x0] =	wrdreg $0xFFFFFFFF;
	(pc) =	sbr.abs _section_cstart, $3  }
0xc2: {  	[dreg:$0x1] =	wrdreg $0xFFFFFFFF  }
0xc3: {  	_ =	task.clear_ibuf [dreg:s8], $0x2FFFF;
	_ =	strace $0x9FFFFFFF  }
0xc4: {  	(tm) =	ssettm $0x7FFFFFFF  }
0xc5: {  	_ =	shalt  }
tec
execute0_lowered:
.L_overlay_start_1:
0x0: {  	(tag) =	ssettag $0x1  }
0x1: {  	v63 =	vlaneseq.u32  }
0x2: {  	v43 =	vmul.u32 $0x80, v63  }
0x3: {  	v0 =	vor.u32 $0x860, v63  }
0x4: {  	[tilespmem:$0x1FC90] =	vst v0;
	v0 =	vor.u32 $0x3810, v43  }
0x5: {  	[tilespmem:$0x1FCA0] =	vst v0;
	v0 =	vor.u32 $0x870, v63  }
0x6: {  	[tilespmem:$0x1FCB0] =	vst v0;
	v0 =	vor.u32 $0x20, v43  }
0x7: {  	[tilespmem:$0x1FCC0] =	vst v0;
	v0 =	vor.u32 $0x1000, v63  }
0x8: {  	[tilespmem:$0x1FCD0] =	vst v0;
	v0 =	vor.u32 $0x820, v43  }
0x9: {  	[tilespmem:$0x1FCE0] =	vst v0;
	v0 =	vor.u32 $0x1010, v63  }
0xa: {  	s5 =	rddreg [dreg:$0x0];
	[tilespmem:$0x1FCF0] =	vst v0;
	v0 =	vor.u32 $0x1020, v63  }
0xb: {  	s4 =	rddreg [dreg:$0x1];
	[tilespmem:$0x1FD00] =	vst v0;
	v0 =	vor.u32 $0x1040, v63  }
0xc: {  	s1 =	rddreg [dreg:$0x2];
	s3 =	simm.s32 $0x0;
	[tilespmem:$0x1FD10] =	vst v0;
	v0 =	vor.u32 $0x2820, v43  }
0xd: {  	[smem:$0x7FF] =	sst s3;
	[tilespmem:$0x1FD20] =	vst v0;
	v0 =	vor.u32 $0x1050, v63  }
0xe: {  	s0 =	rddreg [dreg:$0x3];
	v33 =	vor.u32 $0x3020, v43;
	_ =	strace $0x80000047;
	[tilespmem:$0x1FD30] =	vst v0  }
0xf: {  	v30 =	vor.u32 $0x1060, v63;
	[tilespmem:$0x1FE20] =	vst v33  }
0x10: {  	v25 =	vor.u32 $0x1070, v63;
	[tilespmem:$0x1FE30] =	vst v30  }
0x11: {  	v27 =	vor.u32 $0x30, v43;
	[tilespmem:$0x1FE40] =	vst v25  }
0x12: {  	v28 =	vor.u32 $0x1800, v63;
	[tilespmem:$0x1FE50] =	vst v27  }
0x13: {  	v29 =	vor.u32 $0x830, v43;
	[tilespmem:$0x1FE60] =	vst v28  }
0x14: {  	v22 =	vor.u32 $0x820, v63;
	[tilespmem:$0x1FE70] =	vst v29  }
0x15: {  	v8 =	vor.u32 $0x830, v63;
	[tilespmem:$0x1FE80] =	vst v22  }
0x16: {  	v9 =	vor.u32 $0x2010, v43;
	[tilespmem:$0x1FE90] =	vst v8  }
0x17: {  	v7 =	vor.u32 $0x840, v63;
	[tilespmem:$0x1FEA0] =	vst v9  }
0x18: {  	v5 =	vor.u32 $0x2810, v43;
	[tilespmem:$0x1FEB0] =	vst v7  }
0x19: {  	v4 =	vor.u32 $0x850, v63;
	[tilespmem:$0x1FEC0] =	vst v5  }
0x1a: {  	v24 =	vor.u32 $0x3010, v43;
	[tilespmem:$0x1FED0] =	vst v4  }
0x1b: {  	v6 =	vor.u32 $0x1000, v43;
	[tilespmem:$0x1FEE0] =	vst v24  }
0x1c: {  	v46 =	vor.u32 $0x1020, v43;
	[tilespmem:$0x1FEF0] =	vst v6  }
0x1d: {  	v31 =	vor.u32 $0x1030, v63;
	[tilespmem:$0x1FF00] =	vst v46  }
0x1e: {  	v26 =	vor.u32 $0x1820, v43;
	[tilespmem:$0x1FF10] =	vst v31  }
0x1f: {  	v32 =	vor.u32 $0x2020, v43;
	[tilespmem:$0x1FF20] =	vst v26  }
0x20: {  	v61 =	vor.u32 $0x1810, v43;
	[tilespmem:$0x1FF30] =	vst v32  }
0x21: {  	v3 =	vor.u32 $0x1010, v43;
	[tilespmem:$0x1FF40] =	vst v61  }
0x22: {  	v62 =	vor.u32 $0x810, v63;
	[tilespmem:$0x1FF50] =	vst v3  }
0x23: {  	v59 =	vor.u32 $0x70, v63;
	[tilespmem:$0x1FF60] =	vst v62  }
0x24: {  	v57 =	vor.u32 $0x60, v63;
	[tilespmem:$0x1FF70] =	vst v59  }
0x25: {  	v55 =	vor.u32 $0x50, v63;
	[tilespmem:$0x1FF80] =	vst v57  }
0x26: {  	v60 =	vor.u32 $0x10, v43;
	[tilespmem:$0x1FF90] =	vst v55  }
0x27: {  	v1 =	vor.u32 $0x800, v63;
	[tilespmem:$0x1FFA0] =	vst v60  }
0x28: {  	v2 =	vor.u32 $0x810, v43;
	[tilespmem:$0x1FFB0] =	vst v1  }
0x29: {  	v58 =	vor.u32 $0x3800, v43;
	[tilespmem:$0x1FFC0] =	vst v2  }
0x2a: {  	v48 =	vor.u32 $0x20, v63;
	[tilespmem:$0x1FFD0] =	vst v58  }
0x2b: {  	[tilespmem:$0x1FFE0] =	vst v48  }
0x2c: {  	v0 =	vor.u32 $0x3820, v43;
	[tilespmem:$0x1FFF0] =	vst v43  }
0x2d: {  	[tilespmem:$0x1FD40] =	vst v0;
	v0 =	vor.u32 $0x1810, v63  }
0x2e: {  	[tilespmem:$0x1FD50] =	vst v0;
	v0 =	vor.u32 $0x1030, v43  }
0x2f: {  	[tilespmem:$0x1FD60] =	vst v0;
	v0 =	vor.u32 $0x1820, v63  }
0x30: {  	[tilespmem:$0x1FD70] =	vst v0;
	v0 =	vor.u32 $0x1830, v43  }
0x31: {  	[tilespmem:$0x1FD80] =	vst v0;
	v0 =	vor.u32 $0x1830, v63  }
0x32: {  	s6 =	srdreg.scid;
	[tilespmem:$0x1FD90] =	vst v0;
	v0 =	vor.u32 $0x2030, v43  }
0x33: {  	s2 =	stileid.u32;
	s10 =	simm.s32 $0x6400;
	s11 =	simm.s32 $0xA400;
	[tilespmem:$0x1FDA0] =	vst v0;
	v0 =	vor.u32 $0x1840, v63  }
0x34: {  	s12 =	simm.s32 $0x1;
	s13 =	simm.s32 $0xE400;
	s14 =	simm.s32 $0x400;
	[tilespmem:$0x1FDB0] =	vst v0;
	v0 =	vor.u32 $0x2830, v43  }
0x35: {  	s15 =	simm.s32 $0x8000;
	s16 =	simm.s32 $0x3;
	s17 =	simm.s32 $0x10400;
	[tilespmem:$0x1FDC0] =	vst v0;
	v0 =	vor.u32 $0x1850, v63  }
0x36: {  	s18 =	simm.s32 $0x2;
	s6 =	sand.u32 $0x1, s6;
	s7 =	sshll.u32 s2, $0x1;
	[tilespmem:$0x1FDD0] =	vst v0;
	v0 =	vor.u32 $0x3030, v43  }
0x37: {  	s19 =	simm.s32 $0x0;
	v45 =	vor.u32 $0x10, v63;
	v51 =	vor.u32 $0x30, v63;
	s8 =	ssub.s32 $0x2, s6;
	s6 =	sor.u32 s6, s7;
	[tilespmem:$0x1FDE0] =	vst v0;
	v0 =	vor.u32 $0x1860, v63  }
0x38: {  	v53 =	vor.u32 $0x40, v63;
	s4 =	sadd.s32 $0xF42800, s4;
	s31 =	sshrl.u32 s8, $0x1;
	s9 =	smul.u32 $0xC80, s6;
	[tilespmem:$0x1FDF0] =	vst v0;
	v0 =	vor.u32 $0x3830, v43  }
0x39: {  	v44 =	vor.u32 $0x800, v43;
	v49 =	vor.u32 $0x1800, v43;
	s6 =	smul.u32 $0x19, s6;
	s7 =	ssub.s32 s8, s31;
	s8 =	simm.s32 $0x4;
	[tilespmem:$0x1FE00] =	vst v0;
	v0 =	vor.u32 $0x1870, v63  }
0x3a: {  	v52 =	vor.u32 $0x2000, v43;
	v54 =	vor.u32 $0x2800, v43;
	v56 =	vor.u32 $0x3000, v43;
	s5 =	sadd.s32 s5, s9;
	s7 =	smax.u32 s7, $0x1;
	s9 =	simm.s32 $0x80;
	[tilespmem:$0x1FE10] =	vst v0  }
.LBB2_1:
0x3b: {  	[tilespmem:s3], [sflag:$0x4] =	stream.linear.gather [hbm4b:s5+s3], $0x6400, $0x38;
	[tilespmem:$0x12400] =	vst v63  }
0x3c: {  	_ =	swait.ge [sflag:s8], $0x6400  }
0x3d: {  	[sflag:s8] =	ssyncset.done $0x0  }
0x3e: {  	s20 =	simm.s32 $0x0;
	[sflag:s8] =	ssyncadd.s32 $0xFFFF9C00  }
0x3f: {  	[tilespmem:s10], [sflag:$0x1] =	stream.indirect.gather [hbm4b:s4+s9], $0x80, s3, s9, $0xb8;
	[tilespmem:$0x12400] =	vst v63  }
.LBB2_2:
0x40: {  	s21 =	sshllo.u32 s20, $0x1  }
0x41: {  	s22 =	sshll.u32 s21, $0x7  }
0x42: {  	s24 =	simm.s32 $0x0;
	s25 =	simm.s32 $0x1;
	s22 =	sand.u32 $0x3FFFFF80, s22  }
0x43: {  	v12 =	vadd.s32 s24, v63;
	[tilespmem:s11], [sflag:$0x1] =	stream.indirect.gather [hbm4b:s4+s9], $0x80, s22, s9, $0xb8;
	[tilespmem:$0x12400] =	vst v63  }
0x44: {  	v39 =	vmov v8;
	v8 =	vadd.s32 s25, v63;
	v14 =	vand.u32 $0xF, v12;
	_ =	swait.ge [sflag:s12], $0x4000  }
0x45: {  	p0 =	seq.s32 s20, $0x0;
	v17 =	vand.u32 $0xF, v8;
	v0 =	vor.u32 v43, v14;
	[sflag:s12] =	ssyncset.done $0x0  }
0x46: {  	v11 =	vmov v1;
	s22 =	simm.s32 @!p0 $0x2;
	v1 =	vor.u32 v43, v17;
	[sflag:s12] =	ssyncadd.s32 $0xFFFFC000  }
0x47: {  	_ =	swait.ge @!p0 [sflag:s22], $0x2000  }
0x48: {  	v10 =	vmov v2;
	v2 =	vshll.u32 v12, $0x7;
	[sflag:s22] =	ssyncset.done @!p0 $0x0  }
0x49: {  	v13 =	vand.u32 $0x780, v2;
	v2 =	vshll.u32 v8, $0x7;
	[sflag:s22] =	ssyncadd.s32 @!p0 $0xFFFFE000  }
0x4a: {  	v16 =	vmovc v3;
	v41 =	vmov v9;
	v3 =	vor.u32 v63, v13;
	v9 =	vand.u32 $0x780, v2;
	v0 =	vld.idx.msk [tilespmem:v0+s10+$0x0], $0xffff  }
0x4b: {  	v37 =	vmov v4;
	v2 =	vor.u32 v44, v14;
	v4 =	vor.u32 v63, v9;
	v1 =	vld.idx.msk [tilespmem:v1+s10+$0x0], $0xffff  }
0x4c: {  	v38 =	vmov v5;
	v5 =	vor.u32 v44, v17;
	_ =	sdelay $0x2  }
0x4d: {  	[tilespmem:v3+s13+$0x0] =	vst.idx.msk $0xffff, v0  }
0x4e: {  	[tilespmem:v4+s13+$0x0] =	vst.idx.msk $0xffff, v1;
	v0 =	vld.idx.msk [tilespmem:v2+s10+$0x0], $0xffff;
	v2 =	vor.u32 v45, v13  }
0x4f: {  	v1 =	vor.u32 v6, v14;
	v4 =	vor.u32 v45, v9;
	v3 =	vld.idx.msk [tilespmem:v5+s10+$0x0], $0xffff  }
0x50: {  	v5 =	vor.u32 v6, v17;
	_ =	sdelay $0x2  }
0x51: {  	[tilespmem:v2+s13+$0x0] =	vst.idx.msk $0xffff, v0  }
0x52: {  	v0 =	vor.u32 v48, v13;
	[tilespmem:v4+s13+$0x0] =	vst.idx.msk $0xffff, v3;
	v1 =	vld.idx.msk [tilespmem:v1+s10+$0x0], $0xffff  }
0x53: {  	v3 =	vor.u32 v49, v14;
	v4 =	vor.u32 v48, v9;
	v2 =	vld.idx.msk [tilespmem:v5+s10+$0x0], $0xffff  }
0x54: {  	v5 =	vor.u32 v49, v17;
	_ =	sdelay $0x2  }
0x55: {  	[tilespmem:v0+s13+$0x0] =	vst.idx.msk $0xffff, v1  }
0x56: {  	[tilespmem:v4+s13+$0x0] =	vst.idx.msk $0xffff, v2;
	v1 =	vor.u32 v51, v13;
	v0 =	vld.idx.msk [tilespmem:v3+s10+$0x0], $0xffff  }
0x57: {  	v4 =	vor.u32 v51, v9;
	v2 =	vld.idx.msk [tilespmem:v5+s10+$0x0], $0xffff;
	v3 =	vor.u32 v52, v14  }
0x58: {  	v5 =	vor.u32 v52, v17;
	_ =	sdelay $0x2  }
0x59: {  	[tilespmem:v1+s13+$0x0] =	vst.idx.msk $0xffff, v0  }
0x5a: {  	[tilespmem:v4+s13+$0x0] =	vst.idx.msk $0xffff, v2;
	v1 =	vor.u32 v53, v13;
	v0 =	vld.idx.msk [tilespmem:v3+s10+$0x0], $0xffff  }
0x5b: {  	v4 =	vor.u32 v53, v9;
	v2 =	vld.idx.msk [tilespmem:v5+s10+$0x0], $0xffff;
	v3 =	vor.u32 v54, v14  }
0x5c: {  	v5 =	vor.u32 v54, v17;
	_ =	sdelay $0x2  }
0x5d: {  	[tilespmem:v1+s13+$0x0] =	vst.idx.msk $0xffff, v0  }
0x5e: {  	[tilespmem:v4+s13+$0x0] =	vst.idx.msk $0xffff, v2;
	v1 =	vor.u32 v55, v13;
	v0 =	vld.idx.msk [tilespmem:v3+s10+$0x0], $0xffff  }
0x5f: {  	v4 =	vor.u32 v55, v9;
	v2 =	vld.idx.msk [tilespmem:v5+s10+$0x0], $0xffff;
	v3 =	vor.u32 v56, v14  }
0x60: {  	v5 =	vor.u32 v56, v17;
	_ =	sdelay $0x2  }
0x61: {  	[tilespmem:v1+s13+$0x0] =	vst.idx.msk $0xffff, v0  }
0x62: {  	[tilespmem:v4+s13+$0x0] =	vst.idx.msk $0xffff, v2;
	v1 =	vor.u32 v57, v13;
	v0 =	vld.idx.msk [tilespmem:v3+s10+$0x0], $0xffff  }
0x63: {  	v4 =	vor.u32 v57, v9;
	v2 =	vld.idx.msk [tilespmem:v5+s10+$0x0], $0xffff;
	v3 =	vor.u32 v58, v14  }
0x64: {  	v5 =	vor.u32 v58, v17;
	_ =	sdelay $0x2  }
0x65: {  	[tilespmem:v1+s13+$0x0] =	vst.idx.msk $0xffff, v0  }
0x66: {  	[tilespmem:v4+s13+$0x0] =	vst.idx.msk $0xffff, v2;
	v1 =	vor.u32 v59, v13;
	v0 =	vld.idx.msk [tilespmem:v3+s10+$0x0], $0xffff  }
0x67: {  	v4 =	vor.u32 v59, v9;
	v2 =	vld.idx.msk [tilespmem:v5+s10+$0x0], $0xffff;
	v3 =	vor.u32 v60, v12  }
0x68: {  	v5 =	vor.u32 v60, v8;
	_ =	sdelay $0x2  }
0x69: {  	[tilespmem:v1+s13+$0x0] =	vst.idx.msk $0xffff, v0  }
0x6a: {  	[tilespmem:v4+s13+$0x0] =	vst.idx.msk $0xffff, v2;
	v0 =	vld.idx.msk [tilespmem:v3+s10+$0x0], $0xffff;
	v3 =	vor.u32 v11, v13  }
0x6b: {  	v47 =	vmov v6;
	v6 =	vor.u32 v11, v9;
	v4 =	vor.u32 v10, v12;
	v5 =	vld.idx.msk [tilespmem:v5+s10+$0x0], $0xffff  }
0x6c: {  	s26 =	simm.s32 $0x2;
	v42 =	vmov v7;
	v7 =	vor.u32 v10, v8  }
0x6d: {  	s28 =	simm.s32 $0x3;
	v34 =	vadd.s32 s26, v63  }
0x6e: {  	v36 =	vmov v11;
	v1 =	vadd.s32 s28, v63;
	v11 =	vand.u32 $0xF, v34  }
0x6f: {  	v35 =	vmov v10;
	v10 =	vand.u32 $0xF, v1;
	v15 =	vor.u32 v43, v11;
	[tilespmem:v3+s13+$0x0] =	vst.idx.msk $0xffff, v0  }
0x70: {  	[tilespmem:v6+s13+$0x0] =	vst.idx.msk $0xffff, v5;
	v5 =	vor.u32 v43, v10;
	v6 =	vor.u32 v62, v13;
	v4 =	vld.idx.msk [tilespmem:v4+s10+$0x0], $0xffff  }
0x71: {  	v18 =	vor.u32 v62, v9;
	v2 =	vmov v16;
	v16 =	vor.u32 v16, v12;
	v7 =	vld.idx.msk [tilespmem:v7+s10+$0x0], $0xffff  }
0x72: {  	v19 =	vor.u32 v2, v8;
	v0 =	vshll.u32 v34, $0x7  }
0x73: {  	v3 =	vand.u32 $0x780, v0;
	v0 =	vshll.u32 v1, $0x7  }
0x74: {  	v15 =	vld.idx.msk [tilespmem:v15+s10+$0x0], $0xffff;
	v20 =	vor.u32 v63, v3;
	v0 =	vand.u32 $0x780, v0  }
0x75: {  	v21 =	vor.u32 v44, v11;
	v5 =	vld.idx.msk [tilespmem:v5+s10+$0x0], $0xffff;
	[tilespmem:v6+s13+$0x0] =	vst.idx.msk $0xffff, v4;
	v4 =	vor.u32 v63, v0  }
0x76: {  	[tilespmem:v18+s13+$0x0] =	vst.idx.msk $0xffff, v7;
	v7 =	vor.u32 v44, v10;
	v6 =	vld.idx.msk [tilespmem:v16+s10+$0x0], $0xffff;
	v16 =	vor.u32 v22, v13  }
0x77: {  	v40 =	vmov v22;
	v18 =	vld.idx.msk [tilespmem:v19+s10+$0x0], $0xffff;
	v19 =	vor.u32 v61, v12;
	v22 =	vor.u32 v22, v9  }
0x78: {  	v23 =	vor.u32 v61, v8  }
0x79: {  	[tilespmem:v20+s13+$0x0] =	vst.idx.msk $0xffff, v15  }
0x7a: {  	v20 =	vor.u32 v45, v3;
	v15 =	vld.idx.msk [tilespmem:v21+s10+$0x0], $0xffff;
	[tilespmem:v4+s13+$0x0] =	vst.idx.msk $0xffff, v5  }
0x7b: {  	v4 =	vor.u32 v47, v11;
	v5 =	vld.idx.msk [tilespmem:v7+s10+$0x0], $0xffff;
	[tilespmem:v16+s13+$0x0] =	vst.idx.msk $0xffff, v6;
	v6 =	vor.u32 v45, v0  }
0x7c: {  	[tilespmem:v22+s13+$0x0] =	vst.idx.msk $0xffff, v18;
	v16 =	vor.u32 v47, v10;
	v18 =	vor.u32 v39, v13;
	v7 =	vld.idx.msk [tilespmem:v19+s10+$0x0], $0xffff  }
0x7d: {  	v21 =	vor.u32 v41, v12;
	v22 =	vor.u32 v39, v9;
	v19 =	vld.idx.msk [tilespmem:v23+s10+$0x0], $0xffff  }
0x7e: {  	v23 =	vor.u32 v41, v8  }
0x7f: {  	[tilespmem:v20+s13+$0x0] =	vst.idx.msk $0xffff, v15  }
0x80: {  	v15 =	vor.u32 v48, v3;
	v4 =	vld.idx.msk [tilespmem:v4+s10+$0x0], $0xffff;
	[tilespmem:v6+s13+$0x0] =	vst.idx.msk $0xffff, v5  }
0x81: {  	v6 =	vor.u32 v49, v11;
	v5 =	vld.idx.msk [tilespmem:v16+s10+$0x0], $0xffff;
	[tilespmem:v18+s13+$0x0] =	vst.idx.msk $0xffff, v7;
	v7 =	vor.u32 v48, v0  }
0x82: {  	[tilespmem:v22+s13+$0x0] =	vst.idx.msk $0xffff, v19;
	v18 =	vor.u32 v49, v10;
	v19 =	vor.u32 v42, v13;
	v16 =	vld.idx.msk [tilespmem:v21+s10+$0x0], $0xffff  }
0x83: {  	v22 =	vor.u32 v42, v9;
	v20 =	vld.idx.msk [tilespmem:v23+s10+$0x0], $0xffff;
	v21 =	vor.u32 v38, v12  }
0x84: {  	v23 =	vor.u32 v38, v8  }
0x85: {  	[tilespmem:v15+s13+$0x0] =	vst.idx.msk $0xffff, v4  }
0x86: {  	v4 =	vld.idx.msk [tilespmem:v6+s10+$0x0], $0xffff;
	[tilespmem:v7+s13+$0x0] =	vst.idx.msk $0xffff, v5;
	v5 =	vor.u32 v51, v3  }
0x87: {  	v15 =	vor.u32 v51, v0;
	v6 =	vld.idx.msk [tilespmem:v18+s10+$0x0], $0xffff;
	[tilespmem:v19+s13+$0x0] =	vst.idx.msk $0xffff, v16  }
0x88: {  	[tilespmem:v22+s13+$0x0] =	vst.idx.msk $0xffff, v20;
	v19 =	vor.u32 v37, v13;
	v16 =	vld.idx.msk [tilespmem:v21+s10+$0x0], $0xffff  }
0x89: {  	v22 =	vor.u32 v37, v9;
	v20 =	vld.idx.msk [tilespmem:v23+s10+$0x0], $0xffff;
	_ =	sdelay $0x1  }
0x8a: {  	[tilespmem:v5+s13+$0x0] =	vst.idx.msk $0xffff, v4  }
0x8b: {  	[tilespmem:v15+s13+$0x0] =	vst.idx.msk $0xffff, v6  }
0x8c: {  	v7 =	vor.u32 v52, v11;
	[tilespmem:v19+s13+$0x0] =	vst.idx.msk $0xffff, v16  }
0x8d: {  	v18 =	vor.u32 v52, v10;
	[tilespmem:v22+s13+$0x0] =	vst.idx.msk $0xffff, v20  }
0x8e: {  	v21 =	vor.u32 v24, v12;
	v41 =	vld [tilespmem:$0x1FC90]  }
0x8f: {  	v23 =	vor.u32 v24, v8;
	_ =	sdelay $0x1  }
0x90: {  	v5 =	vor.u32 v53, v3;
	v4 =	vld.idx.msk [tilespmem:v7+s10+$0x0], $0xffff  }
0x91: {  	v15 =	vor.u32 v53, v0;
	v6 =	vld.idx.msk [tilespmem:v18+s10+$0x0], $0xffff  }
0x92: {  	v16 =	vld.idx.msk [tilespmem:v21+s10+$0x0], $0xffff;
	v19 =	vor.u32 v41, v13  }
0x93: {  	v20 =	vld.idx.msk [tilespmem:v23+s10+$0x0], $0xffff;
	v22 =	vor.u32 v41, v9  }
0x94: {  	v42 =	vld [tilespmem:$0x1FCA0]  }
0x95: {  	[tilespmem:v5+s13+$0x0] =	vst.idx.msk $0xffff, v4  }
0x96: {  	[tilespmem:v15+s13+$0x0] =	vst.idx.msk $0xffff, v6  }
0x97: {  	v7 =	vor.u32 v54, v11;
	[tilespmem:v19+s13+$0x0] =	vst.idx.msk $0xffff, v16  }
0x98: {  	v18 =	vor.u32 v54, v10;
	[tilespmem:v22+s13+$0x0] =	vst.idx.msk $0xffff, v20  }
0x99: {  	v21 =	vor.u32 v42, v12;
	v22 =	vld [tilespmem:$0x1FCB0]  }
0x9a: {  	v23 =	vor.u32 v42, v8;
	_ =	sdelay $0x1  }
0x9b: {  	v5 =	vor.u32 v55, v3;
	v4 =	vld.idx.msk [tilespmem:v7+s10+$0x0], $0xffff  }
0x9c: {  	v15 =	vor.u32 v55, v0;
	v6 =	vld.idx.msk [tilespmem:v18+s10+$0x0], $0xffff  }
0x9d: {  	v16 =	vld.idx.msk [tilespmem:v21+s10+$0x0], $0xffff;
	v19 =	vor.u32 v22, v13  }
0x9e: {  	v20 =	vld.idx.msk [tilespmem:v23+s10+$0x0], $0xffff;
	v22 =	vor.u32 v22, v9  }
0x9f: {  	v50 =	vld [tilespmem:$0x1FCC0]  }
0xa0: {  	[tilespmem:v5+s13+$0x0] =	vst.idx.msk $0xffff, v4  }
0xa1: {  	[tilespmem:v15+s13+$0x0] =	vst.idx.msk $0xffff, v6  }
0xa2: {  	v7 =	vor.u32 v56, v11;
	[tilespmem:v19+s13+$0x0] =	vst.idx.msk $0xffff, v16  }
0xa3: {  	v18 =	vor.u32 v56, v10;
	[tilespmem:v22+s13+$0x0] =	vst.idx.msk $0xffff, v20  }
0xa4: {  	v21 =	vor.u32 v50, v14;
	v22 =	vld [tilespmem:$0x1FCD0]  }
0xa5: {  	v23 =	vor.u32 v50, v17;
	_ =	sdelay $0x1  }
0xa6: {  	v5 =	vor.u32 v57, v3;
	v4 =	vld.idx.msk [tilespmem:v7+s10+$0x0], $0xffff  }
0xa7: {  	v15 =	vor.u32 v57, v0;
	v6 =	vld.idx.msk [tilespmem:v18+s10+$0x0], $0xffff  }
0xa8: {  	v16 =	vld.idx.msk [tilespmem:v21+s10+$0x0], $0xffff;
	v19 =	vor.u32 v22, v13  }
0xa9: {  	v20 =	vld.idx.msk [tilespmem:v23+s10+$0x0], $0xffff;
	v22 =	vor.u32 v22, v9  }
0xaa: {  	v23 =	vld [tilespmem:$0x1FCE0]  }
0xab: {  	[tilespmem:v5+s13+$0x0] =	vst.idx.msk $0xffff, v4  }
0xac: {  	[tilespmem:v15+s13+$0x0] =	vst.idx.msk $0xffff, v6  }
0xad: {  	v7 =	vor.u32 v58, v11;
	[tilespmem:v19+s13+$0x0] =	vst.idx.msk $0xffff, v16  }
0xae: {  	v18 =	vor.u32 v58, v10;
	[tilespmem:v22+s13+$0x0] =	vst.idx.msk $0xffff, v20  }
0xaf: {  	v21 =	vor.u32 v23, v14;
	v22 =	vld [tilespmem:$0x1FCF0]  }
0xb0: {  	v23 =	vor.u32 v23, v17;
	_ =	sdelay $0x1  }
0xb1: {  	v5 =	vor.u32 v59, v3;
	v4 =	vld.idx.msk [tilespmem:v7+s10+$0x0], $0xffff  }
0xb2: {  	v15 =	vor.u32 v59, v0;
	v6 =	vld.idx.msk [tilespmem:v18+s10+$0x0], $0xffff  }
0xb3: {  	v16 =	vld.idx.msk [tilespmem:v21+s10+$0x0], $0xffff;
	v19 =	vor.u32 v22, v13  }
0xb4: {  	v7 =	vor.u32 v60, v34;
	v20 =	vld.idx.msk [tilespmem:v23+s10+$0x0], $0xffff;
	v22 =	vor.u32 v22, v9;
	_ =	sdelay $0x1  }
0xb5: {  	[tilespmem:v5+s13+$0x0] =	vst.idx.msk $0xffff, v4  }
0xb6: {  	[tilespmem:v15+s13+$0x0] =	vst.idx.msk $0xffff, v6  }
0xb7: {  	[tilespmem:v19+s13+$0x0] =	vst.idx.msk $0xffff, v16  }
0xb8: {  	v18 =	vor.u32 v60, v1;
	v5 =	vld.idx.msk [tilespmem:v7+s10+$0x0], $0xffff;
	[tilespmem:v22+s13+$0x0] =	vst.idx.msk $0xffff, v20  }
0xb9: {  	v21 =	vor.u32 v46, v14;
	v7 =	vld [tilespmem:$0x1FD00]  }
0xba: {  	v23 =	vor.u32 v46, v17;
	_ =	sdelay $0x1  }
0xbb: {  	v6 =	vor.u32 v36, v3  }
0xbc: {  	v24 =	vor.u32 v35, v34;
	v18 =	vld.idx.msk [tilespmem:v18+s10+$0x0], $0xffff;
	v19 =	vor.u32 v36, v0  }
0xbd: {  	v20 =	vor.u32 v35, v1;
	v21 =	vld.idx.msk [tilespmem:v21+s10+$0x0], $0xffff;
	v22 =	vor.u32 v7, v13  }
0xbe: {  	s29 =	simm.s32 $0x4;
	v47 =	vmovc v26;
	v26 =	vor.u32 v26, v14;
	v36 =	vmov v27;
	v23 =	vld.idx.msk [tilespmem:v23+s10+$0x0], $0xffff;
	v27 =	vor.u32 v7, v9  }
0xbf: {  	v38 =	vmov v28;
	v28 =	vor.u32 v47, v17;
	v4 =	vadd.s32 s29, v63  }
0xc0: {  	v39 =	vmov v29;
	v16 =	vand.u32 $0xF, v4;
	[tilespmem:v6+s13+$0x0] =	vst.idx.msk $0xffff, v5  }
0xc1: {  	s30 =	simm.s32 $0x5;
	v29 =	vor.u32 v43, v16;
	v24 =	vld.idx.msk [tilespmem:v24+s10+$0x0], $0xffff;
	[tilespmem:v19+s13+$0x0] =	vst.idx.msk $0xffff, v18;
	v19 =	vor.u32 v62, v3  }
0xc2: {  	v35 =	vmov v30;
	v7 =	vadd.s32 s30, v63;
	v20 =	vld.idx.msk [tilespmem:v20+s10+$0x0], $0xffff;
	[tilespmem:v22+s13+$0x0] =	vst.idx.msk $0xffff, v21;
	v21 =	vor.u32 v62, v0  }
0xc3: {  	v30 =	vshll.u32 v4, $0x7;
	v15 =	vand.u32 $0xF, v7;
	[tilespmem:v27+s13+$0x0] =	vst.idx.msk $0xffff, v23;
	v22 =	vld.idx.msk [tilespmem:v26+s10+$0x0], $0xffff;
	v26 =	vor.u32 v31, v13  }
0xc4: {  	v5 =	vand.u32 $0x780, v30;
	v30 =	vor.u32 v31, v9;
	v18 =	vor.u32 v43, v15;
	v28 =	vld.idx.msk [tilespmem:v28+s10+$0x0], $0xffff;
	_ =	sdelay $0x1  }
0xc5: {  	[tilespmem:v19+s13+$0x0] =	vst.idx.msk $0xffff, v24  }
0xc6: {  	v37 =	vmov v25;
	v25 =	vor.u32 v2, v34;
	v29 =	vld.idx.msk [tilespmem:v29+s10+$0x0], $0xffff;
	v6 =	vshll.u32 v7, $0x7;
	[tilespmem:v21+s13+$0x0] =	vst.idx.msk $0xffff, v20  }
0xc7: {  	v6 =	vand.u32 $0x780, v6;
	v23 =	vor.u32 v2, v1;
	v31 =	vor.u32 v63, v5;
	[tilespmem:v26+s13+$0x0] =	vst.idx.msk $0xffff, v22  }
0xc8: {  	v19 =	vor.u32 v63, v6;
	v18 =	vld.idx.msk [tilespmem:v18+s10+$0x0], $0xffff;
	[tilespmem:v30+s13+$0x0] =	vst.idx.msk $0xffff, v28  }
0xc9: {  	v46 =	vld [tilespmem:$0x1FD10];
	_ =	sdelay $0x1  }
0xca: {  	v24 =	vld.idx.msk [tilespmem:v25+s10+$0x0], $0xffff  }
0xcb: {  	v21 =	vor.u32 v40, v3;
	v23 =	vld.idx.msk [tilespmem:v23+s10+$0x0], $0xffff;
	[tilespmem:v31+s13+$0x0] =	vst.idx.msk $0xffff, v29  }
0xcc: {  	v25 =	vor.u32 v40, v0;
	v40 =	vld [tilespmem:$0x1FD20];
	[tilespmem:v19+s13+$0x0] =	vst.idx.msk $0xffff, v18  }
0xcd: {  	v28 =	vor.u32 v46, v13;
	v31 =	vor.u32 v46, v9;
	v46 =	vld [tilespmem:$0x1FEF0]  }
0xce: {  	v27 =	vor.u32 v32, v14  }
0xcf: {  	v32 =	vor.u32 v32, v17  }
0xd0: {  	v2 =	vor.u32 v44, v16;
	[tilespmem:v21+s13+$0x0] =	vst.idx.msk $0xffff, v24  }
0xd1: {  	v20 =	vor.u32 v44, v15;
	[tilespmem:v25+s13+$0x0] =	vst.idx.msk $0xffff, v23  }
0xd2: {  	v22 =	vor.u32 v61, v34;
	v19 =	vor.u32 v46, v16;
	v23 =	vor.u32 v46, v15;
	v46 =	vld [tilespmem:$0x1FE90]  }
0xd3: {  	v26 =	vld.idx.msk [tilespmem:v27+s10+$0x0], $0xffff;
	v27 =	vor.u32 v61, v1  }
0xd4: {  	v29 =	vld.idx.msk [tilespmem:v32+s10+$0x0], $0xffff  }
0xd5: {  	v32 =	vld.idx.msk [tilespmem:v2+s10+$0x0], $0xffff;
	v2 =	vor.u32 v45, v5  }
0xd6: {  	v20 =	vld.idx.msk [tilespmem:v20+s10+$0x0], $0xffff;
	v21 =	vor.u32 v45, v6  }
0xd7: {  	v22 =	vld.idx.msk [tilespmem:v22+s10+$0x0], $0xffff;
	v24 =	vor.u32 v46, v3  }
0xd8: {  	v25 =	vld.idx.msk [tilespmem:v27+s10+$0x0], $0xffff;
	[tilespmem:v28+s13+$0x0] =	vst.idx.msk $0xffff, v26;
	v27 =	vor.u32 v46, v0  }
0xd9: {  	v30 =	vor.u32 v40, v14;
	v18 =	vor.u32 v40, v17;
	v40 =	vld [tilespmem:$0x1FEA0];
	[tilespmem:v31+s13+$0x0] =	vst.idx.msk $0xffff, v29  }
0xda: {  	v46 =	vld [tilespmem:$0x1FD30];
	[tilespmem:v2+s13+$0x0] =	vst.idx.msk $0xffff, v32  }
0xdb: {  	[tilespmem:v21+s13+$0x0] =	vst.idx.msk $0xffff, v20  }
0xdc: {  	[tilespmem:v24+s13+$0x0] =	vst.idx.msk $0xffff, v22  }
0xdd: {  	[tilespmem:v27+s13+$0x0] =	vst.idx.msk $0xffff, v25  }
0xde: {  	v26 =	vor.u32 v40, v34;
	v29 =	vor.u32 v40, v1;
	v40 =	vld [tilespmem:$0x1FEB0]  }
0xdf: {  	v28 =	vld.idx.msk [tilespmem:v30+s10+$0x0], $0xffff;
	v30 =	vor.u32 v46, v13  }
0xe0: {  	v18 =	vld.idx.msk [tilespmem:v18+s10+$0x0], $0xffff;
	v32 =	vor.u32 v46, v9  }
0xe1: {  	v2 =	vor.u32 v48, v5;
	v19 =	vld.idx.msk [tilespmem:v19+s10+$0x0], $0xffff  }
0xe2: {  	v21 =	vld.idx.msk [tilespmem:v23+s10+$0x0], $0xffff;
	v23 =	vor.u32 v48, v6  }
0xe3: {  	v24 =	vld.idx.msk [tilespmem:v26+s10+$0x0], $0xffff;
	v26 =	vor.u32 v40, v3  }
0xe4: {  	v31 =	vor.u32 v33, v14;
	v27 =	vld.idx.msk [tilespmem:v29+s10+$0x0], $0xffff;
	[tilespmem:v30+s13+$0x0] =	vst.idx.msk $0xffff, v28;
	v29 =	vor.u32 v40, v0  }
0xe5: {  	v46 =	vld [tilespmem:$0x1FEC0];
	[tilespmem:v32+s13+$0x0] =	vst.idx.msk $0xffff, v18  }
0xe6: {  	[tilespmem:v2+s13+$0x0] =	vst.idx.msk $0xffff, v19  }
0xe7: {  	v32 =	vld [tilespmem:$0x1FD40];
	[tilespmem:v23+s13+$0x0] =	vst.idx.msk $0xffff, v21  }
0xe8: {  	[tilespmem:v26+s13+$0x0] =	vst.idx.msk $0xffff, v24  }
0xe9: {  	v20 =	vor.u32 v33, v17;
	v30 =	vld.idx.msk [tilespmem:v31+s10+$0x0], $0xffff;
	v31 =	vor.u32 v35, v13;
	[tilespmem:v29+s13+$0x0] =	vst.idx.msk $0xffff, v27  }
0xea: {  	v2 =	vld [tilespmem:$0x1FED0]  }
0xeb: {  	v22 =	vor.u32 v49, v16  }
0xec: {  	v25 =	vor.u32 v49, v15  }
0xed: {  	v28 =	vor.u32 v46, v34  }
0xee: {  	v19 =	vld.idx.msk [tilespmem:v20+s10+$0x0], $0xffff;
	v20 =	vor.u32 v35, v9;
	v18 =	vor.u32 v46, v1;
	[tilespmem:v31+s13+$0x0] =	vst.idx.msk $0xffff, v30  }
0xef: {  	v14 =	vor.u32 v32, v14;
	v27 =	vor.u32 v2, v3;
	v29 =	vor.u32 v2, v0;
	v2 =	vld [tilespmem:$0x1FEE0]  }
0xf0: {  	v22 =	vld.idx.msk [tilespmem:v22+s10+$0x0], $0xffff;
	v21 =	vor.u32 v51, v5;
	v17 =	vor.u32 v32, v17  }
0xf1: {  	v23 =	vld.idx.msk [tilespmem:v25+s10+$0x0], $0xffff;
	v25 =	vor.u32 v52, v16;
	v24 =	vor.u32 v51, v6  }
0xf2: {  	v26 =	vld.idx.msk [tilespmem:v28+s10+$0x0], $0xffff;
	v28 =	vor.u32 v52, v15  }
0xf3: {  	v18 =	vld.idx.msk [tilespmem:v18+s10+$0x0], $0xffff  }
0xf4: {  	v14 =	vld.idx.msk [tilespmem:v14+s10+$0x0], $0xffff;
	[tilespmem:v20+s13+$0x0] =	vst.idx.msk $0xffff, v19;
	v20 =	vor.u32 v37, v13;
	v30 =	vor.u32 v2, v34  }
0xf5: {  	[tilespmem:v21+s13+$0x0] =	vst.idx.msk $0xffff, v22;
	v17 =	vld.idx.msk [tilespmem:v17+s10+$0x0], $0xffff;
	v31 =	vor.u32 v2, v1  }
0xf6: {  	v21 =	vor.u32 v37, v9;
	v22 =	vor.u32 v36, v12;
	[tilespmem:v24+s13+$0x0] =	vst.idx.msk $0xffff, v23;
	v24 =	vld.idx.msk [tilespmem:v25+s10+$0x0], $0xffff  }
0xf7: {  	[tilespmem:v27+s13+$0x0] =	vst.idx.msk $0xffff, v26;
	v26 =	vld.idx.msk [tilespmem:v28+s10+$0x0], $0xffff  }
0xf8: {  	v23 =	vor.u32 v36, v8;
	v25 =	vor.u32 v53, v5;
	v19 =	vld [tilespmem:$0x1FDE0];
	[tilespmem:v29+s13+$0x0] =	vst.idx.msk $0xffff, v18  }
0xf9: {  	v28 =	vor.u32 v53, v6;
	[tilespmem:v20+s13+$0x0] =	vst.idx.msk $0xffff, v14;
	v18 =	vld.idx.msk [tilespmem:v30+s10+$0x0], $0xffff  }
0xfa: {  	v30 =	vor.u32 v41, v3;
	v14 =	vld.idx.msk [tilespmem:v31+s10+$0x0], $0xffff;
	[tilespmem:$0x1FC80] =	vst v34  }
0xfb: {  	v32 =	vor.u32 v41, v0;
	[tilespmem:v21+s13+$0x0] =	vst.idx.msk $0xffff, v17;
	v17 =	vld.idx.msk [tilespmem:v22+s10+$0x0], $0xffff  }
0xfc: {  	v22 =	vor.u32 v38, v13;
	v20 =	vld [tilespmem:$0x1FDC0]  }
0xfd: {  	v27 =	vor.u32 v54, v16;
	v23 =	vld.idx.msk [tilespmem:v23+s10+$0x0], $0xffff;
	[tilespmem:v25+s13+$0x0] =	vst.idx.msk $0xffff, v24;
	v25 =	vor.u32 v38, v9  }
0xfe: {  	[tilespmem:v28+s13+$0x0] =	vst.idx.msk $0xffff, v26  }
0xff: {  	v29 =	vor.u32 v54, v15;
	v46 =	vld [tilespmem:$0x1FDA0];
	[tilespmem:v30+s13+$0x0] =	vst.idx.msk $0xffff, v18  }
0x100: {  	v31 =	vor.u32 v42, v34;
	v40 =	vld [tilespmem:$0x1FD80];
	[tilespmem:v32+s13+$0x0] =	vst.idx.msk $0xffff, v14  }
0x101: {  	v21 =	vor.u32 v42, v1;
	v2 =	vld [tilespmem:$0x1FCB0];
	[tilespmem:v22+s13+$0x0] =	vst.idx.msk $0xffff, v17  }
0x102: {  	v24 =	vor.u32 v39, v12;
	v27 =	vld.idx.msk [tilespmem:v27+s10+$0x0], $0xffff;
	[tilespmem:v25+s13+$0x0] =	vst.idx.msk $0xffff, v23  }
0x103: {  	v18 =	vld [tilespmem:$0x1FD50]  }
0x104: {  	v33 =	vor.u32 v55, v5;
	v28 =	vor.u32 v39, v8;
	v29 =	vld.idx.msk [tilespmem:v29+s10+$0x0], $0xffff  }
0x105: {  	v35 =	vor.u32 v55, v6;
	v31 =	vld.idx.msk [tilespmem:v31+s10+$0x0], $0xffff  }
0x106: {  	v34 =	vor.u32 v56, v16;
	v26 =	vld.idx.msk [tilespmem:v21+s10+$0x0], $0xffff;
	v32 =	vor.u32 v2, v3  }
0x107: {  	v14 =	vor.u32 v56, v15;
	v21 =	vld.idx.msk [tilespmem:v24+s10+$0x0], $0xffff;
	v36 =	vor.u32 v2, v0  }
0x108: {  	v24 =	vld [tilespmem:$0x1FD60];
	v23 =	vor.u32 v18, v13  }
0x109: {  	v28 =	vld.idx.msk [tilespmem:v28+s10+$0x0], $0xffff;
	[tilespmem:v33+s13+$0x0] =	vst.idx.msk $0xffff, v27;
	v27 =	vor.u32 v18, v9  }
0x10a: {  	[tilespmem:v35+s13+$0x0] =	vst.idx.msk $0xffff, v29  }
0x10b: {  	v33 =	vld.idx.msk [tilespmem:v34+s10+$0x0], $0xffff;
	[tilespmem:v32+s13+$0x0] =	vst.idx.msk $0xffff, v31  }
0x10c: {  	v38 =	vld.idx.msk [tilespmem:v14+s10+$0x0], $0xffff;
	[tilespmem:v36+s13+$0x0] =	vst.idx.msk $0xffff, v26  }
0x10d: {  	v22 =	vor.u32 v50, v11;
	v14 =	vld [tilespmem:$0x1FCD0];
	[tilespmem:v23+s13+$0x0] =	vst.idx.msk $0xffff, v21  }
0x10e: {  	v42 =	vor.u32 v50, v10;
	v2 =	vld [tilespmem:$0x1FCE0];
	[tilespmem:v27+s13+$0x0] =	vst.idx.msk $0xffff, v28  }
0x10f: {  	v34 =	vor.u32 v57, v5;
	v25 =	vor.u32 v24, v12;
	v50 =	vld [tilespmem:$0x1FD70];
	_ =	sdelay $0x1  }
0x110: {  	v32 =	vor.u32 v57, v6  }
0x111: {  	v29 =	vor.u32 v24, v8;
	v24 =	vld.idx.msk [tilespmem:v22+s10+$0x0], $0xffff;
	v22 =	vor.u32 v14, v3  }
0x112: {  	s31 =	simm.s32 $0x6;
	v26 =	vld.idx.msk [tilespmem:v42+s10+$0x0], $0xffff;
	v37 =	vor.u32 v14, v0  }
0x113: {  	v17 =	vadd.s32 s31, v63;
	v23 =	vld.idx.msk [tilespmem:v25+s10+$0x0], $0xffff;
	[tilespmem:v34+s13+$0x0] =	vst.idx.msk $0xffff, v33;
	v28 =	vor.u32 v50, v13  }
0x114: {  	v18 =	vand.u32 $0xF, v17;
	v30 =	vor.u32 v2, v11;
	v27 =	vor.u32 v2, v10;
	v2 =	vld [tilespmem:$0x1FF50]  }
0x115: {  	v35 =	vor.u32 v43, v18;
	[tilespmem:v32+s13+$0x0] =	vst.idx.msk $0xffff, v38  }
0x116: {  	v31 =	vor.u32 v58, v16;
	[tilespmem:v22+s13+$0x0] =	vst.idx.msk $0xffff, v24  }
0x117: {  	v36 =	vor.u32 v58, v15;
	[tilespmem:v37+s13+$0x0] =	vst.idx.msk $0xffff, v26  }
0x118: {  	v29 =	vld.idx.msk [tilespmem:v29+s10+$0x0], $0xffff;
	v14 =	vshll.u32 v17, $0x7;
	[tilespmem:v28+s13+$0x0] =	vst.idx.msk $0xffff, v23  }
0x119: {  	v14 =	vand.u32 $0x780, v14;
	v34 =	vor.u32 v50, v9;
	v21 =	vor.u32 v2, v4;
	v2 =	vld [tilespmem:$0x1FCF0]  }
0x11a: {  	v25 =	vld.idx.msk [tilespmem:v35+s10+$0x0], $0xffff;
	v32 =	vor.u32 v63, v14  }
0x11b: {  	v31 =	vld.idx.msk [tilespmem:v31+s10+$0x0], $0xffff  }
0x11c: {  	v39 =	vor.u32 v40, v12;
	v36 =	vld.idx.msk [tilespmem:v36+s10+$0x0], $0xffff;
	v24 =	vor.u32 v59, v5  }
0x11d: {  	v37 =	vor.u32 v59, v6;
	v33 =	vld.idx.msk [tilespmem:v30+s10+$0x0], $0xffff  }
0x11e: {  	v22 =	vor.u32 v44, v18;
	v27 =	vld.idx.msk [tilespmem:v27+s10+$0x0], $0xffff;
	[tilespmem:v34+s13+$0x0] =	vst.idx.msk $0xffff, v29;
	v28 =	vor.u32 v2, v3  }
0x11f: {  	v23 =	vld [tilespmem:$0x1FF00];
	[tilespmem:v32+s13+$0x0] =	vst.idx.msk $0xffff, v25  }
0x120: {  	v25 =	vld [tilespmem:$0x1FD90]  }
0x121: {  	v30 =	vld.idx.msk [tilespmem:v39+s10+$0x0], $0xffff;
	[tilespmem:v24+s13+$0x0] =	vst.idx.msk $0xffff, v31  }
0x122: {  	v38 =	vor.u32 v2, v0;
	v2 =	vld [tilespmem:$0x1FFC0];
	[tilespmem:v37+s13+$0x0] =	vst.idx.msk $0xffff, v36  }
0x123: {  	v39 =	vld.idx.msk [tilespmem:v22+s10+$0x0], $0xffff;
	[tilespmem:v28+s13+$0x0] =	vst.idx.msk $0xffff, v33  }
0x124: {  	v50 =	vor.u32 v40, v8;
	v22 =	vld [tilespmem:$0x1FEF0]  }
0x125: {  	v29 =	vor.u32 v23, v11;
	v42 =	vor.u32 v23, v10;
	v23 =	vor.u32 v25, v13;
	_ =	sdelay $0x3  }
0x126: {  	v26 =	vor.u32 v60, v4;
	v33 =	vor.u32 v22, v18;
	v22 =	vld [tilespmem:$0x1FFB0];
	[tilespmem:v38+s13+$0x0] =	vst.idx.msk $0xffff, v27  }
0x127: {  	v50 =	vld.idx.msk [tilespmem:v50+s10+$0x0], $0xffff;
	v24 =	vor.u32 v25, v9;
	[tilespmem:v23+s13+$0x0] =	vst.idx.msk $0xffff, v30  }
0x128: {  	v31 =	vor.u32 v2, v4;
	v37 =	vor.u32 v2, v7;
	v2 =	vld [tilespmem:$0x1FD00];
	_ =	sdelay $0x1  }
0x129: {  	v40 =	vor.u32 v60, v7  }
0x12a: {  	v32 =	vld.idx.msk [tilespmem:v26+s10+$0x0], $0xffff  }
0x12b: {  	v41 =	vor.u32 v46, v12;
	v26 =	vor.u32 v46, v8;
	v27 =	vld.idx.msk [tilespmem:v29+s10+$0x0], $0xffff;
	[tilespmem:v24+s13+$0x0] =	vst.idx.msk $0xffff, v50  }
0x12c: {  	v25 =	vor.u32 v45, v14;
	v30 =	vor.u32 v2, v3;
	v29 =	vor.u32 v2, v0;
	v2 =	vld [tilespmem:$0x1FDB0];
	_ =	sdelay $0x1  }
0x12d: {  	v34 =	vld.idx.msk [tilespmem:v40+s10+$0x0], $0xffff  }
0x12e: {  	v19 =	vor.u32 v19, v12;
	v20 =	vor.u32 v20, v12;
	v38 =	vor.u32 v48, v14;
	v28 =	vld.idx.msk [tilespmem:v42+s10+$0x0], $0xffff  }
0x12f: {  	v23 =	vld.idx.msk [tilespmem:v41+s10+$0x0], $0xffff;
	v35 =	vor.u32 v22, v5;
	v36 =	vor.u32 v22, v6;
	v22 =	vor.u32 v47, v11  }
0x130: {  	s23 =	simm.s32 $0x7;
	s22 =	simm.s32 $0x8;
	v26 =	vld.idx.msk [tilespmem:v26+s10+$0x0], $0xffff;
	[tilespmem:v25+s13+$0x0] =	vst.idx.msk $0xffff, v39;
	v25 =	vor.u32 v47, v10;
	v24 =	vor.u32 v2, v13  }
.LBB2_3:
0x131: {  	v39 =	vld.idx.msk [tilespmem:v33+s10+$0x0], $0xffff  }
0x132: {  	v2 =	vld [tilespmem:$0x1FDB0]  }
0x133: {  	v42 =	vld [tilespmem:$0x1FDC0]  }
0x134: {  	v50 =	vld [tilespmem:$0x1FF30]  }
0x135: {  	v47 =	vld [tilespmem:$0x1FF50]  }
0x136: {  	v41 =	vld [tilespmem:$0x1FF10]  }
0x137: {  	[tilespmem:v35+s13+$0x0] =	vst.idx.msk $0xffff, v32;
	v46 =	vld [tilespmem:$0x1FDD0]  }
0x138: {  	[tilespmem:v36+s13+$0x0] =	vst.idx.msk $0xffff, v34;
	v40 =	vor.u32 v62, v5;
	v31 =	vld.idx.msk [tilespmem:v31+s10+$0x0], $0xffff  }
0x139: {  	v37 =	vld.idx.msk [tilespmem:v37+s10+$0x0], $0xffff;
	[tilespmem:v30+s13+$0x0] =	vst.idx.msk $0xffff, v27  }
0x13a: {  	v33 =	vadd.s32 s23, v63;
	v22 =	vld.idx.msk [tilespmem:v22+s10+$0x0], $0xffff;
	[tilespmem:v29+s13+$0x0] =	vst.idx.msk $0xffff, v28  }
0x13b: {  	v32 =	vand.u32 $0xF, v33;
	[tilespmem:v24+s13+$0x0] =	vst.idx.msk $0xffff, v23;
	v25 =	vld.idx.msk [tilespmem:v25+s10+$0x0], $0xffff;
	v35 =	vor.u32 v2, v9  }
0x13c: {  	v36 =	vor.u32 v43, v32;
	v24 =	vld.idx.msk [tilespmem:v20+s10+$0x0], $0xffff;
	v34 =	vor.u32 v42, v8;
	[tilespmem:v38+s13+$0x0] =	vst.idx.msk $0xffff, v39  }
0x13d: {  	v30 =	vor.u32 v50, v11;
	v29 =	vor.u32 v41, v3;
	[tilespmem:v40+s13+$0x0] =	vst.idx.msk $0xffff, v31;
	v40 =	vld [tilespmem:$0x1FDE0]  }
0x13e: {  	v23 =	vor.u32 v41, v0;
	v41 =	vor.u32 v46, v13;
	v31 =	vor.u32 v46, v9;
	v46 =	vld [tilespmem:$0x1FE80]  }
0x13f: {  	v27 =	vor.u32 v62, v6;
	v21 =	vld.idx.msk [tilespmem:v21+s10+$0x0], $0xffff  }
0x140: {  	[tilespmem:v35+s13+$0x0] =	vst.idx.msk $0xffff, v26;
	v26 =	vor.u32 v50, v10;
	v50 =	vld [tilespmem:$0x1FD10]  }
0x141: {  	v28 =	vor.u32 v47, v7;
	v34 =	vld.idx.msk [tilespmem:v34+s10+$0x0], $0xffff  }
0x142: {  	[tilespmem:v29+s13+$0x0] =	vst.idx.msk $0xffff, v22;
	v35 =	vld.idx.msk [tilespmem:v36+s10+$0x0], $0xffff  }
0x143: {  	v30 =	vld.idx.msk [tilespmem:v30+s10+$0x0], $0xffff  }
0x144: {  	[tilespmem:v27+s13+$0x0] =	vst.idx.msk $0xffff, v37;
	v38 =	vor.u32 v46, v5;
	v29 =	vor.u32 v46, v6;
	v46 =	vld [tilespmem:$0x1FDF0]  }
0x145: {  	[tilespmem:v41+s13+$0x0] =	vst.idx.msk $0xffff, v24;
	v41 =	vld [tilespmem:$0x1FEA0]  }
0x146: {  	v20 =	vshll.u32 v33, $0x7;
	v28 =	vld.idx.msk [tilespmem:v28+s10+$0x0], $0xffff  }
0x147: {  	v20 =	vand.u32 $0x780, v20;
	v22 =	vor.u32 v61, v4;
	[tilespmem:v23+s13+$0x0] =	vst.idx.msk $0xffff, v25;
	v23 =	vor.u32 v61, v7;
	v61 =	vld [tilespmem:$0x1FD20]  }
0x148: {  	v36 =	vor.u32 v63, v20;
	v19 =	vld.idx.msk [tilespmem:v19+s10+$0x0], $0xffff  }
0x149: {  	v27 =	vor.u32 v40, v8;
	v37 =	vor.u32 v44, v32;
	v26 =	vld.idx.msk [tilespmem:v26+s10+$0x0], $0xffff  }
0x14a: {  	v25 =	vor.u32 v50, v3;
	v39 =	vor.u32 v50, v0;
	v50 =	vld [tilespmem:$0x1FE00];
	[tilespmem:v31+s13+$0x0] =	vst.idx.msk $0xffff, v34  }
0x14b: {  	v34 =	vor.u32 v46, v13;
	[tilespmem:v38+s13+$0x0] =	vst.idx.msk $0xffff, v21;
	v21 =	vor.u32 v46, v9;
	v46 =	vld [tilespmem:$0x1FD30]  }
0x14c: {  	v22 =	vld.idx.msk [tilespmem:v22+s10+$0x0], $0xffff  }
0x14d: {  	v24 =	vor.u32 v61, v11;
	[tilespmem:v36+s13+$0x0] =	vst.idx.msk $0xffff, v35;
	v31 =	vor.u32 v61, v10;
	v61 =	vld [tilespmem:$0x1FE90]  }
0x14e: {  	v27 =	vld.idx.msk [tilespmem:v27+s10+$0x0], $0xffff  }
0x14f: {  	v35 =	vld.idx.msk [tilespmem:v37+s10+$0x0], $0xffff;
	[tilespmem:v29+s13+$0x0] =	vst.idx.msk $0xffff, v28  }
0x150: {  	v36 =	vor.u32 v45, v20;
	v23 =	vld.idx.msk [tilespmem:v23+s10+$0x0], $0xffff  }
0x151: {  	v12 =	vor.u32 v50, v12;
	v8 =	vor.u32 v50, v8;
	v50 =	vld [tilespmem:$0x1FEF0];
	[tilespmem:v25+s13+$0x0] =	vst.idx.msk $0xffff, v30  }
0x152: {  	[tilespmem:v39+s13+$0x0] =	vst.idx.msk $0xffff, v26;
	v24 =	vld.idx.msk [tilespmem:v24+s10+$0x0], $0xffff  }
0x153: {  	v25 =	vor.u32 v41, v4;
	v31 =	vld.idx.msk [tilespmem:v31+s10+$0x0], $0xffff;
	[tilespmem:v34+s13+$0x0] =	vst.idx.msk $0xffff, v19  }
0x154: {  	v29 =	vor.u32 v61, v5;
	v30 =	vor.u32 v61, v6;
	v61 =	vld [tilespmem:$0x1FE20];
	[tilespmem:v21+s13+$0x0] =	vst.idx.msk $0xffff, v27  }
0x155: {  	v37 =	vor.u32 v46, v3;
	v34 =	vor.u32 v46, v0;
	v46 =	vld [tilespmem:$0x1FE10];
	[tilespmem:v36+s13+$0x0] =	vst.idx.msk $0xffff, v35  }
0x156: {  	v28 =	vor.u32 v50, v32;
	v27 =	vld.idx.msk [tilespmem:v8+s10+$0x0], $0xffff  }
0x157: {  	v26 =	vor.u32 v41, v7;
	v8 =	vmov v1;
	v1 =	vmov v7;
	v7 =	vld [tilespmem:$0x1FEB0]  }
0x158: {  	v12 =	vld.idx.msk [tilespmem:v12+s10+$0x0], $0xffff  }
0x159: {  	v19 =	vor.u32 v61, v11;
	v21 =	vor.u32 v61, v10;
	[tilespmem:v29+s13+$0x0] =	vst.idx.msk $0xffff, v22;
	v61 =	vld [tilespmem:$0x1FEC0]  }
0x15a: {  	v25 =	vld.idx.msk [tilespmem:v25+s10+$0x0], $0xffff  }
0x15b: {  	v13 =	vor.u32 v46, v13;
	v28 =	vld.idx.msk [tilespmem:v28+s10+$0x0], $0xffff  }
0x15c: {  	[tilespmem:v30+s13+$0x0] =	vst.idx.msk $0xffff, v23;
	v30 =	vor.u32 v7, v5;
	v41 =	vor.u32 v7, v6;
	v7 =	vld [tilespmem:$0x1FE30]  }
0x15d: {  	v9 =	vor.u32 v46, v9;
	v22 =	vor.u32 v49, v18;
	[tilespmem:v37+s13+$0x0] =	vst.idx.msk $0xffff, v24;
	v26 =	vld.idx.msk [tilespmem:v26+s10+$0x0], $0xffff  }
0x15e: {  	[tilespmem:v34+s13+$0x0] =	vst.idx.msk $0xffff, v31;
	v24 =	vor.u32 v61, v4;
	v31 =	vor.u32 v61, v1;
	v61 =	vld [tilespmem:$0x1FD40];
	_ =	sdelay $0x1  }
0x15f: {  	v29 =	vor.u32 v48, v20  }
0x160: {  	v19 =	vld.idx.msk [tilespmem:v19+s10+$0x0], $0xffff;
	v46 =	vor.u32 v7, v3  }
0x161: {  	v23 =	vor.u32 v49, v32;
	v21 =	vld.idx.msk [tilespmem:v21+s10+$0x0], $0xffff;
	[tilespmem:v13+s13+$0x0] =	vst.idx.msk $0xffff, v12  }
0x162: {  	[tilespmem:v9+s13+$0x0] =	vst.idx.msk $0xffff, v27;
	v13 =	vld.idx.msk [tilespmem:v22+s10+$0x0], $0xffff;
	v11 =	vor.u32 v61, v11  }
0x163: {  	v9 =	vmov v0;
	v12 =	vor.u32 v7, v0;
	[tilespmem:v30+s13+$0x0] =	vst.idx.msk $0xffff, v25;
	v0 =	vmov v6;
	v6 =	vld [tilespmem:$0x1FED0]  }
0x164: {  	[tilespmem:v29+s13+$0x0] =	vst.idx.msk $0xffff, v28;
	v24 =	vld.idx.msk [tilespmem:v24+s10+$0x0], $0xffff  }
0x165: {  	[tilespmem:v46+s13+$0x0] =	vst.idx.msk $0xffff, v19;
	v19 =	vld [tilespmem:$0x1FEE0]  }
0x166: {  	v23 =	vld.idx.msk [tilespmem:v23+s10+$0x0], $0xffff  }
0x167: {  	[tilespmem:v41+s13+$0x0] =	vst.idx.msk $0xffff, v26;
	v41 =	vld.idx.msk [tilespmem:v11+s10+$0x0], $0xffff  }
0x168: {  	v27 =	vor.u32 v51, v14;
	v11 =	vld [tilespmem:$0x1FC80]  }
0x169: {  	v25 =	vor.u32 v52, v18;
	v29 =	vor.u32 v6, v5  }
0x16a: {  	v30 =	vld.idx.msk [tilespmem:v31+s10+$0x0], $0xffff;
	v31 =	vor.u32 v19, v4  }
0x16b: {  	[tilespmem:v12+s13+$0x0] =	vst.idx.msk $0xffff, v21;
	v21 =	vor.u32 v19, v1;
	v19 =	vld [tilespmem:$0x1FE40]  }
0x16c: {  	v36 =	vld [tilespmem:$0x1FCA0];
	v28 =	vor.u32 v51, v20;
	v22 =	vor.u32 v61, v10;
	v10 =	vmovc v15;
	v15 =	vmov v32  }
0x16d: {  	v26 =	vor.u32 v52, v15;
	[tilespmem:v27+s13+$0x0] =	vst.idx.msk $0xffff, v13;
	v12 =	vmov v11;
	v11 =	vld [tilespmem:$0x1FE50]  }
0x16e: {  	v39 =	vor.u32 v6, v0;
	v25 =	vld.idx.msk [tilespmem:v25+s10+$0x0], $0xffff;
	[tilespmem:v29+s13+$0x0] =	vst.idx.msk $0xffff, v24  }
0x16f: {  	v27 =	vld.idx.msk [tilespmem:v31+s10+$0x0], $0xffff  }
0x170: {  	v46 =	vor.u32 v19, v3;
	v31 =	vld [tilespmem:$0x1FC90]  }
0x171: {  	v61 =	vmov v4;
	v22 =	vld.idx.msk [tilespmem:v22+s10+$0x0], $0xffff;
	[tilespmem:v28+s13+$0x0] =	vst.idx.msk $0xffff, v23  }
0x172: {  	v6 =	vmovc v20;
	v4 =	vmov v17;
	v17 =	vld.idx.msk [tilespmem:v26+s10+$0x0], $0xffff;
	v20 =	vor.u32 v19, v9;
	v13 =	vor.u32 v11, v12  }
0x173: {  	v37 =	vld [tilespmem:$0x1FE60];
	[tilespmem:v39+s13+$0x0] =	vst.idx.msk $0xffff, v30;
	v23 =	vor.u32 v11, v8;
	v11 =	vmov v16;
	v16 =	vor.u32 v53, v14  }
0x174: {  	v24 =	vor.u32 v54, v18;
	v26 =	vor.u32 v53, v6;
	v21 =	vld.idx.msk [tilespmem:v21+s10+$0x0], $0xffff  }
0x175: {  	v28 =	vor.u32 v54, v15;
	v29 =	vor.u32 v31, v5;
	[tilespmem:v46+s13+$0x0] =	vst.idx.msk $0xffff, v41;
	v41 =	vld [tilespmem:$0x1FE70]  }
0x176: {  	v31 =	vor.u32 v31, v0;
	v46 =	vld [tilespmem:$0x1FDA0]  }
0x177: {  	v30 =	vor.u32 v36, v61;
	[tilespmem:v20+s13+$0x0] =	vst.idx.msk $0xffff, v22;
	v13 =	vld.idx.msk [tilespmem:v13+s10+$0x0], $0xffff  }
0x178: {  	v38 =	vor.u32 v37, v3;
	v23 =	vld.idx.msk [tilespmem:v23+s10+$0x0], $0xffff;
	[tilespmem:v16+s13+$0x0] =	vst.idx.msk $0xffff, v25  }
0x179: {  	v16 =	vmov v18;
	[tilespmem:v26+s13+$0x0] =	vst.idx.msk $0xffff, v17;
	v18 =	vld.idx.msk [tilespmem:v24+s10+$0x0], $0xffff  }
0x17a: {  	v28 =	vld.idx.msk [tilespmem:v28+s10+$0x0], $0xffff;
	[tilespmem:v29+s13+$0x0] =	vst.idx.msk $0xffff, v27  }
0x17b: {  	v22 =	vor.u32 v36, v1;
	[tilespmem:v31+s13+$0x0] =	vst.idx.msk $0xffff, v21;
	v21 =	vld [tilespmem:$0x1FCB0]  }
0x17c: {  	v25 =	vor.u32 v41, v12;
	v30 =	vld.idx.msk [tilespmem:v30+s10+$0x0], $0xffff  }
0x17d: {  	v7 =	vmov v33;
	v33 =	vor.u32 v37, v9;
	[tilespmem:v38+s13+$0x0] =	vst.idx.msk $0xffff, v13;
	v13 =	vld [tilespmem:$0x1FCC0]  }
0x17e: {  	v20 =	vor.u32 v42, v12;
	v42 =	vld [tilespmem:$0x1FD50];
	v17 =	vor.u32 v41, v8  }
0x17f: {  	v26 =	vor.u32 v55, v14;
	v41 =	vld [tilespmem:$0x1FD80]  }
0x180: {  	v34 =	vor.u32 v55, v6;
	v29 =	vor.u32 v56, v16;
	v22 =	vld.idx.msk [tilespmem:v22+s10+$0x0], $0xffff  }
0x181: {  	v31 =	vor.u32 v56, v15;
	v36 =	vor.u32 v21, v0;
	v25 =	vld.idx.msk [tilespmem:v25+s10+$0x0], $0xffff  }
0x182: {  	[tilespmem:v33+s13+$0x0] =	vst.idx.msk $0xffff, v23;
	v32 =	vor.u32 v13, v11;
	v23 =	vor.u32 v13, v10;
	v13 =	vld [tilespmem:$0x1FD60]  }
0x183: {  	[tilespmem:$0x1FC80] =	vst v61;
	v35 =	vor.u32 v21, v5;
	v61 =	vld.idx.msk [tilespmem:v17+s10+$0x0], $0xffff  }
0x184: {  	v17 =	vadd.s32 s22, v63;
	[tilespmem:v26+s13+$0x0] =	vst.idx.msk $0xffff, v18;
	v21 =	vor.u32 v47, v4;
	v26 =	vor.u32 v42, v9;
	v47 =	vld [tilespmem:$0x1FCD0]  }
0x185: {  	v33 =	vor.u32 v42, v3;
	[tilespmem:v34+s13+$0x0] =	vst.idx.msk $0xffff, v28;
	v18 =	vand.u32 $0xF, v17;
	v29 =	vld.idx.msk [tilespmem:v29+s10+$0x0], $0xffff  }
0x186: {  	v31 =	vld.idx.msk [tilespmem:v31+s10+$0x0], $0xffff;
	v34 =	vor.u32 v43, v18;
	[tilespmem:v36+s13+$0x0] =	vst.idx.msk $0xffff, v22  }
0x187: {  	v37 =	vor.u32 v13, v12;
	v23 =	vld.idx.msk [tilespmem:v23+s10+$0x0], $0xffff  }
0x188: {  	[tilespmem:v35+s13+$0x0] =	vst.idx.msk $0xffff, v30;
	v28 =	vor.u32 v13, v8;
	v13 =	vmov v3;
	v3 =	vld [tilespmem:$0x1FCE0]  }
0x189: {  	v39 =	vor.u32 v57, v14;
	[tilespmem:v26+s13+$0x0] =	vst.idx.msk $0xffff, v61;
	v61 =	vld [tilespmem:$0x1FD70]  }
0x18a: {  	v30 =	vor.u32 v58, v16;
	v35 =	vor.u32 v57, v6;
	v32 =	vld.idx.msk [tilespmem:v32+s10+$0x0], $0xffff;
	[tilespmem:v33+s13+$0x0] =	vst.idx.msk $0xffff, v25  }
0x18b: {  	v22 =	vor.u32 v58, v15;
	v34 =	vld.idx.msk [tilespmem:v34+s10+$0x0], $0xffff  }
0x18c: {  	v36 =	vor.u32 v47, v5;
	v37 =	vld.idx.msk [tilespmem:v37+s10+$0x0], $0xffff  }
0x18d: {  	v33 =	vor.u32 v47, v0;
	v25 =	vor.u32 v3, v11;
	v38 =	vor.u32 v3, v10;
	v28 =	vld.idx.msk [tilespmem:v28+s10+$0x0], $0xffff  }
0x18e: {  	v47 =	vor.u32 v61, v13;
	[tilespmem:v39+s13+$0x0] =	vst.idx.msk $0xffff, v29;
	v29 =	vor.u32 v61, v9;
	v61 =	vld [tilespmem:$0x1FCF0]  }
0x18f: {  	v26 =	vshll.u32 v17, $0x7;
	[tilespmem:v35+s13+$0x0] =	vst.idx.msk $0xffff, v31;
	v30 =	vld.idx.msk [tilespmem:v30+s10+$0x0], $0xffff  }
0x190: {  	v27 =	vor.u32 v41, v12;
	v3 =	vmovc v5;
	v5 =	vmov v14;
	v14 =	vand.u32 $0x780, v26;
	v22 =	vld.idx.msk [tilespmem:v22+s10+$0x0], $0xffff  }
0x191: {  	v26 =	vor.u32 v63, v14;
	[tilespmem:v36+s13+$0x0] =	vst.idx.msk $0xffff, v32;
	v63 =	vld [tilespmem:$0x1FF00]  }
0x192: {  	v31 =	vor.u32 v41, v8;
	[tilespmem:v33+s13+$0x0] =	vst.idx.msk $0xffff, v23;
	v25 =	vld.idx.msk [tilespmem:v25+s10+$0x0], $0xffff  }
0x193: {  	v36 =	vor.u32 v59, v6;
	v38 =	vld.idx.msk [tilespmem:v38+s10+$0x0], $0xffff;
	[tilespmem:v47+s13+$0x0] =	vst.idx.msk $0xffff, v37  }
0x194: {  	v35 =	vor.u32 v44, v18;
	[tilespmem:v29+s13+$0x0] =	vst.idx.msk $0xffff, v28;
	v28 =	vld [tilespmem:$0x1FFC0]  }
0x195: {  	v23 =	vor.u32 v60, v7;
	v42 =	vld.idx.msk [tilespmem:v27+s10+$0x0], $0xffff  }
0x196: {  	v19 =	vor.u32 v40, v12;
	v39 =	vor.u32 v59, v5;
	v32 =	vor.u32 v60, v4;
	v27 =	vld [tilespmem:$0x1FD90]  }
0x197: {  	v41 =	vor.u32 v61, v3;
	v47 =	vmov v43;
	[tilespmem:v26+s13+$0x0] =	vst.idx.msk $0xffff, v34;
	v43 =	vld.idx.msk [tilespmem:v31+s10+$0x0], $0xffff  }
0x198: {  	v40 =	vor.u32 v61, v0;
	v61 =	vmov v59;
	v59 =	vmov v57;
	[tilespmem:v36+s13+$0x0] =	vst.idx.msk $0xffff, v22;
	v22 =	vld [tilespmem:$0x1FFB0]  }
0x199: {  	v57 =	vmovc v55;
	v55 =	vmovc v53;
	v53 =	vmov v51;
	v51 =	vmov v48;
	v48 =	vmov v44;
	v44 =	vld.idx.msk [tilespmem:v35+s10+$0x0], $0xffff  }
0x19a: {  	v34 =	vld.idx.msk [tilespmem:v23+s10+$0x0], $0xffff  }
0x19b: {  	[tilespmem:v39+s13+$0x0] =	vst.idx.msk $0xffff, v30;
	v23 =	vld [tilespmem:$0x1FD00]  }
0x19c: {  	v24 =	vor.u32 v46, v12;
	v46 =	vor.u32 v46, v8;
	v37 =	vor.u32 v63, v11;
	v32 =	vld.idx.msk [tilespmem:v32+s10+$0x0], $0xffff  }
0x19d: {  	v26 =	vor.u32 v63, v10;
	[tilespmem:v41+s13+$0x0] =	vst.idx.msk $0xffff, v25;
	v25 =	vld [tilespmem:$0x1FF20];
	v29 =	vor.u32 v27, v13  }
0x19e: {  	v63 =	vmovc v62;
	v62 =	vmovc v60;
	v60 =	vmov v58;
	v58 =	vmov v56;
	v39 =	vor.u32 v27, v9  }
0x19f: {  	v56 =	vmovc v54;
	v54 =	vmovc v52;
	v52 =	vmov v49;
	v49 =	vmov v45;
	v45 =	vor.u32 v45, v14  }
0x1a0: {  	v33 =	vor.u32 v50, v18;
	v31 =	vor.u32 v28, v4;
	[tilespmem:v40+s13+$0x0] =	vst.idx.msk $0xffff, v38  }
0x1a1: {  	v35 =	vor.u32 v22, v5;
	v36 =	vor.u32 v22, v6;
	v27 =	vld.idx.msk [tilespmem:v37+s10+$0x0], $0xffff;
	v37 =	vor.u32 v28, v7  }
0x1a2: {  	p1 =	slt.u32 s22, $0xE;
	v28 =	vld.idx.msk [tilespmem:v26+s10+$0x0], $0xffff;
	v30 =	vor.u32 v23, v3;
	v22 =	vor.u32 v25, v11;
	[tilespmem:v29+s13+$0x0] =	vst.idx.msk $0xffff, v42  }
.Ltmp0:
0x1a3: {  	v25 =	vor.u32 v25, v10;
	v29 =	vor.u32 v23, v0;
	[tilespmem:v39+s13+$0x0] =	vst.idx.msk $0xffff, v43;
	v43 =	vmov v47;
	(pc) =	sbr.rel @p1 .LBB2_3-.Ltmp0, $4  }
0x1a4: {  	v23 =	vld.idx.msk [tilespmem:v24+s10+$0x0], $0xffff;
	v24 =	vor.u32 v2, v13;
	[tilespmem:v45+s13+$0x0] =	vst.idx.msk $0xffff, v44;
	v45 =	vmov v49;
	v49 =	vmov v52  }
0x1a5: {  	v52 =	vmovc v54;
	v54 =	vmovc v56;
	v56 =	vmov v58;
	v44 =	vmov v48;
	v48 =	vmov v51  }
0x1a6: {  	v51 =	vmovc v53;
	v53 =	vmovc v55;
	v55 =	vmov v57;
	v57 =	vmov v59;
	v59 =	vmov v61;
	v61 =	vld [tilespmem:$0x1FF40]  }
0x1a7: {  	s23 =	sadd.s32 $0x1, s22;
	s22 =	sadd.s32 $0x2, s22;
	v58 =	vmovc v60;
	v60 =	vmovc v62;
	v62 =	vmov v63;
	v26 =	vld.idx.msk [tilespmem:v46+s10+$0x0], $0xffff;
	v63 =	vlaneseq.u32;
	v38 =	vor.u32 v48, v14  }
0x1a8: {  	v50 =	vadd.s32 s23, v63  }
0x1a9: {  	v47 =	vand.u32 $0xF, v50  }
0x1aa: {  	v39 =	vor.u32 v43, v47;
	_ =	sdelay $0x2  }
0x1ab: {  	v40 =	vshll.u32 v50, $0x7  }
0x1ac: {  	v46 =	vand.u32 $0x780, v40  }
0x1ad: {  	v40 =	vor.u32 v63, v46;
	v39 =	vld.idx.msk [tilespmem:v39+s10+$0x0], $0xffff;
	_ =	sdelay $0x4  }
0x1ae: {  	v41 =	vor.u32 v44, v47;
	[tilespmem:v40+s13+$0x0] =	vst.idx.msk $0xffff, v39  }
0x1af: {  	v2 =	vld [tilespmem:$0x1FEF0];
	_ =	sdelay $0x3  }
0x1b0: {  	v40 =	vor.u32 v45, v46;
	v39 =	vld.idx.msk [tilespmem:v41+s10+$0x0], $0xffff  }
0x1b1: {  	v2 =	vor.u32 v2, v47;
	_ =	sdelay $0x3  }
0x1b2: {  	v33 =	vld.idx.msk [tilespmem:v33+s10+$0x0], $0xffff;
	[tilespmem:v40+s13+$0x0] =	vst.idx.msk $0xffff, v39  }
0x1b3: {  	v40 =	vor.u32 v49, v18;
	v39 =	vld.idx.msk [tilespmem:v2+s10+$0x0], $0xffff;
	v2 =	vor.u32 v48, v46  }
0x1b4: {  	v42 =	vor.u32 v49, v47;
	_ =	sdelay $0x2  }
0x1b5: {  	[tilespmem:v38+s13+$0x0] =	vst.idx.msk $0xffff, v33  }
0x1b6: {  	v38 =	vor.u32 v51, v14;
	v33 =	vld.idx.msk [tilespmem:v40+s10+$0x0], $0xffff;
	[tilespmem:v2+s13+$0x0] =	vst.idx.msk $0xffff, v39  }
0x1b7: {  	v41 =	vor.u32 v51, v46;
	v40 =	vor.u32 v52, v18;
	v39 =	vld.idx.msk [tilespmem:v42+s10+$0x0], $0xffff  }
0x1b8: {  	v2 =	vor.u32 v52, v47;
	_ =	sdelay $0x2  }
0x1b9: {  	[tilespmem:v38+s13+$0x0] =	vst.idx.msk $0xffff, v33  }
0x1ba: {  	v38 =	vor.u32 v53, v14;
	v33 =	vld.idx.msk [tilespmem:v40+s10+$0x0], $0xffff;
	[tilespmem:v41+s13+$0x0] =	vst.idx.msk $0xffff, v39  }
0x1bb: {  	v40 =	vor.u32 v54, v18;
	v41 =	vor.u32 v53, v46;
	v39 =	vld.idx.msk [tilespmem:v2+s10+$0x0], $0xffff  }
0x1bc: {  	v2 =	vor.u32 v54, v47;
	_ =	sdelay $0x2  }
0x1bd: {  	[tilespmem:v38+s13+$0x0] =	vst.idx.msk $0xffff, v33  }
0x1be: {  	v38 =	vor.u32 v55, v14;
	v33 =	vld.idx.msk [tilespmem:v40+s10+$0x0], $0xffff;
	[tilespmem:v41+s13+$0x0] =	vst.idx.msk $0xffff, v39  }
0x1bf: {  	v40 =	vor.u32 v56, v18;
	v41 =	vor.u32 v55, v46;
	v39 =	vld.idx.msk [tilespmem:v2+s10+$0x0], $0xffff  }
0x1c0: {  	v2 =	vor.u32 v56, v47;
	_ =	sdelay $0x2  }
0x1c1: {  	[tilespmem:v38+s13+$0x0] =	vst.idx.msk $0xffff, v33  }
0x1c2: {  	v38 =	vor.u32 v57, v14;
	v33 =	vld.idx.msk [tilespmem:v40+s10+$0x0], $0xffff;
	[tilespmem:v41+s13+$0x0] =	vst.idx.msk $0xffff, v39  }
0x1c3: {  	v40 =	vor.u32 v58, v18;
	v41 =	vor.u32 v57, v46;
	v39 =	vld.idx.msk [tilespmem:v2+s10+$0x0], $0xffff  }
0x1c4: {  	v2 =	vor.u32 v58, v47;
	_ =	sdelay $0x2  }
0x1c5: {  	[tilespmem:v38+s13+$0x0] =	vst.idx.msk $0xffff, v33  }
0x1c6: {  	v38 =	vor.u32 v59, v14;
	v33 =	vld.idx.msk [tilespmem:v40+s10+$0x0], $0xffff;
	[tilespmem:v41+s13+$0x0] =	vst.idx.msk $0xffff, v39  }
0x1c7: {  	v39 =	vld.idx.msk [tilespmem:v2+s10+$0x0], $0xffff;
	v2 =	vor.u32 v59, v46;
	_ =	sdelay $0x3  }
0x1c8: {  	[tilespmem:v38+s13+$0x0] =	vst.idx.msk $0xffff, v33  }
0x1c9: {  	[tilespmem:v2+s13+$0x0] =	vst.idx.msk $0xffff, v39  }
0x1ca: {  	v40 =	vor.u32 v60, v17;
	v2 =	vld [tilespmem:$0x1FFB0];
	_ =	sdelay $0x1  }
0x1cb: {  	v42 =	vor.u32 v60, v50;
	_ =	sdelay $0x2  }
0x1cc: {  	v33 =	vld.idx.msk [tilespmem:v40+s10+$0x0], $0xffff;
	v38 =	vor.u32 v2, v14  }
0x1cd: {  	v40 =	vld [tilespmem:$0x1FFC0]  }
0x1ce: {  	v42 =	vld.idx.msk [tilespmem:v42+s10+$0x0], $0xffff;
	[tilespmem:v35+s13+$0x0] =	vst.idx.msk $0xffff, v32;
	v41 =	vor.u32 v2, v46  }
0x1cf: {  	[tilespmem:v36+s13+$0x0] =	vst.idx.msk $0xffff, v34;
	v32 =	vor.u32 v62, v5;
	v31 =	vld.idx.msk [tilespmem:v31+s10+$0x0], $0xffff  }
0x1d0: {  	v35 =	vor.u32 v62, v6;
	v34 =	vld.idx.msk [tilespmem:v37+s10+$0x0], $0xffff  }
0x1d1: {  	[tilespmem:v38+s13+$0x0] =	vst.idx.msk $0xffff, v33  }
0x1d2: {  	v39 =	vor.u32 v40, v17;
	v2 =	vor.u32 v40, v50;
	v40 =	vld [tilespmem:$0x1FF50]  }
0x1d3: {  	[tilespmem:v41+s13+$0x0] =	vst.idx.msk $0xffff, v42  }
0x1d4: {  	[tilespmem:v32+s13+$0x0] =	vst.idx.msk $0xffff, v31  }
0x1d5: {  	[tilespmem:v35+s13+$0x0] =	vst.idx.msk $0xffff, v34  }
0x1d6: {  	v42 =	vld [tilespmem:$0x1FE80]  }
0x1d7: {  	v33 =	vor.u32 v40, v7;
	_ =	sdelay $0x1  }
0x1d8: {  	v37 =	vor.u32 v62, v14;
	v36 =	vld.idx.msk [tilespmem:v39+s10+$0x0], $0xffff  }
0x1d9: {  	v39 =	vld.idx.msk [tilespmem:v2+s10+$0x0], $0xffff;
	v38 =	vor.u32 v40, v17;
	v41 =	vmov v40;
	v40 =	vor.u32 v62, v46  }
0x1da: {  	v21 =	vld.idx.msk [tilespmem:v21+s10+$0x0], $0xffff;
	v31 =	vor.u32 v42, v5  }
0x1db: {  	v34 =	vor.u32 v42, v6;
	v32 =	vld.idx.msk [tilespmem:v33+s10+$0x0], $0xffff;
	_ =	sdelay $0x1  }
0x1dc: {  	[tilespmem:v37+s13+$0x0] =	vst.idx.msk $0xffff, v36  }
0x1dd: {  	[tilespmem:v40+s13+$0x0] =	vst.idx.msk $0xffff, v39  }
0x1de: {  	[tilespmem:v31+s13+$0x0] =	vst.idx.msk $0xffff, v21  }
0x1df: {  	v41 =	vor.u32 v41, v50;
	[tilespmem:v34+s13+$0x0] =	vst.idx.msk $0xffff, v32  }
0x1e0: {  	v33 =	vor.u32 v61, v4;
	v2 =	vld [tilespmem:$0x1FE90]  }
0x1e1: {  	v35 =	vor.u32 v61, v7;
	_ =	sdelay $0x1  }
0x1e2: {  	v37 =	vor.u32 v42, v14;
	v36 =	vld.idx.msk [tilespmem:v38+s10+$0x0], $0xffff  }
0x1e3: {  	v40 =	vor.u32 v42, v46;
	v38 =	vld.idx.msk [tilespmem:v41+s10+$0x0], $0xffff  }
0x1e4: {  	v21 =	vld.idx.msk [tilespmem:v33+s10+$0x0], $0xffff;
	v31 =	vor.u32 v2, v5  }
0x1e5: {  	v39 =	vor.u32 v61, v17;
	v41 =	vor.u32 v61, v50;
	v32 =	vld.idx.msk [tilespmem:v35+s10+$0x0], $0xffff;
	v61 =	vor.u32 v2, v6  }
0x1e6: {  	v42 =	vld [tilespmem:$0x1FEA0]  }
0x1e7: {  	[tilespmem:v37+s13+$0x0] =	vst.idx.msk $0xffff, v36  }
0x1e8: {  	[tilespmem:v40+s13+$0x0] =	vst.idx.msk $0xffff, v38  }
0x1e9: {  	[tilespmem:v31+s13+$0x0] =	vst.idx.msk $0xffff, v21  }
0x1ea: {  	[tilespmem:v61+s13+$0x0] =	vst.idx.msk $0xffff, v32  }
0x1eb: {  	v33 =	vor.u32 v42, v4;
	v61 =	vld [tilespmem:$0x1FEB0]  }
0x1ec: {  	v35 =	vor.u32 v42, v7;
	_ =	sdelay $0x1  }
0x1ed: {  	v36 =	vld.idx.msk [tilespmem:v39+s10+$0x0], $0xffff;
	v37 =	vor.u32 v2, v14  }
0x1ee: {  	v38 =	vld.idx.msk [tilespmem:v41+s10+$0x0], $0xffff;
	v40 =	vor.u32 v2, v46  }
0x1ef: {  	v21 =	vld.idx.msk [tilespmem:v33+s10+$0x0], $0xffff;
	v31 =	vor.u32 v61, v5  }
0x1f0: {  	v32 =	vld.idx.msk [tilespmem:v35+s10+$0x0], $0xffff;
	v34 =	vor.u32 v61, v6  }
0x1f1: {  	v39 =	vor.u32 v42, v17;
	v41 =	vor.u32 v42, v50;
	v42 =	vld [tilespmem:$0x1FEC0]  }
0x1f2: {  	[tilespmem:v37+s13+$0x0] =	vst.idx.msk $0xffff, v36  }
0x1f3: {  	[tilespmem:v40+s13+$0x0] =	vst.idx.msk $0xffff, v38  }
0x1f4: {  	[tilespmem:v31+s13+$0x0] =	vst.idx.msk $0xffff, v21  }
0x1f5: {  	[tilespmem:v34+s13+$0x0] =	vst.idx.msk $0xffff, v32  }
0x1f6: {  	v33 =	vor.u32 v42, v4;
	v2 =	vld [tilespmem:$0x1FED0]  }
0x1f7: {  	v35 =	vor.u32 v42, v7;
	_ =	sdelay $0x1  }
0x1f8: {  	v36 =	vld.idx.msk [tilespmem:v39+s10+$0x0], $0xffff;
	v37 =	vor.u32 v61, v14  }
0x1f9: {  	v38 =	vld.idx.msk [tilespmem:v41+s10+$0x0], $0xffff;
	v61 =	vor.u32 v61, v46  }
0x1fa: {  	v21 =	vld.idx.msk [tilespmem:v33+s10+$0x0], $0xffff;
	v31 =	vor.u32 v2, v5  }
0x1fb: {  	v32 =	vld.idx.msk [tilespmem:v35+s10+$0x0], $0xffff;
	v34 =	vor.u32 v2, v6  }
0x1fc: {  	v39 =	vor.u32 v42, v17;
	v41 =	vor.u32 v42, v50;
	v42 =	vld [tilespmem:$0x1FEE0]  }
0x1fd: {  	[tilespmem:v37+s13+$0x0] =	vst.idx.msk $0xffff, v36  }
0x1fe: {  	[tilespmem:v61+s13+$0x0] =	vst.idx.msk $0xffff, v38  }
0x1ff: {  	[tilespmem:v31+s13+$0x0] =	vst.idx.msk $0xffff, v21  }
0x200: {  	[tilespmem:v34+s13+$0x0] =	vst.idx.msk $0xffff, v32  }
0x201: {  	v33 =	vor.u32 v42, v4;
	v61 =	vor.u32 v2, v14;
	v40 =	vor.u32 v2, v46;
	v2 =	vld [tilespmem:$0x1FC90]  }
0x202: {  	v36 =	vld.idx.msk [tilespmem:v39+s10+$0x0], $0xffff  }
0x203: {  	v38 =	vld.idx.msk [tilespmem:v41+s10+$0x0], $0xffff;
	_ =	sdelay $0x1  }
0x204: {  	v35 =	vor.u32 v42, v7  }
0x205: {  	v41 =	vor.u32 v42, v50;
	v21 =	vld.idx.msk [tilespmem:v33+s10+$0x0], $0xffff;
	v31 =	vor.u32 v2, v5  }
0x206: {  	[tilespmem:v61+s13+$0x0] =	vst.idx.msk $0xffff, v36  }
0x207: {  	v61 =	vld [tilespmem:$0x1FCA0];
	[tilespmem:v40+s13+$0x0] =	vst.idx.msk $0xffff, v38  }
0x208: {  	v39 =	vor.u32 v42, v17;
	[tilespmem:v30+s13+$0x0] =	vst.idx.msk $0xffff, v27  }
0x209: {  	v32 =	vld.idx.msk [tilespmem:v35+s10+$0x0], $0xffff;
	[tilespmem:v29+s13+$0x0] =	vst.idx.msk $0xffff, v28;
	v34 =	vor.u32 v2, v6  }
0x20a: {  	v27 =	vld.idx.msk [tilespmem:v41+s10+$0x0], $0xffff;
	[tilespmem:v31+s13+$0x0] =	vst.idx.msk $0xffff, v21  }
0x20b: {  	v41 =	vld [tilespmem:$0x1FDB0];
	_ =	sdelay $0x1  }
0x20c: {  	v36 =	vld.idx.msk [tilespmem:v39+s10+$0x0], $0xffff;
	v37 =	vor.u32 v2, v14  }
0x20d: {  	v38 =	vor.u32 v2, v46;
	[tilespmem:v34+s13+$0x0] =	vst.idx.msk $0xffff, v32  }
0x20e: {  	v33 =	vor.u32 v61, v4;
	v35 =	vor.u32 v61, v7;
	v40 =	vld [tilespmem:$0x1FCB0]  }
0x20f: {  	v30 =	vor.u32 v61, v17;
	v28 =	vor.u32 v61, v50;
	v61 =	vor.u32 v41, v9;
	_ =	sdelay $0x1  }
0x210: {  	[tilespmem:v37+s13+$0x0] =	vst.idx.msk $0xffff, v36  }
0x211: {  	v36 =	vld [tilespmem:$0x1FCC0];
	[tilespmem:v38+s13+$0x0] =	vst.idx.msk $0xffff, v27  }
0x212: {  	v29 =	vld.idx.msk [tilespmem:v33+s10+$0x0], $0xffff;
	[tilespmem:v24+s13+$0x0] =	vst.idx.msk $0xffff, v23;
	v31 =	vor.u32 v40, v5  }
0x213: {  	v32 =	vld.idx.msk [tilespmem:v35+s10+$0x0], $0xffff;
	v39 =	vor.u32 v40, v6;
	[tilespmem:v61+s13+$0x0] =	vst.idx.msk $0xffff, v26  }
0x214: {  	v61 =	vld [tilespmem:$0x1FF10]  }
0x215: {  	v22 =	vld.idx.msk [tilespmem:v22+s10+$0x0], $0xffff  }
0x216: {  	v25 =	vld.idx.msk [tilespmem:v25+s10+$0x0], $0xffff  }
0x217: {  	v30 =	vld.idx.msk [tilespmem:v30+s10+$0x0], $0xffff;
	v35 =	vor.u32 v40, v14;
	[tilespmem:v31+s13+$0x0] =	vst.idx.msk $0xffff, v29  }
0x218: {  	v23 =	vld.idx.msk [tilespmem:v28+s10+$0x0], $0xffff;
	v28 =	vor.u32 v40, v46;
	[tilespmem:v39+s13+$0x0] =	vst.idx.msk $0xffff, v32  }
0x219: {  	v42 =	vor.u32 v36, v16;
	v39 =	vld [tilespmem:$0x1FDC0];
	v21 =	vor.u32 v61, v3  }
0x21a: {  	v27 =	vor.u32 v36, v15;
	v40 =	vld [tilespmem:$0x1FCD0];
	v29 =	vor.u32 v61, v0;
	_ =	sdelay $0x1  }
0x21b: {  	[tilespmem:v35+s13+$0x0] =	vst.idx.msk $0xffff, v30  }
0x21c: {  	v24 =	vor.u32 v36, v18;
	v35 =	vld [tilespmem:$0x1FCE0];
	[tilespmem:v28+s13+$0x0] =	vst.idx.msk $0xffff, v23  }
0x21d: {  	v26 =	vor.u32 v36, v47;
	v32 =	vld.idx.msk [tilespmem:v42+s10+$0x0], $0xffff;
	[tilespmem:v21+s13+$0x0] =	vst.idx.msk $0xffff, v22  }
0x21e: {  	v27 =	vld.idx.msk [tilespmem:v27+s10+$0x0], $0xffff;
	v31 =	vor.u32 v39, v8;
	v42 =	vor.u32 v40, v5;
	[tilespmem:v29+s13+$0x0] =	vst.idx.msk $0xffff, v25  }
0x21f: {  	v34 =	vor.u32 v40, v6;
	v36 =	vld [tilespmem:$0x1FDD0]  }
0x220: {  	v20 =	vld.idx.msk [tilespmem:v20+s10+$0x0], $0xffff  }
0x221: {  	v24 =	vld.idx.msk [tilespmem:v24+s10+$0x0], $0xffff  }
0x222: {  	v28 =	vor.u32 v40, v14;
	v21 =	vld.idx.msk [tilespmem:v26+s10+$0x0], $0xffff  }
0x223: {  	v26 =	vor.u32 v40, v46;
	[tilespmem:v42+s13+$0x0] =	vst.idx.msk $0xffff, v32;
	v31 =	vld.idx.msk [tilespmem:v31+s10+$0x0], $0xffff  }
0x224: {  	v30 =	vor.u32 v35, v16;
	v2 =	vld [tilespmem:$0x1FF30];
	[tilespmem:v34+s13+$0x0] =	vst.idx.msk $0xffff, v27;
	v25 =	vor.u32 v36, v13  }
0x225: {  	v23 =	vor.u32 v35, v15;
	v37 =	vld [tilespmem:$0x1FCF0];
	v42 =	vor.u32 v36, v9;
	_ =	sdelay $0x1  }
0x226: {  	[tilespmem:v28+s13+$0x0] =	vst.idx.msk $0xffff, v24  }
0x227: {  	v22 =	vor.u32 v35, v18;
	v38 =	vld [tilespmem:$0x1FF00];
	[tilespmem:v26+s13+$0x0] =	vst.idx.msk $0xffff, v21  }
0x228: {  	v29 =	vor.u32 v35, v47;
	v30 =	vld.idx.msk [tilespmem:v30+s10+$0x0], $0xffff;
	[tilespmem:v25+s13+$0x0] =	vst.idx.msk $0xffff, v20  }
0x229: {  	v23 =	vld.idx.msk [tilespmem:v23+s10+$0x0], $0xffff;
	v40 =	vor.u32 v2, v11;
	v34 =	vor.u32 v37, v5;
	[tilespmem:v42+s13+$0x0] =	vst.idx.msk $0xffff, v31  }
0x22a: {  	v27 =	vor.u32 v2, v10;
	v28 =	vor.u32 v37, v6;
	v42 =	vld [tilespmem:$0x1FD10];
	_ =	sdelay $0x1  }
0x22b: {  	v22 =	vld.idx.msk [tilespmem:v22+s10+$0x0], $0xffff  }
0x22c: {  	v26 =	vor.u32 v37, v14;
	v20 =	vld.idx.msk [tilespmem:v29+s10+$0x0], $0xffff  }
0x22d: {  	v29 =	vor.u32 v37, v46;
	v32 =	vld.idx.msk [tilespmem:v40+s10+$0x0], $0xffff;
	[tilespmem:v34+s13+$0x0] =	vst.idx.msk $0xffff, v30  }
0x22e: {  	v27 =	vld.idx.msk [tilespmem:v27+s10+$0x0], $0xffff;
	[tilespmem:v28+s13+$0x0] =	vst.idx.msk $0xffff, v23;
	v31 =	vor.u32 v42, v3  }
0x22f: {  	v24 =	vor.u32 v38, v16;
	v37 =	vld [tilespmem:$0x1FDE0];
	v30 =	vor.u32 v42, v0  }
0x230: {  	v21 =	vor.u32 v38, v15;
	v25 =	vor.u32 v38, v18;
	v40 =	vor.u32 v38, v47;
	v38 =	vld [tilespmem:$0x1FD00]  }
0x231: {  	[tilespmem:v26+s13+$0x0] =	vst.idx.msk $0xffff, v22  }
0x232: {  	v34 =	vld [tilespmem:$0x1FF20];
	[tilespmem:v29+s13+$0x0] =	vst.idx.msk $0xffff, v20  }
0x233: {  	[tilespmem:v31+s13+$0x0] =	vst.idx.msk $0xffff, v32  }
0x234: {  	v24 =	vld.idx.msk [tilespmem:v24+s10+$0x0], $0xffff;
	[tilespmem:v30+s13+$0x0] =	vst.idx.msk $0xffff, v27  }
0x235: {  	v23 =	vor.u32 v37, v8;
	v28 =	vor.u32 v38, v5;
	v35 =	vld [tilespmem:$0x1FDF0]  }
0x236: {  	v19 =	vld.idx.msk [tilespmem:v19+s10+$0x0], $0xffff  }
0x237: {  	v21 =	vld.idx.msk [tilespmem:v21+s10+$0x0], $0xffff;
	v26 =	vor.u32 v38, v6  }
0x238: {  	v25 =	vld.idx.msk [tilespmem:v25+s10+$0x0], $0xffff;
	v29 =	vor.u32 v38, v14  }
0x239: {  	v33 =	vor.u32 v38, v46;
	v32 =	vld.idx.msk [tilespmem:v40+s10+$0x0], $0xffff  }
0x23a: {  	v22 =	vor.u32 v34, v16;
	[tilespmem:v28+s13+$0x0] =	vst.idx.msk $0xffff, v24;
	v23 =	vld.idx.msk [tilespmem:v23+s10+$0x0], $0xffff;
	v27 =	vor.u32 v35, v13  }
0x23b: {  	v30 =	vor.u32 v34, v47;
	v40 =	vld [tilespmem:$0x1FD20];
	v28 =	vor.u32 v35, v9  }
0x23c: {  	[tilespmem:v26+s13+$0x0] =	vst.idx.msk $0xffff, v21  }
0x23d: {  	[tilespmem:v29+s13+$0x0] =	vst.idx.msk $0xffff, v25  }
0x23e: {  	v20 =	vor.u32 v34, v15;
	[tilespmem:v33+s13+$0x0] =	vst.idx.msk $0xffff, v32  }
0x23f: {  	v31 =	vor.u32 v34, v18;
	v22 =	vld.idx.msk [tilespmem:v22+s10+$0x0], $0xffff;
	[tilespmem:v27+s13+$0x0] =	vst.idx.msk $0xffff, v19  }
0x240: {  	v26 =	vor.u32 v61, v5;
	v24 =	vor.u32 v40, v11;
	v27 =	vld.idx.msk [tilespmem:v30+s10+$0x0], $0xffff;
	[tilespmem:v28+s13+$0x0] =	vst.idx.msk $0xffff, v23  }
0x241: {  	v29 =	vor.u32 v61, v6;
	v33 =	vor.u32 v61, v14;
	v30 =	vor.u32 v61, v46;
	v61 =	vld [tilespmem:$0x1FD30]  }
0x242: {  	v21 =	vor.u32 v40, v10  }
0x243: {  	v20 =	vld.idx.msk [tilespmem:v20+s10+$0x0], $0xffff  }
0x244: {  	v31 =	vld.idx.msk [tilespmem:v31+s10+$0x0], $0xffff  }
0x245: {  	[tilespmem:v26+s13+$0x0] =	vst.idx.msk $0xffff, v22;
	v24 =	vld.idx.msk [tilespmem:v24+s10+$0x0], $0xffff  }
0x246: {  	v34 =	vld [tilespmem:$0x1FE00];
	v23 =	vor.u32 v61, v3  }
0x247: {  	v25 =	vor.u32 v2, v16;
	v21 =	vld.idx.msk [tilespmem:v21+s10+$0x0], $0xffff;
	v22 =	vor.u32 v61, v0  }
0x248: {  	[tilespmem:v29+s13+$0x0] =	vst.idx.msk $0xffff, v20  }
0x249: {  	v32 =	vor.u32 v2, v15;
	[tilespmem:v33+s13+$0x0] =	vst.idx.msk $0xffff, v31  }
0x24a: {  	v19 =	vor.u32 v2, v18;
	[tilespmem:v30+s13+$0x0] =	vst.idx.msk $0xffff, v27  }
0x24b: {  	v28 =	vor.u32 v2, v47;
	[tilespmem:v23+s13+$0x0] =	vst.idx.msk $0xffff, v24  }
0x24c: {  	v2 =	vld.idx.msk [tilespmem:v25+s10+$0x0], $0xffff;
	v12 =	vor.u32 v34, v12;
	[tilespmem:v22+s13+$0x0] =	vst.idx.msk $0xffff, v21  }
0x24d: {  	v25 =	vor.u32 v42, v5;
	v8 =	vor.u32 v34, v8;
	v33 =	vld [tilespmem:$0x1FE10]  }
0x24e: {  	v26 =	vld.idx.msk [tilespmem:v32+s10+$0x0], $0xffff  }
0x24f: {  	v31 =	vor.u32 v42, v6;
	v19 =	vld.idx.msk [tilespmem:v19+s10+$0x0], $0xffff  }
0x250: {  	v30 =	vor.u32 v42, v14;
	v23 =	vld.idx.msk [tilespmem:v28+s10+$0x0], $0xffff  }
0x251: {  	v28 =	vor.u32 v42, v46;
	v12 =	vld.idx.msk [tilespmem:v12+s10+$0x0], $0xffff  }
0x252: {  	[tilespmem:v25+s13+$0x0] =	vst.idx.msk $0xffff, v2;
	v8 =	vld.idx.msk [tilespmem:v8+s10+$0x0], $0xffff;
	v13 =	vor.u32 v33, v13  }
0x253: {  	v29 =	vor.u32 v40, v16;
	v32 =	vld [tilespmem:$0x1FE20];
	v42 =	vor.u32 v33, v9  }
0x254: {  	[tilespmem:v31+s13+$0x0] =	vst.idx.msk $0xffff, v26  }
0x255: {  	v27 =	vor.u32 v40, v15;
	[tilespmem:v30+s13+$0x0] =	vst.idx.msk $0xffff, v19  }
0x256: {  	v24 =	vor.u32 v40, v18;
	[tilespmem:v28+s13+$0x0] =	vst.idx.msk $0xffff, v23  }
0x257: {  	v40 =	vor.u32 v40, v47;
	[tilespmem:v13+s13+$0x0] =	vst.idx.msk $0xffff, v12  }
0x258: {  	v25 =	vld.idx.msk [tilespmem:v29+s10+$0x0], $0xffff;
	v26 =	vor.u32 v61, v5;
	v20 =	vor.u32 v32, v11;
	[tilespmem:v42+s13+$0x0] =	vst.idx.msk $0xffff, v8  }
0x259: {  	v31 =	vld [tilespmem:$0x1FE30]  }
0x25a: {  	v27 =	vld.idx.msk [tilespmem:v27+s10+$0x0], $0xffff;
	v2 =	vor.u32 v32, v10  }
0x25b: {  	v29 =	vor.u32 v61, v6;
	v24 =	vld.idx.msk [tilespmem:v24+s10+$0x0], $0xffff  }
0x25c: {  	v28 =	vor.u32 v61, v14;
	v12 =	vld.idx.msk [tilespmem:v40+s10+$0x0], $0xffff  }
0x25d: {  	v40 =	vor.u32 v61, v46;
	v20 =	vld.idx.msk [tilespmem:v20+s10+$0x0], $0xffff;
	[tilespmem:v26+s13+$0x0] =	vst.idx.msk $0xffff, v25  }
0x25e: {  	v19 =	vor.u32 v32, v16;
	v30 =	vld [tilespmem:$0x1FD40];
	v8 =	vor.u32 v31, v3  }
0x25f: {  	v23 =	vor.u32 v32, v15;
	v22 =	vld.idx.msk [tilespmem:v2+s10+$0x0], $0xffff;
	v25 =	vor.u32 v31, v0  }
0x260: {  	[tilespmem:v29+s13+$0x0] =	vst.idx.msk $0xffff, v27  }
0x261: {  	v13 =	vor.u32 v32, v18;
	[tilespmem:v28+s13+$0x0] =	vst.idx.msk $0xffff, v24  }
0x262: {  	v42 =	vor.u32 v32, v47;
	[tilespmem:v40+s13+$0x0] =	vst.idx.msk $0xffff, v12  }
0x263: {  	v19 =	vld.idx.msk [tilespmem:v19+s10+$0x0], $0xffff;
	v61 =	vor.u32 v30, v11;
	[tilespmem:v8+s13+$0x0] =	vst.idx.msk $0xffff, v20  }
0x264: {  	v23 =	vld.idx.msk [tilespmem:v23+s10+$0x0], $0xffff;
	v26 =	vor.u32 v31, v5;
	v2 =	vor.u32 v30, v10;
	[tilespmem:v25+s13+$0x0] =	vst.idx.msk $0xffff, v22  }
0x265: {  	v28 =	vld [tilespmem:$0x1FE40]  }
0x266: {  	v13 =	vld.idx.msk [tilespmem:v13+s10+$0x0], $0xffff  }
0x267: {  	v24 =	vor.u32 v31, v6;
	v8 =	vld.idx.msk [tilespmem:v42+s10+$0x0], $0xffff  }
0x268: {  	v32 =	vor.u32 v30, v15;
	v15 =	vor.u32 v31, v14;
	v11 =	vld.idx.msk [tilespmem:v61+s10+$0x0], $0xffff  }
0x269: {  	v40 =	vor.u32 v30, v18;
	v18 =	vor.u32 v31, v46;
	v10 =	vld.idx.msk [tilespmem:v2+s10+$0x0], $0xffff;
	[tilespmem:v26+s13+$0x0] =	vst.idx.msk $0xffff, v19  }
0x26a: {  	v27 =	vld [tilespmem:$0x1FC80];
	v42 =	vor.u32 v28, v3  }
0x26b: {  	v16 =	vor.u32 v30, v16;
	v25 =	vld [tilespmem:$0x1FE50];
	v61 =	vor.u32 v28, v0  }
0x26c: {  	[tilespmem:v24+s13+$0x0] =	vst.idx.msk $0xffff, v23  }
0x26d: {  	[tilespmem:v15+s13+$0x0] =	vst.idx.msk $0xffff, v13  }
0x26e: {  	[tilespmem:v18+s13+$0x0] =	vst.idx.msk $0xffff, v8  }
0x26f: {  	v47 =	vor.u32 v30, v47;
	[tilespmem:v42+s13+$0x0] =	vst.idx.msk $0xffff, v11  }
0x270: {  	v16 =	vld.idx.msk [tilespmem:v16+s10+$0x0], $0xffff;
	v19 =	vor.u32 v25, v27;
	[tilespmem:v61+s13+$0x0] =	vst.idx.msk $0xffff, v10  }
0x271: {  	v24 =	vor.u32 v28, v5;
	v23 =	vor.u32 v25, v1;
	v26 =	vld [tilespmem:$0x1FE60]  }
0x272: {  	v12 =	vld.idx.msk [tilespmem:v32+s10+$0x0], $0xffff  }
0x273: {  	v9 =	vld.idx.msk [tilespmem:v40+s10+$0x0], $0xffff;
	v15 =	vor.u32 v28, v6  }
0x274: {  	v18 =	vor.u32 v28, v14;
	v32 =	vld.idx.msk [tilespmem:v47+s10+$0x0], $0xffff  }
0x275: {  	v2 =	vor.u32 v25, v4;
	v42 =	vor.u32 v28, v46;
	v19 =	vld.idx.msk [tilespmem:v19+s10+$0x0], $0xffff  }
0x276: {  	v8 =	vor.u32 v25, v7;
	v23 =	vld.idx.msk [tilespmem:v23+s10+$0x0], $0xffff;
	[tilespmem:v24+s13+$0x0] =	vst.idx.msk $0xffff, v16;
	v47 =	vor.u32 v26, v3  }
0x277: {  	v40 =	vor.u32 v25, v17;
	v61 =	vor.u32 v25, v50;
	v25 =	vld [tilespmem:$0x1FE70];
	v24 =	vor.u32 v26, v0  }
0x278: {  	[tilespmem:v15+s13+$0x0] =	vst.idx.msk $0xffff, v12  }
0x279: {  	[tilespmem:v18+s13+$0x0] =	vst.idx.msk $0xffff, v9  }
0x27a: {  	[tilespmem:v42+s13+$0x0] =	vst.idx.msk $0xffff, v32  }
0x27b: {  	v15 =	vor.u32 v26, v5;
	[tilespmem:v47+s13+$0x0] =	vst.idx.msk $0xffff, v19  }
0x27c: {  	v13 =	vld.idx.msk [tilespmem:v2+s10+$0x0], $0xffff;
	v18 =	vor.u32 v26, v6;
	v16 =	vor.u32 v25, v27;
	[tilespmem:v24+s13+$0x0] =	vst.idx.msk $0xffff, v23  }
0x27d: {  	v32 =	vor.u32 v26, v14;
	v42 =	vor.u32 v26, v46;
	v12 =	vor.u32 v25, v1;
	v26 =	vld [tilespmem:$0x1FD50]  }
0x27e: {  	v8 =	vld.idx.msk [tilespmem:v8+s10+$0x0], $0xffff  }
0x27f: {  	v20 =	vld.idx.msk [tilespmem:v40+s10+$0x0], $0xffff  }
0x280: {  	v40 =	vld.idx.msk [tilespmem:v61+s10+$0x0], $0xffff  }
0x281: {  	v9 =	vor.u32 v25, v4;
	v16 =	vld.idx.msk [tilespmem:v16+s10+$0x0], $0xffff  }
0x282: {  	v2 =	vor.u32 v25, v7;
	[tilespmem:v15+s13+$0x0] =	vst.idx.msk $0xffff, v13;
	v12 =	vld.idx.msk [tilespmem:v12+s10+$0x0], $0xffff;
	v47 =	vor.u32 v26, v3  }
0x283: {  	v19 =	vor.u32 v25, v17;
	v24 =	vor.u32 v25, v50;
	v25 =	vld [tilespmem:$0x1FD60];
	v15 =	vor.u32 v26, v0  }
0x284: {  	[tilespmem:v18+s13+$0x0] =	vst.idx.msk $0xffff, v8  }
0x285: {  	[tilespmem:v32+s13+$0x0] =	vst.idx.msk $0xffff, v20  }
0x286: {  	v9 =	vld.idx.msk [tilespmem:v9+s10+$0x0], $0xffff;
	[tilespmem:v42+s13+$0x0] =	vst.idx.msk $0xffff, v40  }
0x287: {  	v11 =	vld.idx.msk [tilespmem:v2+s10+$0x0], $0xffff;
	v18 =	vor.u32 v26, v5;
	[tilespmem:v47+s13+$0x0] =	vst.idx.msk $0xffff, v16  }
0x288: {  	v40 =	vld.idx.msk [tilespmem:v24+s10+$0x0], $0xffff;
	v2 =	vor.u32 v26, v6;
	v61 =	vor.u32 v25, v27;
	[tilespmem:v15+s13+$0x0] =	vst.idx.msk $0xffff, v12  }
0x289: {  	v32 =	vor.u32 v26, v14;
	v24 =	vor.u32 v26, v46;
	v8 =	vor.u32 v25, v1;
	v26 =	vld [tilespmem:$0x1FD70];
	_ =	sdelay $0x1  }
0x28a: {  	v20 =	vor.u32 v25, v4  }
0x28b: {  	v19 =	vld.idx.msk [tilespmem:v19+s10+$0x0], $0xffff  }
0x28c: {  	v13 =	vld.idx.msk [tilespmem:v61+s10+$0x0], $0xffff  }
0x28d: {  	v10 =	vor.u32 v25, v7;
	[tilespmem:v18+s13+$0x0] =	vst.idx.msk $0xffff, v9;
	v8 =	vld.idx.msk [tilespmem:v8+s10+$0x0], $0xffff;
	v42 =	vor.u32 v26, v3  }
0x28e: {  	v16 =	vor.u32 v25, v17;
	v15 =	vor.u32 v25, v50;
	v25 =	vld [tilespmem:$0x1FD80];
	v18 =	vor.u32 v26, v0  }
0x28f: {  	[tilespmem:v2+s13+$0x0] =	vst.idx.msk $0xffff, v11;
	v20 =	vld.idx.msk [tilespmem:v20+s10+$0x0], $0xffff;
	v2 =	vor.u32 v26, v5  }
0x290: {  	[tilespmem:v32+s13+$0x0] =	vst.idx.msk $0xffff, v19  }
0x291: {  	[tilespmem:v24+s13+$0x0] =	vst.idx.msk $0xffff, v40  }
0x292: {  	v32 =	vor.u32 v26, v6;
	v24 =	vor.u32 v26, v14;
	[tilespmem:v42+s13+$0x0] =	vst.idx.msk $0xffff, v13  }
0x293: {  	v47 =	vor.u32 v25, v27;
	v61 =	vor.u32 v25, v1;
	v42 =	vld.idx.msk [tilespmem:v15+s10+$0x0], $0xffff;
	[tilespmem:v18+s13+$0x0] =	vst.idx.msk $0xffff, v8  }
0x294: {  	v19 =	vor.u32 v25, v4;
	v15 =	vor.u32 v26, v46;
	v26 =	vld [tilespmem:$0x1FD90];
	[tilespmem:v2+s13+$0x0] =	vst.idx.msk $0xffff, v20  }
0x295: {  	v40 =	vor.u32 v25, v7;
	v12 =	vor.u32 v25, v17;
	v18 =	vor.u32 v25, v50;
	v25 =	vld [tilespmem:$0x1FDA0]  }
0x296: {  	v10 =	vld.idx.msk [tilespmem:v10+s10+$0x0], $0xffff  }
0x297: {  	v16 =	vld.idx.msk [tilespmem:v16+s10+$0x0], $0xffff;
	_ =	sdelay $0x1  }
0x298: {  	v9 =	vld.idx.msk [tilespmem:v47+s10+$0x0], $0xffff;
	v8 =	vor.u32 v26, v3  }
0x299: {  	v11 =	vld.idx.msk [tilespmem:v61+s10+$0x0], $0xffff;
	v61 =	vor.u32 v26, v0;
	v47 =	vor.u32 v25, v27  }
0x29a: {  	[tilespmem:v32+s13+$0x0] =	vst.idx.msk $0xffff, v10;
	v19 =	vld.idx.msk [tilespmem:v19+s10+$0x0], $0xffff;
	v32 =	vor.u32 v26, v5;
	v2 =	vor.u32 v25, v1  }
0x29b: {  	[tilespmem:v24+s13+$0x0] =	vst.idx.msk $0xffff, v16;
	v23 =	vld.idx.msk [tilespmem:v40+s10+$0x0], $0xffff;
	v24 =	vor.u32 v26, v6;
	v16 =	vor.u32 v25, v4  }
0x29c: {  	v12 =	vld.idx.msk [tilespmem:v12+s10+$0x0], $0xffff;
	[tilespmem:v15+s13+$0x0] =	vst.idx.msk $0xffff, v42;
	v15 =	vor.u32 v26, v14;
	v40 =	vor.u32 v25, v7  }
0x29d: {  	v42 =	vld.idx.msk [tilespmem:v18+s10+$0x0], $0xffff;
	v18 =	vor.u32 v26, v46;
	[tilespmem:v8+s13+$0x0] =	vst.idx.msk $0xffff, v9;
	v8 =	vor.u32 v25, v17  }
0x29e: {  	[tilespmem:v61+s13+$0x0] =	vst.idx.msk $0xffff, v11;
	v61 =	vor.u32 v25, v50;
	v20 =	vld.idx.msk [tilespmem:v47+s10+$0x0], $0xffff;
	v47 =	vor.u32 v41, v3  }
0x29f: {  	[tilespmem:v32+s13+$0x0] =	vst.idx.msk $0xffff, v19;
	v19 =	vor.u32 v39, v27;
	v10 =	vld.idx.msk [tilespmem:v2+s10+$0x0], $0xffff;
	v2 =	vor.u32 v41, v0  }
0x2a0: {  	[tilespmem:v24+s13+$0x0] =	vst.idx.msk $0xffff, v23;
	v32 =	vor.u32 v39, v1;
	v24 =	vor.u32 v41, v5;
	v16 =	vld.idx.msk [tilespmem:v16+s10+$0x0], $0xffff  }
0x2a1: {  	[tilespmem:v15+s13+$0x0] =	vst.idx.msk $0xffff, v12;
	v12 =	vor.u32 v39, v4;
	v15 =	vor.u32 v41, v6;
	v13 =	vld.idx.msk [tilespmem:v40+s10+$0x0], $0xffff  }
0x2a2: {  	[tilespmem:v18+s13+$0x0] =	vst.idx.msk $0xffff, v42;
	v9 =	vor.u32 v39, v7;
	v18 =	vor.u32 v41, v14;
	v8 =	vld.idx.msk [tilespmem:v8+s10+$0x0], $0xffff  }
0x2a3: {  	v40 =	vor.u32 v39, v17;
	v42 =	vld.idx.msk [tilespmem:v61+s10+$0x0], $0xffff;
	[tilespmem:v47+s13+$0x0] =	vst.idx.msk $0xffff, v20;
	v47 =	vor.u32 v41, v46  }
0x2a4: {  	v61 =	vor.u32 v36, v3;
	[tilespmem:v2+s13+$0x0] =	vst.idx.msk $0xffff, v10;
	v2 =	vor.u32 v39, v50;
	v19 =	vld.idx.msk [tilespmem:v19+s10+$0x0], $0xffff  }
0x2a5: {  	[tilespmem:v24+s13+$0x0] =	vst.idx.msk $0xffff, v16;
	v16 =	vor.u32 v37, v27;
	v24 =	vor.u32 v36, v0;
	v23 =	vld.idx.msk [tilespmem:v32+s10+$0x0], $0xffff  }
0x2a6: {  	[tilespmem:v15+s13+$0x0] =	vst.idx.msk $0xffff, v13;
	v15 =	vor.u32 v36, v5;
	v32 =	vor.u32 v37, v1;
	v12 =	vld.idx.msk [tilespmem:v12+s10+$0x0], $0xffff  }
0x2a7: {  	v9 =	vld.idx.msk [tilespmem:v9+s10+$0x0], $0xffff;
	[tilespmem:v18+s13+$0x0] =	vst.idx.msk $0xffff, v8;
	v8 =	vor.u32 v37, v4;
	v18 =	vor.u32 v36, v6  }
0x2a8: {  	v20 =	vor.u32 v37, v7;
	v39 =	vor.u32 v36, v14;
	[tilespmem:v47+s13+$0x0] =	vst.idx.msk $0xffff, v42;
	v11 =	vld.idx.msk [tilespmem:v40+s10+$0x0], $0xffff  }
0x2a9: {  	v41 =	vor.u32 v36, v46;
	v40 =	vor.u32 v37, v17;
	[tilespmem:v61+s13+$0x0] =	vst.idx.msk $0xffff, v19;
	v19 =	vld.idx.msk [tilespmem:v2+s10+$0x0], $0xffff  }
0x2aa: {  	v42 =	vor.u32 v35, v3;
	[tilespmem:v24+s13+$0x0] =	vst.idx.msk $0xffff, v23;
	v24 =	vor.u32 v37, v50;
	v16 =	vld.idx.msk [tilespmem:v16+s10+$0x0], $0xffff  }
0x2ab: {  	[tilespmem:v15+s13+$0x0] =	vst.idx.msk $0xffff, v12;
	v61 =	vor.u32 v34, v27;
	v47 =	vld.idx.msk [tilespmem:v32+s10+$0x0], $0xffff;
	v32 =	vor.u32 v35, v0  }
0x2ac: {  	v36 =	vor.u32 v34, v1;
	v37 =	vor.u32 v35, v5;
	[tilespmem:v18+s13+$0x0] =	vst.idx.msk $0xffff, v9;
	v8 =	vld.idx.msk [tilespmem:v8+s10+$0x0], $0xffff  }
0x2ad: {  	v4 =	vor.u32 v34, v4;
	v15 =	vor.u32 v35, v6;
	[tilespmem:v39+s13+$0x0] =	vst.idx.msk $0xffff, v11;
	v39 =	vld.idx.msk [tilespmem:v20+s10+$0x0], $0xffff  }
0x2ae: {  	v7 =	vor.u32 v34, v7;
	v18 =	vor.u32 v35, v14;
	[tilespmem:v41+s13+$0x0] =	vst.idx.msk $0xffff, v19;
	v10 =	vld.idx.msk [tilespmem:v40+s10+$0x0], $0xffff  }
0x2af: {  	v17 =	vor.u32 v34, v17;
	v19 =	vor.u32 v35, v46;
	[tilespmem:v42+s13+$0x0] =	vst.idx.msk $0xffff, v16;
	v16 =	vld.idx.msk [tilespmem:v24+s10+$0x0], $0xffff  }
0x2b0: {  	v40 =	vor.u32 v33, v3;
	v41 =	vor.u32 v34, v50;
	[tilespmem:v32+s13+$0x0] =	vst.idx.msk $0xffff, v47;
	v2 =	vld.idx.msk [tilespmem:v61+s10+$0x0], $0xffff  }
0x2b1: {  	v42 =	vor.u32 v33, v0;
	v1 =	vld.idx.msk [tilespmem:v36+s10+$0x0], $0xffff;
	[tilespmem:v37+s13+$0x0] =	vst.idx.msk $0xffff, v8  }
0x2b2: {  	v5 =	vor.u32 v33, v5;
	[tilespmem:v15+s13+$0x0] =	vst.idx.msk $0xffff, v39;
	v4 =	vld.idx.msk [tilespmem:v4+s10+$0x0], $0xffff  }
0x2b3: {  	v6 =	vor.u32 v33, v6;
	[tilespmem:v18+s13+$0x0] =	vst.idx.msk $0xffff, v10;
	v7 =	vld.idx.msk [tilespmem:v7+s10+$0x0], $0xffff  }
0x2b4: {  	v47 =	vor.u32 v33, v14;
	[tilespmem:v19+s13+$0x0] =	vst.idx.msk $0xffff, v16;
	v8 =	vld.idx.msk [tilespmem:v17+s10+$0x0], $0xffff  }
0x2b5: {  	v61 =	vor.u32 v33, v46;
	[tilespmem:v40+s13+$0x0] =	vst.idx.msk $0xffff, v2;
	v50 =	vld.idx.msk [tilespmem:v41+s10+$0x0], $0xffff  }
0x2b6: {  	[tilespmem:v42+s13+$0x0] =	vst.idx.msk $0xffff, v1  }
0x2b7: {  	[tilespmem:v5+s13+$0x0] =	vst.idx.msk $0xffff, v4  }
0x2b8: {  	[tilespmem:v6+s13+$0x0] =	vst.idx.msk $0xffff, v7  }
0x2b9: {  	[tilespmem:v47+s13+$0x0] =	vst.idx.msk $0xffff, v8  }
0x2ba: {  	[tilespmem:v61+s13+$0x0] =	vst.idx.msk $0xffff, v50  }
0x2bb: {  	v7 =	vld [tilespmem:$0x1FFB0]  }
0x2bc: {  	v6 =	vld [tilespmem:$0x1FFC0]  }
0x2bd: {  	v16 =	vld [tilespmem:$0x1FF50]  }
0x2be: {  	s22 =	sshrl.u32 s20, $0x2;
	v27 =	vld [tilespmem:$0x1FC90]  }
0x2bf: {  	s24 =	sshll.u32 s20, $0x10;
	p1 =	sne.s32 s20, $0x63;
	s22 =	sadd.s32 s6, s22;
	v25 =	vld [tilespmem:$0x1FCA0]  }
.Ltmp1:
0x2c0: {  	s28 =	sshll.u32 s22, $0xD;
	s25 =	sshll.u32 s22, $0x7;
	v24 =	vld [tilespmem:$0x1FCB0];
	(pc) =	sbr.rel @p1 .LBB2_6-.Ltmp1, $4  }
0x2c1: {  	s29 =	sand.u32 $0x30000, s24;
	s22 =	sand.u32 $0xFFC0000, s28;
	s30 =	sand.u32 $0xF80, s25;
	v39 =	vld [tilespmem:$0x1FCC0]  }
0x2c2: {  	s31 =	sor.u32 s22, s29;
	s23 =	sadd.s32 s1, s30;
	v28 =	vld [tilespmem:$0x1FCD0]  }
0x2c3: {  	s24 =	sadd.s32 s31, s23;
	v29 =	vld [tilespmem:$0x1FCE0]  }
0x2c4: {  	v34 =	vmov v38;
	[hbm4b:s24+s14] =	stream.strided.scatter [tilespmem:s13], [sflag:$0x2], $0x2000, s15, s14, $0x38;
	v26 =	vld [tilespmem:$0x1FCF0]  }
.Ltmp2:
0x2c5: {  	(pc) =	sbr.rel .LBB2_7-.Ltmp2, $4  }
0x2c6: {  	_ = 	snop  }
0x2c7: {  	_ =	swait.ge [sflag:s12], $0x4000  }
0x2c8: {  	[sflag:s12] =	ssyncset.done $0x0  }
0x2c9: {  	[sflag:s12] =	ssyncadd.s32 $0xFFFFC000  }
.LBB2_6:
0x2ca: {  	s24 =	sshll.u32 s20, $0x8  }
0x2cb: {  	s24 =	sand.u32 $0x3FFFFF00, s24  }
.Ltmp3:
0x2cc: {  	s24 =	sadd.s32 $0x100, s24;
	(pc) =	sbr.rel @p0 .LBB2_8-.Ltmp3, $4  }
0x2cd: {  	[tilespmem:s10], [sflag:$0x1] =	stream.indirect.gather [hbm4b:s4+s9], $0x80, s24, s9, $0xb8;
	[tilespmem:$0x12400] =	vst v63  }
0x2ce: {  	_ =	swait.ge [sflag:s12], $0x4000  }
0x2cf: {  	[sflag:s12] =	ssyncset.done $0x0  }
0x2d0: {  	[sflag:s12] =	ssyncadd.s32 $0xFFFFC000  }
.LBB2_7:
0x2d1: {  	_ =	swait.ge [sflag:s16], $0x2000  }
0x2d2: {  	[sflag:s16] =	ssyncset.done $0x0  }
0x2d3: {  	[sflag:s16] =	ssyncadd.s32 $0xFFFFE000  }
.LBB2_8:
0x2d4: {  	s24 =	simm.s32 $0x0  }
0x2d5: {  	s25 =	simm.s32 $0x1;
	v12 =	vadd.s32 s24, v63  }
0x2d6: {  	v9 =	vadd.s32 s25, v63;
	v17 =	vand.u32 $0xF, v12  }
0x2d7: {  	v14 =	vand.u32 $0xF, v9;
	v0 =	vor.u32 v43, v17  }
0x2d8: {  	v1 =	vor.u32 v43, v14;
	_ =	sdelay $0x1  }
0x2d9: {  	v2 =	vshll.u32 v12, $0x7  }
0x2da: {  	v13 =	vand.u32 $0x780, v2;
	v2 =	vshll.u32 v9, $0x7  }
0x2db: {  	v3 =	vor.u32 v63, v13;
	v8 =	vand.u32 $0x780, v2;
	v0 =	vld.idx.msk [tilespmem:v0+s11+$0x0], $0xffff  }
0x2dc: {  	v4 =	vor.u32 v63, v8;
	v1 =	vld.idx.msk [tilespmem:v1+s11+$0x0], $0xffff;
	_ =	sdelay $0x3  }
0x2dd: {  	[tilespmem:v3+s17+$0x0] =	vst.idx.msk $0xffff, v0  }
0x2de: {  	v2 =	vor.u32 v44, v17;
	[tilespmem:v4+s17+$0x0] =	vst.idx.msk $0xffff, v1  }
0x2df: {  	v5 =	vor.u32 v44, v14;
	v37 =	vld [tilespmem:$0x1FEF0];
	_ =	sdelay $0x3  }
0x2e0: {  	v0 =	vld.idx.msk [tilespmem:v2+s11+$0x0], $0xffff;
	v2 =	vor.u32 v45, v13  }
0x2e1: {  	v4 =	vor.u32 v45, v8;
	v3 =	vld.idx.msk [tilespmem:v5+s11+$0x0], $0xffff;
	v1 =	vor.u32 v37, v17  }
0x2e2: {  	v5 =	vor.u32 v37, v14;
	_ =	sdelay $0x2  }
0x2e3: {  	[tilespmem:v2+s17+$0x0] =	vst.idx.msk $0xffff, v0  }
0x2e4: {  	v0 =	vor.u32 v48, v13;
	[tilespmem:v4+s17+$0x0] =	vst.idx.msk $0xffff, v3;
	v1 =	vld.idx.msk [tilespmem:v1+s11+$0x0], $0xffff  }
0x2e5: {  	v3 =	vor.u32 v49, v17;
	v4 =	vor.u32 v48, v8;
	v2 =	vld.idx.msk [tilespmem:v5+s11+$0x0], $0xffff  }
0x2e6: {  	v5 =	vor.u32 v49, v14;
	_ =	sdelay $0x2  }
0x2e7: {  	[tilespmem:v0+s17+$0x0] =	vst.idx.msk $0xffff, v1  }
0x2e8: {  	[tilespmem:v4+s17+$0x0] =	vst.idx.msk $0xffff, v2;
	v1 =	vor.u32 v51, v13;
	v0 =	vld.idx.msk [tilespmem:v3+s11+$0x0], $0xffff  }
0x2e9: {  	v4 =	vor.u32 v51, v8;
	v2 =	vld.idx.msk [tilespmem:v5+s11+$0x0], $0xffff;
	v3 =	vor.u32 v52, v17  }
0x2ea: {  	v5 =	vor.u32 v52, v14;
	_ =	sdelay $0x2  }
0x2eb: {  	[tilespmem:v1+s17+$0x0] =	vst.idx.msk $0xffff, v0  }
0x2ec: {  	[tilespmem:v4+s17+$0x0] =	vst.idx.msk $0xffff, v2;
	v1 =	vor.u32 v53, v13;
	v0 =	vld.idx.msk [tilespmem:v3+s11+$0x0], $0xffff  }
0x2ed: {  	v4 =	vor.u32 v53, v8;
	v2 =	vld.idx.msk [tilespmem:v5+s11+$0x0], $0xffff;
	v3 =	vor.u32 v54, v17  }
0x2ee: {  	v5 =	vor.u32 v54, v14;
	_ =	sdelay $0x2  }
0x2ef: {  	[tilespmem:v1+s17+$0x0] =	vst.idx.msk $0xffff, v0  }
0x2f0: {  	[tilespmem:v4+s17+$0x0] =	vst.idx.msk $0xffff, v2;
	v1 =	vor.u32 v55, v13;
	v0 =	vld.idx.msk [tilespmem:v3+s11+$0x0], $0xffff  }
0x2f1: {  	v4 =	vor.u32 v55, v8;
	v2 =	vld.idx.msk [tilespmem:v5+s11+$0x0], $0xffff;
	v3 =	vor.u32 v56, v17  }
0x2f2: {  	v5 =	vor.u32 v56, v14;
	_ =	sdelay $0x2  }
0x2f3: {  	[tilespmem:v1+s17+$0x0] =	vst.idx.msk $0xffff, v0  }
0x2f4: {  	[tilespmem:v4+s17+$0x0] =	vst.idx.msk $0xffff, v2;
	v1 =	vor.u32 v57, v13;
	v0 =	vld.idx.msk [tilespmem:v3+s11+$0x0], $0xffff  }
0x2f5: {  	v4 =	vor.u32 v57, v8;
	v2 =	vld.idx.msk [tilespmem:v5+s11+$0x0], $0xffff;
	v3 =	vor.u32 v58, v17  }
0x2f6: {  	v5 =	vor.u32 v58, v14;
	_ =	sdelay $0x2  }
0x2f7: {  	[tilespmem:v1+s17+$0x0] =	vst.idx.msk $0xffff, v0  }
0x2f8: {  	[tilespmem:v4+s17+$0x0] =	vst.idx.msk $0xffff, v2;
	v1 =	vor.u32 v59, v13;
	v0 =	vld.idx.msk [tilespmem:v3+s11+$0x0], $0xffff  }
0x2f9: {  	v4 =	vor.u32 v59, v8;
	v2 =	vld.idx.msk [tilespmem:v5+s11+$0x0], $0xffff;
	v3 =	vor.u32 v60, v12  }
0x2fa: {  	v5 =	vor.u32 v60, v9;
	_ =	sdelay $0x2  }
0x2fb: {  	[tilespmem:v1+s17+$0x0] =	vst.idx.msk $0xffff, v0  }
0x2fc: {  	[tilespmem:v4+s17+$0x0] =	vst.idx.msk $0xffff, v2;
	v0 =	vld.idx.msk [tilespmem:v3+s11+$0x0], $0xffff;
	v3 =	vor.u32 v7, v13  }
0x2fd: {  	v30 =	vmov v6;
	v4 =	vor.u32 v6, v12;
	v6 =	vor.u32 v7, v8;
	v5 =	vld.idx.msk [tilespmem:v5+s11+$0x0], $0xffff  }
0x2fe: {  	v31 =	vmov v7;
	v7 =	vor.u32 v30, v9;
	_ =	sdelay $0x2  }
0x2ff: {  	[tilespmem:v3+s17+$0x0] =	vst.idx.msk $0xffff, v0  }
0x300: {  	[tilespmem:v6+s17+$0x0] =	vst.idx.msk $0xffff, v5;
	v6 =	vor.u32 v62, v13;
	v4 =	vld.idx.msk [tilespmem:v4+s11+$0x0], $0xffff  }
0x301: {  	v18 =	vor.u32 v62, v8;
	v7 =	vld.idx.msk [tilespmem:v7+s11+$0x0], $0xffff  }
0x302: {  	s26 =	simm.s32 $0x2  }
0x303: {  	s28 =	simm.s32 $0x3;
	v2 =	vadd.s32 s26, v63  }
0x304: {  	v1 =	vadd.s32 s28, v63;
	v11 =	vand.u32 $0xF, v2  }
0x305: {  	v10 =	vand.u32 $0xF, v1;
	v15 =	vor.u32 v43, v11;
	[tilespmem:v6+s17+$0x0] =	vst.idx.msk $0xffff, v4  }
0x306: {  	v5 =	vor.u32 v43, v10;
	[tilespmem:v18+s17+$0x0] =	vst.idx.msk $0xffff, v7  }
0x307: {  	v3 =	vmov v16;
	v16 =	vor.u32 v16, v12;
	v38 =	vld [tilespmem:$0x1FE80]  }
0x308: {  	v0 =	vshll.u32 v2, $0x7;
	v19 =	vor.u32 v3, v9  }
0x309: {  	v32 =	vmov v3;
	v3 =	vand.u32 $0x780, v0;
	v0 =	vshll.u32 v1, $0x7  }
0x30a: {  	v15 =	vld.idx.msk [tilespmem:v15+s11+$0x0], $0xffff;
	v20 =	vor.u32 v63, v3;
	v0 =	vand.u32 $0x780, v0  }
0x30b: {  	v5 =	vld.idx.msk [tilespmem:v5+s11+$0x0], $0xffff;
	v4 =	vor.u32 v63, v0  }
0x30c: {  	v6 =	vld.idx.msk [tilespmem:v16+s11+$0x0], $0xffff;
	v16 =	vor.u32 v38, v13  }
0x30d: {  	v18 =	vld.idx.msk [tilespmem:v19+s11+$0x0], $0xffff;
	v22 =	vor.u32 v38, v8  }
0x30e: {  	v50 =	vld [tilespmem:$0x1FF40]  }
0x30f: {  	[tilespmem:v20+s17+$0x0] =	vst.idx.msk $0xffff, v15  }
0x310: {  	[tilespmem:v4+s17+$0x0] =	vst.idx.msk $0xffff, v5  }
0x311: {  	v21 =	vor.u32 v44, v11;
	[tilespmem:v16+s17+$0x0] =	vst.idx.msk $0xffff, v6  }
0x312: {  	v7 =	vor.u32 v44, v10;
	[tilespmem:v22+s17+$0x0] =	vst.idx.msk $0xffff, v18  }
0x313: {  	v19 =	vor.u32 v50, v12;
	v41 =	vld [tilespmem:$0x1FE90]  }
0x314: {  	v23 =	vor.u32 v50, v9;
	_ =	sdelay $0x1  }
0x315: {  	v20 =	vor.u32 v45, v3;
	v15 =	vld.idx.msk [tilespmem:v21+s11+$0x0], $0xffff  }
0x316: {  	v5 =	vld.idx.msk [tilespmem:v7+s11+$0x0], $0xffff;
	v6 =	vor.u32 v45, v0  }
0x317: {  	v7 =	vld.idx.msk [tilespmem:v19+s11+$0x0], $0xffff;
	v18 =	vor.u32 v41, v13  }
0x318: {  	v19 =	vld.idx.msk [tilespmem:v23+s11+$0x0], $0xffff;
	v22 =	vor.u32 v41, v8  }
0x319: {  	v46 =	vld [tilespmem:$0x1FEA0]  }
0x31a: {  	[tilespmem:v20+s17+$0x0] =	vst.idx.msk $0xffff, v15  }
0x31b: {  	[tilespmem:v6+s17+$0x0] =	vst.idx.msk $0xffff, v5  }
0x31c: {  	v4 =	vor.u32 v37, v11;
	[tilespmem:v18+s17+$0x0] =	vst.idx.msk $0xffff, v7  }
0x31d: {  	v16 =	vor.u32 v37, v10;
	[tilespmem:v22+s17+$0x0] =	vst.idx.msk $0xffff, v19  }
0x31e: {  	v21 =	vor.u32 v46, v12;
	v47 =	vld [tilespmem:$0x1FEB0]  }
0x31f: {  	v23 =	vor.u32 v46, v9;
	_ =	sdelay $0x1  }
0x320: {  	v15 =	vor.u32 v48, v3;
	v4 =	vld.idx.msk [tilespmem:v4+s11+$0x0], $0xffff  }
0x321: {  	v5 =	vld.idx.msk [tilespmem:v16+s11+$0x0], $0xffff;
	v7 =	vor.u32 v48, v0  }
0x322: {  	v16 =	vld.idx.msk [tilespmem:v21+s11+$0x0], $0xffff;
	v19 =	vor.u32 v47, v13  }
0x323: {  	v20 =	vld.idx.msk [tilespmem:v23+s11+$0x0], $0xffff;
	v22 =	vor.u32 v47, v8  }
0x324: {  	v61 =	vld [tilespmem:$0x1FEC0]  }
0x325: {  	[tilespmem:v15+s17+$0x0] =	vst.idx.msk $0xffff, v4  }
0x326: {  	[tilespmem:v7+s17+$0x0] =	vst.idx.msk $0xffff, v5  }
0x327: {  	v6 =	vor.u32 v49, v11;
	[tilespmem:v19+s17+$0x0] =	vst.idx.msk $0xffff, v16  }
0x328: {  	v18 =	vor.u32 v49, v10;
	[tilespmem:v22+s17+$0x0] =	vst.idx.msk $0xffff, v20  }
0x329: {  	v23 =	vor.u32 v61, v9;
	v36 =	vld [tilespmem:$0x1FED0]  }
0x32a: {  	v21 =	vor.u32 v61, v12;
	v35 =	vld [tilespmem:$0x1FEE0];
	_ =	sdelay $0x1  }
0x32b: {  	v4 =	vld.idx.msk [tilespmem:v6+s11+$0x0], $0xffff;
	v5 =	vor.u32 v51, v3  }
0x32c: {  	v15 =	vor.u32 v51, v0;
	v7 =	vor.u32 v52, v11;
	v6 =	vld.idx.msk [tilespmem:v18+s11+$0x0], $0xffff  }
0x32d: {  	v18 =	vor.u32 v52, v10;
	v20 =	vld.idx.msk [tilespmem:v23+s11+$0x0], $0xffff;
	v22 =	vor.u32 v36, v8  }
0x32e: {  	v16 =	vld.idx.msk [tilespmem:v21+s11+$0x0], $0xffff;
	v19 =	vor.u32 v36, v13;
	v23 =	vor.u32 v35, v9  }
0x32f: {  	v21 =	vor.u32 v35, v12  }
0x330: {  	[tilespmem:v5+s17+$0x0] =	vst.idx.msk $0xffff, v4  }
0x331: {  	[tilespmem:v15+s17+$0x0] =	vst.idx.msk $0xffff, v6;
	v5 =	vor.u32 v53, v3;
	v4 =	vld.idx.msk [tilespmem:v7+s11+$0x0], $0xffff  }
0x332: {  	v15 =	vor.u32 v53, v0;
	v6 =	vld.idx.msk [tilespmem:v18+s11+$0x0], $0xffff;
	v7 =	vor.u32 v54, v11;
	[tilespmem:v22+s17+$0x0] =	vst.idx.msk $0xffff, v20  }
0x333: {  	v18 =	vor.u32 v54, v10;
	[tilespmem:v19+s17+$0x0] =	vst.idx.msk $0xffff, v16;
	v22 =	vor.u32 v27, v8;
	v20 =	vld.idx.msk [tilespmem:v23+s11+$0x0], $0xffff  }
0x334: {  	v19 =	vor.u32 v27, v13;
	v16 =	vld.idx.msk [tilespmem:v21+s11+$0x0], $0xffff;
	v23 =	vor.u32 v25, v9  }
0x335: {  	v21 =	vor.u32 v25, v12  }
0x336: {  	[tilespmem:v5+s17+$0x0] =	vst.idx.msk $0xffff, v4  }
0x337: {  	[tilespmem:v15+s17+$0x0] =	vst.idx.msk $0xffff, v6;
	v5 =	vor.u32 v55, v3;
	v4 =	vld.idx.msk [tilespmem:v7+s11+$0x0], $0xffff  }
0x338: {  	v15 =	vor.u32 v55, v0;
	v6 =	vld.idx.msk [tilespmem:v18+s11+$0x0], $0xffff;
	v7 =	vor.u32 v56, v11;
	[tilespmem:v22+s17+$0x0] =	vst.idx.msk $0xffff, v20  }
0x339: {  	v18 =	vor.u32 v56, v10;
	[tilespmem:v19+s17+$0x0] =	vst.idx.msk $0xffff, v16;
	v22 =	vor.u32 v24, v8;
	v20 =	vld.idx.msk [tilespmem:v23+s11+$0x0], $0xffff  }
0x33a: {  	v19 =	vor.u32 v24, v13;
	v16 =	vld.idx.msk [tilespmem:v21+s11+$0x0], $0xffff;
	v23 =	vor.u32 v39, v14  }
0x33b: {  	v21 =	vor.u32 v39, v17  }
0x33c: {  	[tilespmem:v5+s17+$0x0] =	vst.idx.msk $0xffff, v4  }
0x33d: {  	[tilespmem:v15+s17+$0x0] =	vst.idx.msk $0xffff, v6;
	v5 =	vor.u32 v57, v3;
	v4 =	vld.idx.msk [tilespmem:v7+s11+$0x0], $0xffff  }
0x33e: {  	v15 =	vor.u32 v57, v0;
	v6 =	vld.idx.msk [tilespmem:v18+s11+$0x0], $0xffff;
	[tilespmem:v22+s17+$0x0] =	vst.idx.msk $0xffff, v20  }
0x33f: {  	[tilespmem:v19+s17+$0x0] =	vst.idx.msk $0xffff, v16;
	v22 =	vor.u32 v28, v8;
	v20 =	vld.idx.msk [tilespmem:v23+s11+$0x0], $0xffff  }
0x340: {  	v19 =	vor.u32 v28, v13;
	v16 =	vld.idx.msk [tilespmem:v21+s11+$0x0], $0xffff;
	v23 =	vor.u32 v29, v14;
	_ =	sdelay $0x1  }
0x341: {  	[tilespmem:v5+s17+$0x0] =	vst.idx.msk $0xffff, v4  }
0x342: {  	v7 =	vor.u32 v58, v11;
	[tilespmem:v15+s17+$0x0] =	vst.idx.msk $0xffff, v6  }
0x343: {  	v18 =	vor.u32 v58, v10;
	[tilespmem:v22+s17+$0x0] =	vst.idx.msk $0xffff, v20  }
0x344: {  	v21 =	vor.u32 v29, v17;
	[tilespmem:v19+s17+$0x0] =	vst.idx.msk $0xffff, v16;
	v20 =	vld.idx.msk [tilespmem:v23+s11+$0x0], $0xffff  }
0x345: {  	v23 =	vld [tilespmem:$0x1FF00];
	_ =	sdelay $0x1  }
0x346: {  	v5 =	vor.u32 v59, v3;
	v4 =	vld.idx.msk [tilespmem:v7+s11+$0x0], $0xffff  }
0x347: {  	v15 =	vor.u32 v59, v0;
	v6 =	vld.idx.msk [tilespmem:v18+s11+$0x0], $0xffff;
	v7 =	vor.u32 v60, v2  }
0x348: {  	v18 =	vor.u32 v60, v1;
	v19 =	vor.u32 v26, v13;
	v16 =	vld.idx.msk [tilespmem:v21+s11+$0x0], $0xffff  }
0x349: {  	v22 =	vor.u32 v26, v8;
	v21 =	vor.u32 v23, v17  }
0x34a: {  	v23 =	vor.u32 v23, v14  }
0x34b: {  	[tilespmem:v5+s17+$0x0] =	vst.idx.msk $0xffff, v4  }
0x34c: {  	[tilespmem:v15+s17+$0x0] =	vst.idx.msk $0xffff, v6;
	v6 =	vor.u32 v31, v3;
	v5 =	vld.idx.msk [tilespmem:v7+s11+$0x0], $0xffff  }
0x34d: {  	v18 =	vld.idx.msk [tilespmem:v18+s11+$0x0], $0xffff;
	[tilespmem:v19+s17+$0x0] =	vst.idx.msk $0xffff, v16;
	v19 =	vor.u32 v31, v0  }
0x34e: {  	[tilespmem:v22+s17+$0x0] =	vst.idx.msk $0xffff, v20;
	v22 =	vor.u32 v34, v13;
	v21 =	vld.idx.msk [tilespmem:v21+s11+$0x0], $0xffff  }
0x34f: {  	v39 =	vmov v27;
	v27 =	vor.u32 v34, v8;
	v23 =	vld.idx.msk [tilespmem:v23+s11+$0x0], $0xffff  }
0x350: {  	v7 =	vld [tilespmem:$0x1FF20]  }
0x351: {  	[tilespmem:v6+s17+$0x0] =	vst.idx.msk $0xffff, v5  }
0x352: {  	[tilespmem:v19+s17+$0x0] =	vst.idx.msk $0xffff, v18  }
0x353: {  	v24 =	vor.u32 v30, v2;
	[tilespmem:v22+s17+$0x0] =	vst.idx.msk $0xffff, v21  }
0x354: {  	v20 =	vor.u32 v30, v1;
	[tilespmem:v27+s17+$0x0] =	vst.idx.msk $0xffff, v23  }
0x355: {  	v26 =	vor.u32 v7, v17;
	v6 =	vld [tilespmem:$0x1FF10]  }
0x356: {  	v28 =	vor.u32 v7, v14;
	_ =	sdelay $0x1  }
0x357: {  	s29 =	simm.s32 $0x4;
	v24 =	vld.idx.msk [tilespmem:v24+s11+$0x0], $0xffff;
	v19 =	vor.u32 v62, v3  }
0x358: {  	v4 =	vadd.s32 s29, v63;
	v20 =	vld.idx.msk [tilespmem:v20+s11+$0x0], $0xffff;
	v21 =	vor.u32 v62, v0  }
0x359: {  	v30 =	vshll.u32 v4, $0x7;
	v22 =	vld.idx.msk [tilespmem:v26+s11+$0x0], $0xffff;
	v26 =	vor.u32 v6, v13  }
0x35a: {  	s30 =	simm.s32 $0x5;
	v5 =	vand.u32 $0x780, v30;
	v28 =	vld.idx.msk [tilespmem:v28+s11+$0x0], $0xffff;
	v30 =	vor.u32 v6, v8  }
0x35b: {  	v16 =	vand.u32 $0xF, v4;
	v7 =	vadd.s32 s30, v63;
	v40 =	vld [tilespmem:$0x1FF30]  }
0x35c: {  	v29 =	vor.u32 v43, v16;
	v15 =	vand.u32 $0xF, v7;
	[tilespmem:v19+s17+$0x0] =	vst.idx.msk $0xffff, v24  }
0x35d: {  	v18 =	vor.u32 v43, v15;
	[tilespmem:v21+s17+$0x0] =	vst.idx.msk $0xffff, v20  }
0x35e: {  	v42 =	vmov v25;
	v25 =	vor.u32 v32, v2;
	[tilespmem:v26+s17+$0x0] =	vst.idx.msk $0xffff, v22  }
0x35f: {  	v23 =	vor.u32 v32, v1;
	[tilespmem:v30+s17+$0x0] =	vst.idx.msk $0xffff, v28  }
0x360: {  	v27 =	vor.u32 v40, v17;
	v6 =	vshll.u32 v7, $0x7;
	v32 =	vor.u32 v40, v14;
	v40 =	vld [tilespmem:$0x1FD10]  }
0x361: {  	v31 =	vor.u32 v63, v5;
	v29 =	vld.idx.msk [tilespmem:v29+s11+$0x0], $0xffff;
	v6 =	vand.u32 $0x780, v6  }
0x362: {  	v18 =	vld.idx.msk [tilespmem:v18+s11+$0x0], $0xffff;
	v19 =	vor.u32 v63, v6  }
0x363: {  	v24 =	vld.idx.msk [tilespmem:v25+s11+$0x0], $0xffff;
	v21 =	vor.u32 v38, v3  }
0x364: {  	v25 =	vor.u32 v38, v0;
	v23 =	vld.idx.msk [tilespmem:v23+s11+$0x0], $0xffff  }
0x365: {  	v26 =	vld.idx.msk [tilespmem:v27+s11+$0x0], $0xffff;
	v28 =	vor.u32 v40, v13  }
0x366: {  	[tilespmem:v31+s17+$0x0] =	vst.idx.msk $0xffff, v29;
	v29 =	vld.idx.msk [tilespmem:v32+s11+$0x0], $0xffff;
	v31 =	vor.u32 v40, v8  }
0x367: {  	v62 =	vld [tilespmem:$0x1FD20];
	[tilespmem:v19+s17+$0x0] =	vst.idx.msk $0xffff, v18  }
0x368: {  	v33 =	vor.u32 v44, v16;
	[tilespmem:v21+s17+$0x0] =	vst.idx.msk $0xffff, v24  }
0x369: {  	v20 =	vor.u32 v44, v15;
	[tilespmem:v25+s17+$0x0] =	vst.idx.msk $0xffff, v23  }
0x36a: {  	v22 =	vor.u32 v50, v2;
	[tilespmem:v28+s17+$0x0] =	vst.idx.msk $0xffff, v26  }
0x36b: {  	v27 =	vor.u32 v50, v1;
	[tilespmem:v31+s17+$0x0] =	vst.idx.msk $0xffff, v29  }
0x36c: {  	v30 =	vor.u32 v62, v17;
	v18 =	vor.u32 v62, v14;
	v62 =	vld [tilespmem:$0x1FD30]  }
0x36d: {  	v50 =	vor.u32 v45, v5;
	v40 =	vld.idx.msk [tilespmem:v33+s11+$0x0], $0xffff  }
0x36e: {  	v21 =	vor.u32 v45, v6;
	v20 =	vld.idx.msk [tilespmem:v20+s11+$0x0], $0xffff  }
0x36f: {  	v24 =	vor.u32 v41, v3;
	v22 =	vld.idx.msk [tilespmem:v22+s11+$0x0], $0xffff  }
0x370: {  	v25 =	vld.idx.msk [tilespmem:v27+s11+$0x0], $0xffff;
	v27 =	vor.u32 v41, v0  }
0x371: {  	v28 =	vld.idx.msk [tilespmem:v30+s11+$0x0], $0xffff;
	v30 =	vor.u32 v62, v13  }
0x372: {  	[tilespmem:v50+s17+$0x0] =	vst.idx.msk $0xffff, v40;
	v18 =	vld.idx.msk [tilespmem:v18+s11+$0x0], $0xffff;
	v50 =	vor.u32 v62, v8  }
0x373: {  	v26 =	vor.u32 v46, v2;
	v29 =	vor.u32 v46, v1;
	v46 =	vld [tilespmem:$0x1FE20];
	[tilespmem:v21+s17+$0x0] =	vst.idx.msk $0xffff, v20  }
0x374: {  	v19 =	vor.u32 v37, v16;
	[tilespmem:v24+s17+$0x0] =	vst.idx.msk $0xffff, v22  }
0x375: {  	v23 =	vor.u32 v37, v15;
	[tilespmem:v27+s17+$0x0] =	vst.idx.msk $0xffff, v25  }
0x376: {  	[tilespmem:v30+s17+$0x0] =	vst.idx.msk $0xffff, v28  }
0x377: {  	[tilespmem:v50+s17+$0x0] =	vst.idx.msk $0xffff, v18  }
0x378: {  	v31 =	vor.u32 v46, v17;
	v40 =	vld [tilespmem:$0x1FE30]  }
0x379: {  	v19 =	vld.idx.msk [tilespmem:v19+s11+$0x0], $0xffff;
	v62 =	vor.u32 v48, v5;
	v20 =	vor.u32 v46, v14  }
0x37a: {  	v21 =	vld.idx.msk [tilespmem:v23+s11+$0x0], $0xffff;
	v23 =	vor.u32 v48, v6  }
0x37b: {  	v24 =	vld.idx.msk [tilespmem:v26+s11+$0x0], $0xffff;
	v26 =	vor.u32 v47, v3  }
0x37c: {  	v27 =	vld.idx.msk [tilespmem:v29+s11+$0x0], $0xffff;
	v29 =	vor.u32 v47, v0  }
0x37d: {  	v30 =	vld.idx.msk [tilespmem:v31+s11+$0x0], $0xffff;
	v31 =	vor.u32 v40, v13  }
0x37e: {  	v22 =	vor.u32 v49, v16;
	[tilespmem:v62+s17+$0x0] =	vst.idx.msk $0xffff, v19;
	v19 =	vld.idx.msk [tilespmem:v20+s11+$0x0], $0xffff;
	v20 =	vor.u32 v40, v8  }
0x37f: {  	v32 =	vld [tilespmem:$0x1FD40];
	[tilespmem:v23+s17+$0x0] =	vst.idx.msk $0xffff, v21  }
0x380: {  	[tilespmem:v26+s17+$0x0] =	vst.idx.msk $0xffff, v24  }
0x381: {  	v25 =	vor.u32 v49, v15;
	[tilespmem:v29+s17+$0x0] =	vst.idx.msk $0xffff, v27  }
0x382: {  	v28 =	vor.u32 v61, v2;
	[tilespmem:v31+s17+$0x0] =	vst.idx.msk $0xffff, v30  }
0x383: {  	v18 =	vor.u32 v61, v1;
	v22 =	vld.idx.msk [tilespmem:v22+s11+$0x0], $0xffff;
	v21 =	vor.u32 v51, v5;
	[tilespmem:v20+s17+$0x0] =	vst.idx.msk $0xffff, v19  }
0x384: {  	v19 =	vld [tilespmem:$0x1FE40]  }
0x385: {  	v17 =	vor.u32 v32, v17  }
0x386: {  	v23 =	vld.idx.msk [tilespmem:v25+s11+$0x0], $0xffff;
	v14 =	vor.u32 v32, v14  }
0x387: {  	v24 =	vor.u32 v51, v6;
	v25 =	vor.u32 v52, v16;
	v26 =	vld.idx.msk [tilespmem:v28+s11+$0x0], $0xffff  }
0x388: {  	v27 =	vor.u32 v36, v3;
	v28 =	vor.u32 v52, v15;
	v18 =	vld.idx.msk [tilespmem:v18+s11+$0x0], $0xffff;
	[tilespmem:v21+s17+$0x0] =	vst.idx.msk $0xffff, v22  }
0x389: {  	v29 =	vor.u32 v36, v0;
	v20 =	vor.u32 v19, v13;
	v21 =	vor.u32 v19, v8;
	v19 =	vld [tilespmem:$0x1FE50]  }
0x38a: {  	v17 =	vld.idx.msk [tilespmem:v17+s11+$0x0], $0xffff  }
0x38b: {  	v31 =	vor.u32 v35, v1;
	v14 =	vld.idx.msk [tilespmem:v14+s11+$0x0], $0xffff  }
0x38c: {  	[tilespmem:v24+s17+$0x0] =	vst.idx.msk $0xffff, v23;
	v24 =	vld.idx.msk [tilespmem:v25+s11+$0x0], $0xffff  }
0x38d: {  	v25 =	vor.u32 v53, v5;
	[tilespmem:v27+s17+$0x0] =	vst.idx.msk $0xffff, v26;
	v26 =	vld.idx.msk [tilespmem:v28+s11+$0x0], $0xffff;
	v28 =	vor.u32 v53, v6  }
0x38e: {  	v22 =	vor.u32 v19, v12;
	v23 =	vor.u32 v19, v9;
	v19 =	vld [tilespmem:$0x1FDE0];
	[tilespmem:v29+s17+$0x0] =	vst.idx.msk $0xffff, v18  }
0x38f: {  	[tilespmem:v20+s17+$0x0] =	vst.idx.msk $0xffff, v17  }
0x390: {  	[tilespmem:v21+s17+$0x0] =	vst.idx.msk $0xffff, v14;
	v17 =	vld.idx.msk [tilespmem:v31+s11+$0x0], $0xffff  }
0x391: {  	v30 =	vor.u32 v35, v2;
	v33 =	vld [tilespmem:$0x1FE60]  }
0x392: {  	v27 =	vor.u32 v54, v16;
	v20 =	vld [tilespmem:$0x1FDC0];
	[tilespmem:v25+s17+$0x0] =	vst.idx.msk $0xffff, v24  }
0x393: {  	v21 =	vor.u32 v42, v1;
	v31 =	vor.u32 v42, v2;
	v42 =	vld [tilespmem:$0x1FE70];
	[tilespmem:v28+s17+$0x0] =	vst.idx.msk $0xffff, v26  }
0x394: {  	v46 =	vld [tilespmem:$0x1FDA0];
	_ =	sdelay $0x1  }
0x395: {  	v18 =	vld.idx.msk [tilespmem:v30+s11+$0x0], $0xffff;
	v30 =	vor.u32 v39, v3;
	_ =	sdelay $0x1  }
0x396: {  	v41 =	vor.u32 v39, v0;
	v27 =	vld.idx.msk [tilespmem:v27+s11+$0x0], $0xffff  }
0x397: {  	v14 =	vld.idx.msk [tilespmem:v22+s11+$0x0], $0xffff;
	v26 =	vor.u32 v46, v12  }
0x398: {  	v23 =	vld.idx.msk [tilespmem:v23+s11+$0x0], $0xffff;
	v22 =	vor.u32 v33, v13;
	[tilespmem:$0x1FC70] =	vst v26  }
0x399: {  	v25 =	vor.u32 v33, v8;
	[tilespmem:v30+s17+$0x0] =	vst.idx.msk $0xffff, v18  }
0x39a: {  	v61 =	vld [tilespmem:$0x1FD80]  }
0x39b: {  	v29 =	vor.u32 v54, v15;
	v50 =	vld [tilespmem:$0x1FCE0];
	[tilespmem:v41+s17+$0x0] =	vst.idx.msk $0xffff, v17  }
0x39c: {  	v36 =	vld [tilespmem:$0x1FCD0]  }
0x39d: {  	v35 =	vor.u32 v55, v6;
	v47 =	vld [tilespmem:$0x1FCB0];
	[tilespmem:v22+s17+$0x0] =	vst.idx.msk $0xffff, v14  }
0x39e: {  	v33 =	vor.u32 v55, v5;
	v24 =	vor.u32 v42, v12;
	v55 =	vld [tilespmem:$0x1FCC0];
	[tilespmem:v25+s17+$0x0] =	vst.idx.msk $0xffff, v23  }
0x39f: {  	v18 =	vld [tilespmem:$0x1FD50]  }
0x3a0: {  	v28 =	vor.u32 v42, v9;
	v29 =	vld.idx.msk [tilespmem:v29+s11+$0x0], $0xffff  }
0x3a1: {  	v31 =	vld.idx.msk [tilespmem:v31+s11+$0x0], $0xffff  }
0x3a2: {  	v21 =	vld.idx.msk [tilespmem:v21+s11+$0x0], $0xffff;
	v38 =	vor.u32 v47, v3  }
0x3a3: {  	v24 =	vld.idx.msk [tilespmem:v24+s11+$0x0], $0xffff;
	v22 =	vor.u32 v47, v0  }
0x3a4: {  	v26 =	vmov v34;
	v62 =	vld [tilespmem:$0x1FD60];
	v23 =	vor.u32 v18, v13  }
0x3a5: {  	v34 =	vor.u32 v56, v16;
	v28 =	vld.idx.msk [tilespmem:v28+s11+$0x0], $0xffff;
	[tilespmem:v33+s17+$0x0] =	vst.idx.msk $0xffff, v27;
	v27 =	vor.u32 v18, v8  }
0x3a6: {  	[tilespmem:v35+s17+$0x0] =	vst.idx.msk $0xffff, v29  }
0x3a7: {  	v32 =	vor.u32 v56, v15;
	[tilespmem:v38+s17+$0x0] =	vst.idx.msk $0xffff, v31  }
0x3a8: {  	v14 =	vor.u32 v55, v11;
	v41 =	vld [tilespmem:$0x1FCF0];
	[tilespmem:v22+s17+$0x0] =	vst.idx.msk $0xffff, v21  }
0x3a9: {  	s31 =	simm.s32 $0x6;
	v37 =	vor.u32 v55, v10;
	[tilespmem:v23+s17+$0x0] =	vst.idx.msk $0xffff, v24  }
0x3aa: {  	v17 =	vadd.s32 s31, v63;
	v33 =	vld.idx.msk [tilespmem:v34+s11+$0x0], $0xffff;
	v25 =	vor.u32 v62, v12;
	[tilespmem:v27+s17+$0x0] =	vst.idx.msk $0xffff, v28  }
0x3ab: {  	v18 =	vand.u32 $0xF, v17;
	v29 =	vor.u32 v62, v9;
	v42 =	vld [tilespmem:$0x1FD70]  }
0x3ac: {  	v32 =	vld.idx.msk [tilespmem:v32+s11+$0x0], $0xffff;
	v47 =	vor.u32 v57, v5;
	v55 =	vor.u32 v43, v18  }
0x3ad: {  	v57 =	vor.u32 v57, v6;
	v38 =	vld.idx.msk [tilespmem:v14+s11+$0x0], $0xffff  }
0x3ae: {  	v62 =	vor.u32 v36, v3;
	v31 =	vor.u32 v58, v16;
	v37 =	vld.idx.msk [tilespmem:v37+s11+$0x0], $0xffff  }
0x3af: {  	v22 =	vor.u32 v58, v15;
	v14 =	vshll.u32 v17, $0x7;
	v24 =	vor.u32 v36, v0;
	v25 =	vld.idx.msk [tilespmem:v25+s11+$0x0], $0xffff  }
0x3b0: {  	v23 =	vor.u32 v50, v11;
	v27 =	vor.u32 v50, v10;
	v29 =	vld.idx.msk [tilespmem:v29+s11+$0x0], $0xffff;
	v28 =	vor.u32 v42, v13  }
0x3b1: {  	v14 =	vand.u32 $0x780, v14;
	[tilespmem:v47+s17+$0x0] =	vst.idx.msk $0xffff, v33;
	v50 =	vld.idx.msk [tilespmem:v55+s11+$0x0], $0xffff;
	v55 =	vor.u32 v42, v8  }
0x3b2: {  	v47 =	vld [tilespmem:$0x1FF50];
	[tilespmem:v57+s17+$0x0] =	vst.idx.msk $0xffff, v32;
	v57 =	vor.u32 v63, v14  }
0x3b3: {  	[tilespmem:v62+s17+$0x0] =	vst.idx.msk $0xffff, v38  }
0x3b4: {  	[tilespmem:v24+s17+$0x0] =	vst.idx.msk $0xffff, v37  }
0x3b5: {  	v31 =	vld.idx.msk [tilespmem:v31+s11+$0x0], $0xffff;
	[tilespmem:v28+s17+$0x0] =	vst.idx.msk $0xffff, v25  }
0x3b6: {  	v30 =	vor.u32 v61, v12;
	v22 =	vld.idx.msk [tilespmem:v22+s11+$0x0], $0xffff;
	[tilespmem:v55+s17+$0x0] =	vst.idx.msk $0xffff, v29  }
0x3b7: {  	v58 =	vor.u32 v61, v9;
	v62 =	vor.u32 v59, v5;
	v34 =	vld [tilespmem:$0x1FF00];
	[tilespmem:v57+s17+$0x0] =	vst.idx.msk $0xffff, v50  }
0x3b8: {  	v21 =	vor.u32 v47, v4;
	v47 =	vor.u32 v59, v6;
	v32 =	vld [tilespmem:$0x1FD90]  }
0x3b9: {  	v23 =	vld.idx.msk [tilespmem:v23+s11+$0x0], $0xffff;
	v28 =	vor.u32 v41, v3  }
0x3ba: {  	v27 =	vld.idx.msk [tilespmem:v27+s11+$0x0], $0xffff  }
0x3bb: {  	v30 =	vld.idx.msk [tilespmem:v30+s11+$0x0], $0xffff  }
0x3bc: {  	v39 =	vor.u32 v41, v0;
	v25 =	vor.u32 v60, v7;
	v42 =	vld.idx.msk [tilespmem:v58+s11+$0x0], $0xffff;
	[tilespmem:v62+s17+$0x0] =	vst.idx.msk $0xffff, v31  }
0x3bd: {  	v33 =	vld [tilespmem:$0x1FFC0];
	[tilespmem:v47+s17+$0x0] =	vst.idx.msk $0xffff, v22;
	v41 =	vor.u32 v32, v13  }
0x3be: {  	v22 =	vld [tilespmem:$0x1FFB0];
	[tilespmem:v28+s17+$0x0] =	vst.idx.msk $0xffff, v23;
	v38 =	vor.u32 v32, v8  }
0x3bf: {  	v23 =	vld [tilespmem:$0x1FEF0]  }
0x3c0: {  	v61 =	vor.u32 v44, v18;
	v24 =	vor.u32 v60, v4  }
0x3c1: {  	v29 =	vor.u32 v34, v11;
	v40 =	vor.u32 v34, v10;
	v34 =	vld.idx.msk [tilespmem:v25+s11+$0x0], $0xffff;
	[tilespmem:v39+s17+$0x0] =	vst.idx.msk $0xffff, v27  }
0x3c2: {  	v25 =	vld [tilespmem:$0x1FF20];
	[tilespmem:v41+s17+$0x0] =	vst.idx.msk $0xffff, v30  }
0x3c3: {  	[tilespmem:v38+s17+$0x0] =	vst.idx.msk $0xffff, v42  }
0x3c4: {  	v57 =	vmovc v51;
	v31 =	vor.u32 v33, v4;
	v37 =	vmovc v33;
	v51 =	vmov v23;
	v33 =	vor.u32 v23, v18;
	v23 =	vld [tilespmem:$0x1FC70]  }
0x3c5: {  	v50 =	vmov v43;
	v43 =	vld.idx.msk [tilespmem:v61+s11+$0x0], $0xffff  }
0x3c6: {  	v58 =	vor.u32 v46, v9;
	v32 =	vld.idx.msk [tilespmem:v24+s11+$0x0], $0xffff  }
0x3c7: {  	v55 =	vor.u32 v45, v14;
	v24 =	vld [tilespmem:$0x1FDB0]  }
0x3c8: {  	v19 =	vor.u32 v19, v12;
	v20 =	vor.u32 v20, v12;
	v59 =	vmov v53  }
0x3c9: {  	v60 =	vmovc v52;
	v52 =	vmovc v48;
	v61 =	vmov v44;
	v62 =	vmov v45;
	v35 =	vor.u32 v22, v5;
	v27 =	vld.idx.msk [tilespmem:v29+s11+$0x0], $0xffff  }
0x3ca: {  	v36 =	vor.u32 v22, v6;
	v37 =	vor.u32 v37, v7;
	v28 =	vld.idx.msk [tilespmem:v40+s11+$0x0], $0xffff;
	v29 =	vor.u32 v26, v0  }
0x3cb: {  	v22 =	vor.u32 v25, v11;
	v30 =	vor.u32 v26, v3;
	v38 =	vor.u32 v48, v14;
	v26 =	vld.idx.msk [tilespmem:v58+s11+$0x0], $0xffff  }
0x3cc: {  	s25 =	simm.s32 $0x7;
	s24 =	simm.s32 $0x8;
	v25 =	vor.u32 v25, v10;
	[tilespmem:v55+s17+$0x0] =	vst.idx.msk $0xffff, v43;
	v24 =	vor.u32 v24, v13;
	v23 =	vld.idx.msk [tilespmem:v23+s11+$0x0], $0xffff  }
.LBB2_9:
0x3cd: {  	v39 =	vld.idx.msk [tilespmem:v33+s11+$0x0], $0xffff  }
0x3ce: {  	v55 =	vld [tilespmem:$0x1FDB0]  }
0x3cf: {  	v42 =	vld [tilespmem:$0x1FDC0]  }
0x3d0: {  	v41 =	vld [tilespmem:$0x1FF60]  }
0x3d1: {  	v43 =	vld [tilespmem:$0x1FF30]  }
0x3d2: {  	v44 =	vld [tilespmem:$0x1FF50]  }
0x3d3: {  	v46 =	vld [tilespmem:$0x1FF10]  }
0x3d4: {  	[tilespmem:v35+s17+$0x0] =	vst.idx.msk $0xffff, v32;
	v45 =	vld [tilespmem:$0x1FD10]  }
0x3d5: {  	[tilespmem:v36+s17+$0x0] =	vst.idx.msk $0xffff, v34;
	v31 =	vld.idx.msk [tilespmem:v31+s11+$0x0], $0xffff  }
0x3d6: {  	v37 =	vld.idx.msk [tilespmem:v37+s11+$0x0], $0xffff;
	[tilespmem:v30+s17+$0x0] =	vst.idx.msk $0xffff, v27;
	v40 =	vor.u32 v41, v5  }
0x3d7: {  	[tilespmem:v29+s17+$0x0] =	vst.idx.msk $0xffff, v28;
	v22 =	vld.idx.msk [tilespmem:v22+s11+$0x0], $0xffff;
	v48 =	vor.u32 v55, v8  }
0x3d8: {  	v33 =	vadd.s32 s25, v63;
	[tilespmem:v24+s17+$0x0] =	vst.idx.msk $0xffff, v23;
	v29 =	vor.u32 v46, v3;
	v23 =	vor.u32 v46, v0;
	v46 =	vld [tilespmem:$0x1FDD0]  }
0x3d9: {  	v32 =	vand.u32 $0xF, v33;
	v25 =	vld.idx.msk [tilespmem:v25+s11+$0x0], $0xffff;
	v53 =	vor.u32 v42, v9  }
0x3da: {  	v58 =	vor.u32 v50, v32;
	v24 =	vld.idx.msk [tilespmem:v20+s11+$0x0], $0xffff;
	[tilespmem:v38+s17+$0x0] =	vst.idx.msk $0xffff, v39  }
0x3db: {  	v27 =	vor.u32 v41, v6;
	[tilespmem:v40+s17+$0x0] =	vst.idx.msk $0xffff, v31;
	v40 =	vld [tilespmem:$0x1FDE0]  }
0x3dc: {  	[tilespmem:v48+s17+$0x0] =	vst.idx.msk $0xffff, v26;
	v48 =	vld [tilespmem:$0x1FE80]  }
0x3dd: {  	v28 =	vor.u32 v44, v7;
	v41 =	vor.u32 v46, v13;
	v31 =	vor.u32 v46, v8;
	v46 =	vld [tilespmem:$0x1FD20]  }
0x3de: {  	v30 =	vor.u32 v43, v11;
	v20 =	vshll.u32 v33, $0x7;
	v34 =	vld.idx.msk [tilespmem:v53+s11+$0x0], $0xffff  }
0x3df: {  	v20 =	vand.u32 $0x780, v20;
	v26 =	vor.u32 v43, v10;
	v35 =	vld.idx.msk [tilespmem:v58+s11+$0x0], $0xffff  }
0x3e0: {  	v47 =	vor.u32 v63, v20;
	v21 =	vld.idx.msk [tilespmem:v21+s11+$0x0], $0xffff;
	[tilespmem:v27+s17+$0x0] =	vst.idx.msk $0xffff, v37  }
0x3e1: {  	[tilespmem:v29+s17+$0x0] =	vst.idx.msk $0xffff, v22;
	v58 =	vld [tilespmem:$0x1FF40]  }
0x3e2: {  	v28 =	vld.idx.msk [tilespmem:v28+s11+$0x0], $0xffff;
	[tilespmem:v23+s17+$0x0] =	vst.idx.msk $0xffff, v25;
	v53 =	vor.u32 v48, v5  }
0x3e3: {  	v30 =	vld.idx.msk [tilespmem:v30+s11+$0x0], $0xffff;
	[tilespmem:v41+s17+$0x0] =	vst.idx.msk $0xffff, v24  }
0x3e4: {  	v26 =	vld.idx.msk [tilespmem:v26+s11+$0x0], $0xffff;
	[tilespmem:v31+s17+$0x0] =	vst.idx.msk $0xffff, v34  }
0x3e5: {  	v27 =	vor.u32 v40, v9;
	[tilespmem:v47+s17+$0x0] =	vst.idx.msk $0xffff, v35;
	v47 =	vld [tilespmem:$0x1FDF0]  }
0x3e6: {  	v37 =	vor.u32 v61, v32;
	v19 =	vld.idx.msk [tilespmem:v19+s11+$0x0], $0xffff  }
0x3e7: {  	[tilespmem:v53+s17+$0x0] =	vst.idx.msk $0xffff, v21;
	v53 =	vld [tilespmem:$0x1FE00]  }
0x3e8: {  	v43 =	vld [tilespmem:$0x1FEA0];
	v29 =	vor.u32 v48, v6;
	v22 =	vor.u32 v58, v4  }
0x3e9: {  	v39 =	vor.u32 v45, v0;
	v25 =	vor.u32 v45, v3;
	v45 =	vld [tilespmem:$0x1FD30];
	v23 =	vor.u32 v58, v7  }
0x3ea: {  	v31 =	vor.u32 v46, v10;
	v27 =	vld.idx.msk [tilespmem:v27+s11+$0x0], $0xffff;
	v21 =	vor.u32 v47, v8  }
0x3eb: {  	v58 =	vor.u32 v62, v20;
	v35 =	vld.idx.msk [tilespmem:v37+s11+$0x0], $0xffff  }
0x3ec: {  	v41 =	vld [tilespmem:$0x1FE90];
	v9 =	vor.u32 v53, v9  }
0x3ed: {  	[tilespmem:v29+s17+$0x0] =	vst.idx.msk $0xffff, v28;
	v22 =	vld.idx.msk [tilespmem:v22+s11+$0x0], $0xffff  }
0x3ee: {  	v23 =	vld.idx.msk [tilespmem:v23+s11+$0x0], $0xffff;
	[tilespmem:v39+s17+$0x0] =	vst.idx.msk $0xffff, v26  }
0x3ef: {  	v24 =	vor.u32 v46, v11;
	v31 =	vld.idx.msk [tilespmem:v31+s11+$0x0], $0xffff;
	[tilespmem:v21+s17+$0x0] =	vst.idx.msk $0xffff, v27  }
0x3f0: {  	v48 =	vor.u32 v47, v13;
	v47 =	vld [tilespmem:$0x1FE20];
	[tilespmem:v58+s17+$0x0] =	vst.idx.msk $0xffff, v35  }
0x3f1: {  	v28 =	vor.u32 v51, v32;
	[tilespmem:v25+s17+$0x0] =	vst.idx.msk $0xffff, v30;
	v27 =	vld.idx.msk [tilespmem:v9+s11+$0x0], $0xffff  }
0x3f2: {  	v30 =	vor.u32 v41, v6;
	v26 =	vor.u32 v43, v7;
	v9 =	vmovc v1;
	v1 =	vmov v7;
	v7 =	vld [tilespmem:$0x1FEB0]  }
0x3f3: {  	v12 =	vor.u32 v53, v12;
	v53 =	vld [tilespmem:$0x1FE10]  }
0x3f4: {  	v29 =	vor.u32 v41, v5;
	v24 =	vld.idx.msk [tilespmem:v24+s11+$0x0], $0xffff  }
0x3f5: {  	v46 =	vor.u32 v45, v3;
	v25 =	vor.u32 v43, v4;
	v58 =	vld [tilespmem:$0x1FEC0]  }
0x3f6: {  	[tilespmem:v48+s17+$0x0] =	vst.idx.msk $0xffff, v19;
	v19 =	vor.u32 v47, v11;
	v48 =	vor.u32 v45, v0;
	v28 =	vld.idx.msk [tilespmem:v28+s11+$0x0], $0xffff  }
0x3f7: {  	[tilespmem:v30+s17+$0x0] =	vst.idx.msk $0xffff, v23;
	v30 =	vor.u32 v7, v5;
	v41 =	vor.u32 v7, v6;
	v7 =	vld [tilespmem:$0x1FE30]  }
0x3f8: {  	v21 =	vor.u32 v47, v10;
	v12 =	vld.idx.msk [tilespmem:v12+s11+$0x0], $0xffff;
	v13 =	vor.u32 v53, v13  }
0x3f9: {  	v45 =	vld [tilespmem:$0x1FD40];
	[tilespmem:v29+s17+$0x0] =	vst.idx.msk $0xffff, v22;
	v8 =	vor.u32 v53, v8;
	v22 =	vor.u32 v49, v18  }
0x3fa: {  	v25 =	vld.idx.msk [tilespmem:v25+s11+$0x0], $0xffff  }
0x3fb: {  	v26 =	vld.idx.msk [tilespmem:v26+s11+$0x0], $0xffff;
	[tilespmem:v46+s17+$0x0] =	vst.idx.msk $0xffff, v24;
	v24 =	vor.u32 v58, v4  }
0x3fc: {  	v19 =	vld.idx.msk [tilespmem:v19+s11+$0x0], $0xffff;
	[tilespmem:v48+s17+$0x0] =	vst.idx.msk $0xffff, v31;
	v43 =	vor.u32 v7, v3  }
0x3fd: {  	v21 =	vld.idx.msk [tilespmem:v21+s11+$0x0], $0xffff;
	[tilespmem:v13+s17+$0x0] =	vst.idx.msk $0xffff, v12  }
0x3fe: {  	v29 =	vor.u32 v52, v20;
	[tilespmem:v8+s17+$0x0] =	vst.idx.msk $0xffff, v27;
	v13 =	vld.idx.msk [tilespmem:v22+s11+$0x0], $0xffff  }
0x3ff: {  	v8 =	vmov v0;
	v12 =	vor.u32 v7, v0;
	[tilespmem:v30+s17+$0x0] =	vst.idx.msk $0xffff, v25;
	v0 =	vmov v6;
	v6 =	vld [tilespmem:$0x1FED0]  }
0x400: {  	v23 =	vor.u32 v49, v32;
	v24 =	vld.idx.msk [tilespmem:v24+s11+$0x0], $0xffff  }
0x401: {  	v31 =	vor.u32 v58, v1;
	[tilespmem:v43+s17+$0x0] =	vst.idx.msk $0xffff, v19;
	v19 =	vld [tilespmem:$0x1FEE0]  }
0x402: {  	v11 =	vor.u32 v45, v11;
	_ =	sdelay $0x1  }
0x403: {  	v38 =	vld [tilespmem:$0x1FF90];
	v27 =	vor.u32 v57, v14;
	[tilespmem:v29+s17+$0x0] =	vst.idx.msk $0xffff, v28  }
0x404: {  	v23 =	vld.idx.msk [tilespmem:v23+s11+$0x0], $0xffff;
	v25 =	vor.u32 v60, v18;
	[tilespmem:v41+s17+$0x0] =	vst.idx.msk $0xffff, v26;
	v29 =	vor.u32 v6, v5  }
0x405: {  	v30 =	vld.idx.msk [tilespmem:v31+s11+$0x0], $0xffff;
	v31 =	vor.u32 v19, v4  }
0x406: {  	v47 =	vld.idx.msk [tilespmem:v11+s11+$0x0], $0xffff  }
0x407: {  	[tilespmem:v12+s17+$0x0] =	vst.idx.msk $0xffff, v21;
	v11 =	vld [tilespmem:$0x1FE40]  }
0x408: {  	[tilespmem:v27+s17+$0x0] =	vst.idx.msk $0xffff, v13;
	v21 =	vor.u32 v19, v1;
	v19 =	vld [tilespmem:$0x1FE50]  }
0x409: {  	v22 =	vor.u32 v45, v10;
	v28 =	vor.u32 v57, v20;
	v25 =	vld.idx.msk [tilespmem:v25+s11+$0x0], $0xffff;
	[tilespmem:v29+s17+$0x0] =	vst.idx.msk $0xffff, v24  }
0x40a: {  	v10 =	vmov v15;
	v15 =	vmov v32;
	v27 =	vld.idx.msk [tilespmem:v31+s11+$0x0], $0xffff  }
0x40b: {  	v26 =	vor.u32 v60, v15;
	v46 =	vor.u32 v6, v0;
	v31 =	vld [tilespmem:$0x1FC90]  }
0x40c: {  	v53 =	vld [tilespmem:$0x1FCA0];
	v12 =	vmov v2;
	v48 =	vor.u32 v11, v3  }
0x40d: {  	v58 =	vld [tilespmem:$0x1FE60];
	v13 =	vor.u32 v19, v12  }
0x40e: {  	v6 =	vmov v20;
	v22 =	vld.idx.msk [tilespmem:v22+s11+$0x0], $0xffff;
	[tilespmem:v28+s17+$0x0] =	vst.idx.msk $0xffff, v23;
	v20 =	vor.u32 v11, v8  }
0x40f: {  	v37 =	vld [tilespmem:$0x1FE70];
	v2 =	vmovc v4;
	v4 =	vmovc v17;
	v11 =	vmov v16;
	v16 =	vor.u32 v59, v14;
	v23 =	vor.u32 v19, v9  }
0x410: {  	v17 =	vld.idx.msk [tilespmem:v26+s11+$0x0], $0xffff;
	v24 =	vor.u32 v54, v18;
	[tilespmem:v46+s17+$0x0] =	vst.idx.msk $0xffff, v30;
	v29 =	vor.u32 v31, v5  }
0x411: {  	v41 =	vld [tilespmem:$0x1FD80];
	v30 =	vor.u32 v53, v2;
	[tilespmem:v48+s17+$0x0] =	vst.idx.msk $0xffff, v47  }
0x412: {  	v36 =	vor.u32 v58, v3;
	v13 =	vld.idx.msk [tilespmem:v13+s11+$0x0], $0xffff  }
0x413: {  	v26 =	vor.u32 v59, v6;
	v21 =	vld.idx.msk [tilespmem:v21+s11+$0x0], $0xffff;
	[tilespmem:v20+s17+$0x0] =	vst.idx.msk $0xffff, v22  }
0x414: {  	v28 =	vor.u32 v54, v15;
	v23 =	vld.idx.msk [tilespmem:v23+s11+$0x0], $0xffff;
	[tilespmem:v16+s17+$0x0] =	vst.idx.msk $0xffff, v25  }
0x415: {  	v31 =	vor.u32 v31, v0;
	v16 =	vmov v18;
	v18 =	vld.idx.msk [tilespmem:v24+s11+$0x0], $0xffff;
	[tilespmem:v29+s17+$0x0] =	vst.idx.msk $0xffff, v27  }
0x416: {  	v22 =	vor.u32 v53, v1;
	v30 =	vld.idx.msk [tilespmem:v30+s11+$0x0], $0xffff  }
0x417: {  	v7 =	vmov v33;
	v33 =	vor.u32 v58, v8;
	[tilespmem:v36+s17+$0x0] =	vst.idx.msk $0xffff, v13;
	v13 =	vld [tilespmem:$0x1FCC0]  }
0x418: {  	v43 =	vld [tilespmem:$0x1FD50];
	[tilespmem:v26+s17+$0x0] =	vst.idx.msk $0xffff, v17  }
0x419: {  	v28 =	vld.idx.msk [tilespmem:v28+s11+$0x0], $0xffff  }
0x41a: {  	v25 =	vor.u32 v37, v12;
	[tilespmem:v31+s17+$0x0] =	vst.idx.msk $0xffff, v21;
	v21 =	vld [tilespmem:$0x1FCB0]  }
0x41b: {  	v34 =	vor.u32 v38, v6;
	v17 =	vor.u32 v37, v9;
	v26 =	vor.u32 v38, v14;
	v22 =	vld.idx.msk [tilespmem:v22+s11+$0x0], $0xffff  }
0x41c: {  	[tilespmem:v33+s17+$0x0] =	vst.idx.msk $0xffff, v23;
	v32 =	vor.u32 v13, v11;
	v23 =	vor.u32 v13, v10;
	v13 =	vld [tilespmem:$0x1FD60]  }
0x41d: {  	v46 =	vld [tilespmem:$0x1FDA0];
	v29 =	vor.u32 v56, v16  }
0x41e: {  	v53 =	vld [tilespmem:$0x1FFD0];
	v31 =	vor.u32 v56, v15  }
0x41f: {  	v20 =	vor.u32 v42, v12;
	v25 =	vld.idx.msk [tilespmem:v25+s11+$0x0], $0xffff;
	v42 =	vor.u32 v21, v5  }
0x420: {  	v45 =	vor.u32 v43, v3;
	v48 =	vld.idx.msk [tilespmem:v17+s11+$0x0], $0xffff;
	[tilespmem:v26+s17+$0x0] =	vst.idx.msk $0xffff, v18;
	v36 =	vor.u32 v21, v0  }
0x421: {  	[tilespmem:v34+s17+$0x0] =	vst.idx.msk $0xffff, v28;
	v47 =	vor.u32 v13, v12;
	v28 =	vor.u32 v13, v9;
	v13 =	vmov v3;
	v3 =	vld [tilespmem:$0x1FF80]  }
0x422: {  	v17 =	vadd.s32 s24, v63;
	v29 =	vld.idx.msk [tilespmem:v29+s11+$0x0], $0xffff  }
0x423: {  	v26 =	vor.u32 v43, v8;
	v18 =	vand.u32 $0xF, v17;
	v31 =	vld.idx.msk [tilespmem:v31+s11+$0x0], $0xffff  }
0x424: {  	v34 =	vor.u32 v50, v18;
	v21 =	vor.u32 v44, v4;
	v44 =	vld [tilespmem:$0x1FCD0];
	[tilespmem:v42+s17+$0x0] =	vst.idx.msk $0xffff, v30  }
0x425: {  	[tilespmem:v36+s17+$0x0] =	vst.idx.msk $0xffff, v22;
	v32 =	vld.idx.msk [tilespmem:v32+s11+$0x0], $0xffff  }
0x426: {  	v23 =	vld.idx.msk [tilespmem:v23+s11+$0x0], $0xffff;
	v39 =	vor.u32 v3, v14  }
0x427: {  	[tilespmem:v45+s17+$0x0] =	vst.idx.msk $0xffff, v25;
	v58 =	vor.u32 v3, v6;
	v3 =	vld [tilespmem:$0x1FCE0]  }
0x428: {  	v30 =	vor.u32 v53, v16;
	[tilespmem:v26+s17+$0x0] =	vst.idx.msk $0xffff, v48;
	v48 =	vld [tilespmem:$0x1FD70]  }
0x429: {  	v22 =	vor.u32 v53, v15;
	v34 =	vld.idx.msk [tilespmem:v34+s11+$0x0], $0xffff  }
0x42a: {  	v36 =	vor.u32 v44, v5;
	v37 =	vld.idx.msk [tilespmem:v47+s11+$0x0], $0xffff  }
0x42b: {  	v45 =	vor.u32 v44, v0;
	v28 =	vld.idx.msk [tilespmem:v28+s11+$0x0], $0xffff;
	[tilespmem:v39+s17+$0x0] =	vst.idx.msk $0xffff, v29  }
0x42c: {  	v25 =	vor.u32 v3, v11;
	[tilespmem:v58+s17+$0x0] =	vst.idx.msk $0xffff, v31;
	v58 =	vld [tilespmem:$0x1FF70]  }
0x42d: {  	v26 =	vshll.u32 v17, $0x7;
	v47 =	vor.u32 v3, v10;
	v30 =	vld.idx.msk [tilespmem:v30+s11+$0x0], $0xffff  }
0x42e: {  	v53 =	vor.u32 v48, v13;
	v3 =	vmovc v5;
	v5 =	vmov v14;
	v14 =	vand.u32 $0x780, v26;
	v22 =	vld.idx.msk [tilespmem:v22+s11+$0x0], $0xffff  }
0x42f: {  	v29 =	vor.u32 v48, v8;
	v26 =	vor.u32 v63, v14;
	[tilespmem:v36+s17+$0x0] =	vst.idx.msk $0xffff, v32;
	v63 =	vld [tilespmem:$0x1FFA0]  }
0x430: {  	v27 =	vor.u32 v41, v12;
	[tilespmem:v45+s17+$0x0] =	vst.idx.msk $0xffff, v23;
	v45 =	vld [tilespmem:$0x1FCF0]  }
0x431: {  	v25 =	vld.idx.msk [tilespmem:v25+s11+$0x0], $0xffff  }
0x432: {  	v31 =	vor.u32 v41, v9;
	v38 =	vld.idx.msk [tilespmem:v47+s11+$0x0], $0xffff  }
0x433: {  	v35 =	vor.u32 v61, v18;
	v39 =	vor.u32 v58, v5;
	[tilespmem:v53+s17+$0x0] =	vst.idx.msk $0xffff, v37;
	v47 =	vld [tilespmem:$0x1FF00]  }
0x434: {  	v36 =	vor.u32 v58, v6;
	[tilespmem:v29+s17+$0x0] =	vst.idx.msk $0xffff, v28;
	v28 =	vld [tilespmem:$0x1FFC0]  }
0x435: {  	v32 =	vor.u32 v63, v4;
	v48 =	vld.idx.msk [tilespmem:v27+s11+$0x0], $0xffff  }
0x436: {  	v23 =	vor.u32 v63, v7;
	v27 =	vld [tilespmem:$0x1FD90]  }
0x437: {  	v41 =	vor.u32 v45, v3;
	[tilespmem:v26+s17+$0x0] =	vst.idx.msk $0xffff, v34;
	v53 =	vld.idx.msk [tilespmem:v31+s11+$0x0], $0xffff  }
0x438: {  	v58 =	vld.idx.msk [tilespmem:v35+s11+$0x0], $0xffff;
	[tilespmem:v39+s17+$0x0] =	vst.idx.msk $0xffff, v30  }
0x439: {  	[tilespmem:v36+s17+$0x0] =	vst.idx.msk $0xffff, v22;
	v22 =	vld [tilespmem:$0x1FFB0]  }
0x43a: {  	v19 =	vor.u32 v40, v12;
	v40 =	vor.u32 v45, v0;
	v32 =	vld.idx.msk [tilespmem:v32+s11+$0x0], $0xffff  }
0x43b: {  	v37 =	vor.u32 v47, v11;
	v34 =	vld.idx.msk [tilespmem:v23+s11+$0x0], $0xffff  }
0x43c: {  	v26 =	vor.u32 v47, v10;
	v29 =	vor.u32 v27, v13;
	[tilespmem:v41+s17+$0x0] =	vst.idx.msk $0xffff, v25;
	v25 =	vld [tilespmem:$0x1FF20]  }
0x43d: {  	v24 =	vor.u32 v46, v12;
	v63 =	vor.u32 v27, v8;
	v23 =	vld [tilespmem:$0x1FD00]  }
0x43e: {  	p0 =	slt.u32 s24, $0xE;
	v46 =	vor.u32 v46, v9;
	v45 =	vor.u32 v62, v14  }
.Ltmp4:
0x43f: {  	v33 =	vor.u32 v51, v18;
	v31 =	vor.u32 v28, v4;
	[tilespmem:v40+s17+$0x0] =	vst.idx.msk $0xffff, v38;
	(pc) =	sbr.rel @p0 .LBB2_9-.Ltmp4, $4  }
0x440: {  	v38 =	vor.u32 v52, v14;
	v35 =	vor.u32 v22, v5;
	v36 =	vor.u32 v22, v6;
	v27 =	vld.idx.msk [tilespmem:v37+s11+$0x0], $0xffff  }
0x441: {  	v37 =	vor.u32 v28, v7;
	v28 =	vld.idx.msk [tilespmem:v26+s11+$0x0], $0xffff;
	v22 =	vor.u32 v25, v11;
	[tilespmem:v29+s17+$0x0] =	vst.idx.msk $0xffff, v48  }
0x442: {  	v30 =	vor.u32 v23, v3;
	v29 =	vor.u32 v23, v0;
	[tilespmem:v63+s17+$0x0] =	vst.idx.msk $0xffff, v53;
	v23 =	vld.idx.msk [tilespmem:v24+s11+$0x0], $0xffff  }
0x443: {  	s25 =	sadd.s32 $0x1, s24;
	s24 =	sadd.s32 $0x2, s24;
	v25 =	vor.u32 v25, v10;
	v63 =	vlaneseq.u32;
	v24 =	vor.u32 v55, v13;
	[tilespmem:v45+s17+$0x0] =	vst.idx.msk $0xffff, v58;
	v26 =	vld.idx.msk [tilespmem:v46+s11+$0x0], $0xffff  }
0x444: {  	v44 =	vadd.s32 s25, v63  }
0x445: {  	v46 =	vand.u32 $0xF, v44  }
0x446: {  	v39 =	vor.u32 v50, v46;
	_ =	sdelay $0x2  }
0x447: {  	v40 =	vshll.u32 v44, $0x7  }
0x448: {  	v43 =	vand.u32 $0x780, v40  }
0x449: {  	v40 =	vor.u32 v63, v43;
	v39 =	vld.idx.msk [tilespmem:v39+s11+$0x0], $0xffff  }
0x44a: {  	v41 =	vor.u32 v61, v46;
	_ =	sdelay $0x3  }
0x44b: {  	[tilespmem:v40+s17+$0x0] =	vst.idx.msk $0xffff, v39  }
0x44c: {  	v50 =	vor.u32 v62, v43;
	v39 =	vld.idx.msk [tilespmem:v41+s11+$0x0], $0xffff  }
0x44d: {  	v58 =	vmov v51;
	v51 =	vor.u32 v51, v46;
	_ =	sdelay $0x3  }
0x44e: {  	v33 =	vld.idx.msk [tilespmem:v33+s11+$0x0], $0xffff;
	[tilespmem:v50+s17+$0x0] =	vst.idx.msk $0xffff, v39  }
0x44f: {  	v53 =	vor.u32 v49, v18;
	v55 =	vor.u32 v52, v43;
	v39 =	vld.idx.msk [tilespmem:v51+s11+$0x0], $0xffff  }
0x450: {  	v42 =	vor.u32 v49, v46;
	_ =	sdelay $0x2  }
0x451: {  	[tilespmem:v38+s17+$0x0] =	vst.idx.msk $0xffff, v33  }
0x452: {  	v45 =	vmov v61;
	v61 =	vor.u32 v57, v14;
	v33 =	vld.idx.msk [tilespmem:v53+s11+$0x0], $0xffff;
	[tilespmem:v55+s17+$0x0] =	vst.idx.msk $0xffff, v39  }
0x453: {  	v48 =	vmovc v62;
	v47 =	vor.u32 v60, v18;
	v62 =	vmov v49;
	v49 =	vor.u32 v57, v43;
	v39 =	vld.idx.msk [tilespmem:v42+s11+$0x0], $0xffff  }
0x454: {  	v50 =	vor.u32 v60, v46;
	_ =	sdelay $0x2  }
0x455: {  	[tilespmem:v61+s17+$0x0] =	vst.idx.msk $0xffff, v33  }
0x456: {  	v33 =	vld.idx.msk [tilespmem:v47+s11+$0x0], $0xffff;
	v55 =	vor.u32 v59, v14;
	[tilespmem:v49+s17+$0x0] =	vst.idx.msk $0xffff, v39  }
0x457: {  	v53 =	vmov v59;
	v59 =	vor.u32 v59, v43;
	v39 =	vld.idx.msk [tilespmem:v50+s11+$0x0], $0xffff;
	_ =	sdelay $0x3  }
0x458: {  	[tilespmem:v55+s17+$0x0] =	vst.idx.msk $0xffff, v33  }
0x459: {  	[tilespmem:v59+s17+$0x0] =	vst.idx.msk $0xffff, v39  }
0x45a: {  	v51 =	vmov v57;
	v57 =	vor.u32 v54, v18;
	v55 =	vld [tilespmem:$0x1FF90]  }
0x45b: {  	v61 =	vor.u32 v54, v46;
	_ =	sdelay $0x3  }
0x45c: {  	v33 =	vld.idx.msk [tilespmem:v57+s11+$0x0], $0xffff;
	v49 =	vor.u32 v55, v14  }
0x45d: {  	v47 =	vmov v54;
	v39 =	vld.idx.msk [tilespmem:v61+s11+$0x0], $0xffff;
	v54 =	vor.u32 v55, v43;
	_ =	sdelay $0x3  }
0x45e: {  	[tilespmem:v49+s17+$0x0] =	vst.idx.msk $0xffff, v33  }
0x45f: {  	v50 =	vor.u32 v56, v18;
	[tilespmem:v54+s17+$0x0] =	vst.idx.msk $0xffff, v39  }
0x460: {  	v59 =	vor.u32 v56, v46;
	v41 =	vld [tilespmem:$0x1FF80];
	_ =	sdelay $0x3  }
0x461: {  	v33 =	vld.idx.msk [tilespmem:v50+s11+$0x0], $0xffff  }
0x462: {  	v39 =	vld.idx.msk [tilespmem:v59+s11+$0x0], $0xffff;
	v61 =	vor.u32 v41, v14  }
0x463: {  	v49 =	vld [tilespmem:$0x1FFD0];
	v41 =	vor.u32 v41, v43;
	_ =	sdelay $0x3  }
0x464: {  	[tilespmem:v61+s17+$0x0] =	vst.idx.msk $0xffff, v33  }
0x465: {  	v50 =	vor.u32 v49, v18;
	[tilespmem:v41+s17+$0x0] =	vst.idx.msk $0xffff, v39  }
0x466: {  	v42 =	vor.u32 v49, v46;
	v59 =	vld [tilespmem:$0x1FF70];
	_ =	sdelay $0x3  }
0x467: {  	v33 =	vld.idx.msk [tilespmem:v50+s11+$0x0], $0xffff  }
0x468: {  	v39 =	vld.idx.msk [tilespmem:v42+s11+$0x0], $0xffff;
	v38 =	vor.u32 v59, v14  }
0x469: {  	v50 =	vld [tilespmem:$0x1FFA0];
	v61 =	vor.u32 v59, v43;
	_ =	sdelay $0x3  }
0x46a: {  	[tilespmem:v38+s17+$0x0] =	vst.idx.msk $0xffff, v33  }
0x46b: {  	v49 =	vor.u32 v50, v44;
	[tilespmem:v61+s17+$0x0] =	vst.idx.msk $0xffff, v39  }
0x46c: {  	v61 =	vld [tilespmem:$0x1FFC0]  }
0x46d: {  	v54 =	vor.u32 v50, v17;
	v41 =	vld [tilespmem:$0x1FFB0];
	_ =	sdelay $0x1  }
0x46e: {  	[tilespmem:v35+s17+$0x0] =	vst.idx.msk $0xffff, v32  }
0x46f: {  	v40 =	vld.idx.msk [tilespmem:v49+s11+$0x0], $0xffff;
	[tilespmem:v36+s17+$0x0] =	vst.idx.msk $0xffff, v34  }
0x470: {  	v39 =	vor.u32 v61, v17;
	v49 =	vor.u32 v61, v44;
	v61 =	vld [tilespmem:$0x1FF60]  }
0x471: {  	v33 =	vld.idx.msk [tilespmem:v54+s11+$0x0], $0xffff;
	v54 =	vor.u32 v41, v14;
	_ =	sdelay $0x1  }
0x472: {  	v52 =	vmov v60;
	v60 =	vmov v43  }
0x473: {  	v41 =	vor.u32 v41, v60  }
0x474: {  	v31 =	vld.idx.msk [tilespmem:v31+s11+$0x0], $0xffff;
	v32 =	vor.u32 v61, v5  }
0x475: {  	v34 =	vld.idx.msk [tilespmem:v37+s11+$0x0], $0xffff;
	v35 =	vor.u32 v61, v6;
	[tilespmem:v54+s17+$0x0] =	vst.idx.msk $0xffff, v33  }
0x476: {  	v54 =	vld [tilespmem:$0x1FF50];
	_ =	sdelay $0x1  }
0x477: {  	[tilespmem:v41+s17+$0x0] =	vst.idx.msk $0xffff, v40  }
0x478: {  	[tilespmem:v32+s17+$0x0] =	vst.idx.msk $0xffff, v31  }
0x479: {  	[tilespmem:v35+s17+$0x0] =	vst.idx.msk $0xffff, v34  }
0x47a: {  	v33 =	vor.u32 v54, v7;
	v38 =	vor.u32 v54, v17;
	v41 =	vor.u32 v54, v44;
	v54 =	vld [tilespmem:$0x1FE80];
	_ =	sdelay $0x1  }
0x47b: {  	v36 =	vld.idx.msk [tilespmem:v39+s11+$0x0], $0xffff  }
0x47c: {  	v37 =	vor.u32 v61, v14;
	v39 =	vld.idx.msk [tilespmem:v49+s11+$0x0], $0xffff  }
0x47d: {  	v49 =	vor.u32 v61, v60;
	v21 =	vld.idx.msk [tilespmem:v21+s11+$0x0], $0xffff  }
0x47e: {  	v43 =	vld [tilespmem:$0x1FF40];
	v31 =	vor.u32 v54, v5  }
0x47f: {  	v32 =	vld.idx.msk [tilespmem:v33+s11+$0x0], $0xffff;
	v34 =	vor.u32 v54, v6;
	_ =	sdelay $0x1  }
0x480: {  	[tilespmem:v37+s17+$0x0] =	vst.idx.msk $0xffff, v36  }
0x481: {  	[tilespmem:v49+s17+$0x0] =	vst.idx.msk $0xffff, v39  }
0x482: {  	[tilespmem:v31+s17+$0x0] =	vst.idx.msk $0xffff, v21  }
0x483: {  	v33 =	vor.u32 v43, v4;
	[tilespmem:v34+s17+$0x0] =	vst.idx.msk $0xffff, v32  }
0x484: {  	v35 =	vor.u32 v43, v7;
	v42 =	vld [tilespmem:$0x1FE90];
	_ =	sdelay $0x1  }
0x485: {  	v36 =	vld.idx.msk [tilespmem:v38+s11+$0x0], $0xffff  }
0x486: {  	v49 =	vor.u32 v54, v14;
	v38 =	vld.idx.msk [tilespmem:v41+s11+$0x0], $0xffff  }
0x487: {  	v54 =	vor.u32 v54, v60;
	v21 =	vld.idx.msk [tilespmem:v33+s11+$0x0], $0xffff  }
0x488: {  	v32 =	vld.idx.msk [tilespmem:v35+s11+$0x0], $0xffff;
	v31 =	vor.u32 v42, v5  }
0x489: {  	v39 =	vor.u32 v43, v17;
	v41 =	vor.u32 v43, v44;
	v43 =	vld [tilespmem:$0x1FEA0];
	v34 =	vor.u32 v42, v6;
	_ =	sdelay $0x1  }
0x48a: {  	[tilespmem:v49+s17+$0x0] =	vst.idx.msk $0xffff, v36  }
0x48b: {  	[tilespmem:v54+s17+$0x0] =	vst.idx.msk $0xffff, v38  }
0x48c: {  	[tilespmem:v31+s17+$0x0] =	vst.idx.msk $0xffff, v21  }
0x48d: {  	v33 =	vor.u32 v43, v4;
	[tilespmem:v34+s17+$0x0] =	vst.idx.msk $0xffff, v32  }
0x48e: {  	v49 =	vor.u32 v43, v7;
	v54 =	vor.u32 v42, v14;
	v40 =	vor.u32 v42, v60;
	v42 =	vld [tilespmem:$0x1FEB0];
	_ =	sdelay $0x1  }
0x48f: {  	v36 =	vld.idx.msk [tilespmem:v39+s11+$0x0], $0xffff  }
0x490: {  	v38 =	vld.idx.msk [tilespmem:v41+s11+$0x0], $0xffff  }
0x491: {  	v21 =	vld.idx.msk [tilespmem:v33+s11+$0x0], $0xffff  }
0x492: {  	v32 =	vld.idx.msk [tilespmem:v49+s11+$0x0], $0xffff;
	v31 =	vor.u32 v42, v5  }
0x493: {  	v39 =	vor.u32 v43, v17;
	v41 =	vor.u32 v43, v44;
	v43 =	vld [tilespmem:$0x1FEC0];
	v49 =	vor.u32 v42, v6;
	_ =	sdelay $0x1  }
0x494: {  	[tilespmem:v54+s17+$0x0] =	vst.idx.msk $0xffff, v36  }
0x495: {  	[tilespmem:v40+s17+$0x0] =	vst.idx.msk $0xffff, v38  }
0x496: {  	[tilespmem:v31+s17+$0x0] =	vst.idx.msk $0xffff, v21  }
0x497: {  	v33 =	vor.u32 v43, v4;
	[tilespmem:v49+s17+$0x0] =	vst.idx.msk $0xffff, v32  }
0x498: {  	v54 =	vor.u32 v43, v7;
	v49 =	vld [tilespmem:$0x1FED0];
	_ =	sdelay $0x1  }
0x499: {  	v36 =	vld.idx.msk [tilespmem:v39+s11+$0x0], $0xffff  }
0x49a: {  	v38 =	vld.idx.msk [tilespmem:v41+s11+$0x0], $0xffff;
	v37 =	vor.u32 v42, v14  }
0x49b: {  	v40 =	vor.u32 v42, v60;
	v21 =	vld.idx.msk [tilespmem:v33+s11+$0x0], $0xffff  }
0x49c: {  	v32 =	vld.idx.msk [tilespmem:v54+s11+$0x0], $0xffff;
	v31 =	vor.u32 v49, v5  }
0x49d: {  	v39 =	vor.u32 v43, v17;
	v41 =	vor.u32 v43, v44;
	v43 =	vld [tilespmem:$0x1FEE0];
	v54 =	vor.u32 v49, v6;
	_ =	sdelay $0x1  }
0x49e: {  	[tilespmem:v37+s17+$0x0] =	vst.idx.msk $0xffff, v36  }
0x49f: {  	[tilespmem:v40+s17+$0x0] =	vst.idx.msk $0xffff, v38  }
0x4a0: {  	[tilespmem:v31+s17+$0x0] =	vst.idx.msk $0xffff, v21  }
0x4a1: {  	v36 =	vld.idx.msk [tilespmem:v39+s11+$0x0], $0xffff;
	v33 =	vor.u32 v43, v4;
	[tilespmem:v54+s17+$0x0] =	vst.idx.msk $0xffff, v32  }
0x4a2: {  	v35 =	vor.u32 v43, v7;
	v37 =	vor.u32 v49, v14;
	v54 =	vld [tilespmem:$0x1FC90];
	_ =	sdelay $0x1  }
0x4a3: {  	v38 =	vld.idx.msk [tilespmem:v41+s11+$0x0], $0xffff;
	v49 =	vor.u32 v49, v60;
	_ =	sdelay $0x1  }
0x4a4: {  	v21 =	vld.idx.msk [tilespmem:v33+s11+$0x0], $0xffff  }
0x4a5: {  	v32 =	vld.idx.msk [tilespmem:v35+s11+$0x0], $0xffff;
	[tilespmem:v37+s17+$0x0] =	vst.idx.msk $0xffff, v36;
	v31 =	vor.u32 v54, v5  }
0x4a6: {  	v39 =	vor.u32 v43, v17;
	v41 =	vor.u32 v43, v44;
	v43 =	vld [tilespmem:$0x1FCA0];
	v34 =	vor.u32 v54, v6  }
0x4a7: {  	[tilespmem:v49+s17+$0x0] =	vst.idx.msk $0xffff, v38  }
0x4a8: {  	[tilespmem:v30+s17+$0x0] =	vst.idx.msk $0xffff, v27  }
0x4a9: {  	[tilespmem:v29+s17+$0x0] =	vst.idx.msk $0xffff, v28  }
0x4aa: {  	[tilespmem:v31+s17+$0x0] =	vst.idx.msk $0xffff, v21  }
0x4ab: {  	v33 =	vor.u32 v43, v4;
	v40 =	vld [tilespmem:$0x1FDB0];
	[tilespmem:v34+s17+$0x0] =	vst.idx.msk $0xffff, v32  }
0x4ac: {  	v35 =	vor.u32 v43, v7;
	v30 =	vor.u32 v43, v17;
	v28 =	vor.u32 v43, v44;
	v43 =	vld [tilespmem:$0x1FCB0]  }
0x4ad: {  	v36 =	vld.idx.msk [tilespmem:v39+s11+$0x0], $0xffff;
	v49 =	vor.u32 v54, v14  }
0x4ae: {  	v27 =	vld.idx.msk [tilespmem:v41+s11+$0x0], $0xffff;
	v54 =	vor.u32 v54, v60;
	_ =	sdelay $0x1  }
0x4af: {  	v21 =	vor.u32 v40, v8  }
0x4b0: {  	v29 =	vld.idx.msk [tilespmem:v33+s11+$0x0], $0xffff;
	v31 =	vor.u32 v43, v5  }
0x4b1: {  	v32 =	vld.idx.msk [tilespmem:v35+s11+$0x0], $0xffff;
	[tilespmem:v49+s17+$0x0] =	vst.idx.msk $0xffff, v36;
	v49 =	vor.u32 v43, v6  }
0x4b2: {  	v36 =	vld [tilespmem:$0x1FCC0];
	[tilespmem:v54+s17+$0x0] =	vst.idx.msk $0xffff, v27  }
0x4b3: {  	[tilespmem:v24+s17+$0x0] =	vst.idx.msk $0xffff, v23  }
0x4b4: {  	[tilespmem:v21+s17+$0x0] =	vst.idx.msk $0xffff, v26  }
0x4b5: {  	v41 =	vld [tilespmem:$0x1FF10];
	[tilespmem:v31+s17+$0x0] =	vst.idx.msk $0xffff, v29  }
0x4b6: {  	v22 =	vld.idx.msk [tilespmem:v22+s11+$0x0], $0xffff;
	[tilespmem:v49+s17+$0x0] =	vst.idx.msk $0xffff, v32  }
0x4b7: {  	v33 =	vor.u32 v36, v16;
	v42 =	vld [tilespmem:$0x1FCD0]  }
0x4b8: {  	v30 =	vld.idx.msk [tilespmem:v30+s11+$0x0], $0xffff;
	v54 =	vor.u32 v43, v14  }
0x4b9: {  	v23 =	vld.idx.msk [tilespmem:v28+s11+$0x0], $0xffff;
	v28 =	vor.u32 v43, v60  }
0x4ba: {  	v25 =	vld.idx.msk [tilespmem:v25+s11+$0x0], $0xffff;
	v21 =	vor.u32 v41, v3  }
0x4bb: {  	v27 =	vor.u32 v36, v15;
	v37 =	vld [tilespmem:$0x1FDC0];
	v29 =	vor.u32 v41, v0  }
0x4bc: {  	v32 =	vld.idx.msk [tilespmem:v33+s11+$0x0], $0xffff;
	v43 =	vor.u32 v42, v5  }
0x4bd: {  	[tilespmem:v54+s17+$0x0] =	vst.idx.msk $0xffff, v30  }
0x4be: {  	v35 =	vld [tilespmem:$0x1FCE0];
	[tilespmem:v28+s17+$0x0] =	vst.idx.msk $0xffff, v23  }
0x4bf: {  	v24 =	vor.u32 v36, v18;
	[tilespmem:v21+s17+$0x0] =	vst.idx.msk $0xffff, v22  }
0x4c0: {  	v26 =	vor.u32 v36, v46;
	v27 =	vld.idx.msk [tilespmem:v27+s11+$0x0], $0xffff;
	[tilespmem:v29+s17+$0x0] =	vst.idx.msk $0xffff, v25  }
0x4c1: {  	v31 =	vor.u32 v37, v9;
	v49 =	vor.u32 v42, v6;
	v54 =	vld [tilespmem:$0x1FDD0];
	[tilespmem:v43+s17+$0x0] =	vst.idx.msk $0xffff, v32  }
0x4c2: {  	v39 =	vld [tilespmem:$0x1FF30]  }
0x4c3: {  	v20 =	vld.idx.msk [tilespmem:v20+s11+$0x0], $0xffff  }
0x4c4: {  	v24 =	vld.idx.msk [tilespmem:v24+s11+$0x0], $0xffff;
	v28 =	vor.u32 v42, v14;
	v30 =	vor.u32 v35, v16  }
0x4c5: {  	v21 =	vld.idx.msk [tilespmem:v26+s11+$0x0], $0xffff;
	v26 =	vor.u32 v42, v60  }
0x4c6: {  	v23 =	vor.u32 v35, v15;
	v31 =	vld.idx.msk [tilespmem:v31+s11+$0x0], $0xffff;
	[tilespmem:v49+s17+$0x0] =	vst.idx.msk $0xffff, v27;
	v25 =	vor.u32 v54, v13  }
0x4c7: {  	v42 =	vld [tilespmem:$0x1FCF0];
	v38 =	vor.u32 v54, v8;
	v36 =	vor.u32 v39, v11;
	_ =	sdelay $0x1  }
0x4c8: {  	v30 =	vld.idx.msk [tilespmem:v30+s11+$0x0], $0xffff;
	[tilespmem:v28+s17+$0x0] =	vst.idx.msk $0xffff, v24  }
0x4c9: {  	v57 =	vmov v56;
	v56 =	vmov v46;
	v29 =	vor.u32 v35, v46;
	v46 =	vld [tilespmem:$0x1FF00];
	[tilespmem:v26+s17+$0x0] =	vst.idx.msk $0xffff, v21  }
0x4ca: {  	v22 =	vor.u32 v35, v18;
	v23 =	vld.idx.msk [tilespmem:v23+s11+$0x0], $0xffff;
	[tilespmem:v25+s17+$0x0] =	vst.idx.msk $0xffff, v20  }
0x4cb: {  	v43 =	vor.u32 v42, v5;
	[tilespmem:v38+s17+$0x0] =	vst.idx.msk $0xffff, v31;
	v32 =	vld.idx.msk [tilespmem:v36+s11+$0x0], $0xffff  }
0x4cc: {  	v27 =	vor.u32 v39, v10;
	v28 =	vor.u32 v42, v6;
	v36 =	vld [tilespmem:$0x1FD10];
	_ =	sdelay $0x2  }
0x4cd: {  	v22 =	vld.idx.msk [tilespmem:v22+s11+$0x0], $0xffff;
	v26 =	vor.u32 v42, v14  }
0x4ce: {  	v20 =	vld.idx.msk [tilespmem:v29+s11+$0x0], $0xffff;
	v29 =	vor.u32 v42, v60;
	[tilespmem:v43+s17+$0x0] =	vst.idx.msk $0xffff, v30  }
0x4cf: {  	v24 =	vor.u32 v46, v16;
	v27 =	vld.idx.msk [tilespmem:v27+s11+$0x0], $0xffff;
	[tilespmem:v28+s17+$0x0] =	vst.idx.msk $0xffff, v23;
	v31 =	vor.u32 v36, v3  }
0x4d0: {  	v49 =	vor.u32 v46, v56;
	v35 =	vld [tilespmem:$0x1FDE0];
	v30 =	vor.u32 v36, v0  }
0x4d1: {  	v34 =	vld [tilespmem:$0x1FD00]  }
0x4d2: {  	[tilespmem:v26+s17+$0x0] =	vst.idx.msk $0xffff, v22  }
0x4d3: {  	v21 =	vor.u32 v46, v15;
	v42 =	vld [tilespmem:$0x1FF20];
	[tilespmem:v29+s17+$0x0] =	vst.idx.msk $0xffff, v20  }
0x4d4: {  	v25 =	vor.u32 v46, v18;
	v24 =	vld.idx.msk [tilespmem:v24+s11+$0x0], $0xffff;
	[tilespmem:v31+s17+$0x0] =	vst.idx.msk $0xffff, v32  }
0x4d5: {  	v38 =	vld.idx.msk [tilespmem:v49+s11+$0x0], $0xffff;
	[tilespmem:v30+s17+$0x0] =	vst.idx.msk $0xffff, v27  }
0x4d6: {  	v23 =	vor.u32 v35, v9;
	v28 =	vor.u32 v34, v5;
	v49 =	vld [tilespmem:$0x1FDF0];
	_ =	sdelay $0x1  }
0x4d7: {  	v21 =	vld.idx.msk [tilespmem:v21+s11+$0x0], $0xffff;
	v26 =	vor.u32 v34, v6  }
0x4d8: {  	v25 =	vld.idx.msk [tilespmem:v25+s11+$0x0], $0xffff;
	v29 =	vor.u32 v34, v14  }
0x4d9: {  	v19 =	vld.idx.msk [tilespmem:v19+s11+$0x0], $0xffff;
	v43 =	vor.u32 v34, v60  }
0x4da: {  	[tilespmem:v28+s17+$0x0] =	vst.idx.msk $0xffff, v24;
	v23 =	vld.idx.msk [tilespmem:v23+s11+$0x0], $0xffff;
	v27 =	vor.u32 v49, v13  }
0x4db: {  	v22 =	vor.u32 v42, v16;
	v34 =	vld [tilespmem:$0x1FD20];
	v28 =	vor.u32 v49, v8  }
0x4dc: {  	[tilespmem:v26+s17+$0x0] =	vst.idx.msk $0xffff, v21  }
0x4dd: {  	v20 =	vor.u32 v42, v15;
	[tilespmem:v29+s17+$0x0] =	vst.idx.msk $0xffff, v25  }
0x4de: {  	v31 =	vor.u32 v42, v18;
	[tilespmem:v43+s17+$0x0] =	vst.idx.msk $0xffff, v38  }
0x4df: {  	v30 =	vor.u32 v42, v56;
	[tilespmem:v27+s17+$0x0] =	vst.idx.msk $0xffff, v19  }
0x4e0: {  	v22 =	vld.idx.msk [tilespmem:v22+s11+$0x0], $0xffff;
	v26 =	vor.u32 v41, v5;
	v24 =	vor.u32 v34, v11;
	[tilespmem:v28+s17+$0x0] =	vst.idx.msk $0xffff, v23  }
0x4e1: {  	v38 =	vld [tilespmem:$0x1FD30]  }
0x4e2: {  	v20 =	vld.idx.msk [tilespmem:v20+s11+$0x0], $0xffff;
	v21 =	vor.u32 v34, v10  }
0x4e3: {  	v29 =	vor.u32 v41, v6;
	v31 =	vld.idx.msk [tilespmem:v31+s11+$0x0], $0xffff  }
0x4e4: {  	v33 =	vor.u32 v41, v14;
	v27 =	vld.idx.msk [tilespmem:v30+s11+$0x0], $0xffff  }
0x4e5: {  	v30 =	vor.u32 v41, v60;
	[tilespmem:v26+s17+$0x0] =	vst.idx.msk $0xffff, v22;
	v24 =	vld.idx.msk [tilespmem:v24+s11+$0x0], $0xffff  }
0x4e6: {  	v25 =	vor.u32 v39, v16;
	v43 =	vld [tilespmem:$0x1FE00];
	v23 =	vor.u32 v38, v3  }
0x4e7: {  	v32 =	vor.u32 v39, v15;
	v21 =	vld.idx.msk [tilespmem:v21+s11+$0x0], $0xffff;
	v22 =	vor.u32 v38, v0  }
0x4e8: {  	[tilespmem:v29+s17+$0x0] =	vst.idx.msk $0xffff, v20  }
0x4e9: {  	[tilespmem:v33+s17+$0x0] =	vst.idx.msk $0xffff, v31  }
0x4ea: {  	v19 =	vor.u32 v39, v18;
	[tilespmem:v30+s17+$0x0] =	vst.idx.msk $0xffff, v27  }
0x4eb: {  	v28 =	vor.u32 v39, v56;
	v20 =	vld.idx.msk [tilespmem:v25+s11+$0x0], $0xffff;
	[tilespmem:v23+s17+$0x0] =	vst.idx.msk $0xffff, v24  }
0x4ec: {  	v26 =	vld.idx.msk [tilespmem:v32+s11+$0x0], $0xffff;
	v12 =	vor.u32 v43, v12;
	[tilespmem:v22+s17+$0x0] =	vst.idx.msk $0xffff, v21  }
0x4ed: {  	v25 =	vor.u32 v36, v5;
	v9 =	vor.u32 v43, v9;
	v32 =	vld [tilespmem:$0x1FE10];
	_ =	sdelay $0x1  }
0x4ee: {  	v31 =	vor.u32 v36, v6;
	v19 =	vld.idx.msk [tilespmem:v19+s11+$0x0], $0xffff  }
0x4ef: {  	v30 =	vor.u32 v36, v14;
	v23 =	vld.idx.msk [tilespmem:v28+s11+$0x0], $0xffff  }
0x4f0: {  	v28 =	vor.u32 v36, v60;
	v12 =	vld.idx.msk [tilespmem:v12+s11+$0x0], $0xffff  }
0x4f1: {  	[tilespmem:v25+s17+$0x0] =	vst.idx.msk $0xffff, v20;
	v9 =	vld.idx.msk [tilespmem:v9+s11+$0x0], $0xffff;
	v36 =	vor.u32 v32, v13  }
0x4f2: {  	v29 =	vor.u32 v34, v16;
	v33 =	vld [tilespmem:$0x1FE20];
	v8 =	vor.u32 v32, v8  }
0x4f3: {  	[tilespmem:v31+s17+$0x0] =	vst.idx.msk $0xffff, v26  }
0x4f4: {  	v27 =	vor.u32 v34, v15;
	[tilespmem:v30+s17+$0x0] =	vst.idx.msk $0xffff, v19  }
0x4f5: {  	v24 =	vor.u32 v34, v18;
	[tilespmem:v28+s17+$0x0] =	vst.idx.msk $0xffff, v23  }
0x4f6: {  	v21 =	vor.u32 v34, v56;
	[tilespmem:v36+s17+$0x0] =	vst.idx.msk $0xffff, v12  }
0x4f7: {  	v25 =	vld.idx.msk [tilespmem:v29+s11+$0x0], $0xffff;
	v20 =	vor.u32 v33, v11;
	[tilespmem:v8+s17+$0x0] =	vst.idx.msk $0xffff, v9  }
0x4f8: {  	v26 =	vor.u32 v38, v5;
	v22 =	vor.u32 v33, v10;
	v34 =	vld [tilespmem:$0x1FE30]  }
0x4f9: {  	v27 =	vld.idx.msk [tilespmem:v27+s11+$0x0], $0xffff  }
0x4fa: {  	v29 =	vor.u32 v38, v6;
	v24 =	vld.idx.msk [tilespmem:v24+s11+$0x0], $0xffff  }
0x4fb: {  	v28 =	vor.u32 v38, v14;
	v12 =	vld.idx.msk [tilespmem:v21+s11+$0x0], $0xffff  }
0x4fc: {  	v21 =	vor.u32 v38, v60;
	v20 =	vld.idx.msk [tilespmem:v20+s11+$0x0], $0xffff  }
0x4fd: {  	[tilespmem:v26+s17+$0x0] =	vst.idx.msk $0xffff, v25;
	v22 =	vld.idx.msk [tilespmem:v22+s11+$0x0], $0xffff;
	v8 =	vor.u32 v34, v3  }
0x4fe: {  	v19 =	vor.u32 v33, v16;
	v30 =	vld [tilespmem:$0x1FD40];
	v25 =	vor.u32 v34, v0  }
0x4ff: {  	[tilespmem:v29+s17+$0x0] =	vst.idx.msk $0xffff, v27  }
0x500: {  	v23 =	vor.u32 v33, v15;
	[tilespmem:v28+s17+$0x0] =	vst.idx.msk $0xffff, v24  }
0x501: {  	v36 =	vor.u32 v33, v18;
	[tilespmem:v21+s17+$0x0] =	vst.idx.msk $0xffff, v12  }
0x502: {  	v9 =	vor.u32 v33, v56;
	[tilespmem:v8+s17+$0x0] =	vst.idx.msk $0xffff, v20  }
0x503: {  	v19 =	vld.idx.msk [tilespmem:v19+s11+$0x0], $0xffff;
	v11 =	vor.u32 v30, v11;
	[tilespmem:v25+s17+$0x0] =	vst.idx.msk $0xffff, v22  }
0x504: {  	v26 =	vor.u32 v34, v5;
	v10 =	vor.u32 v30, v10;
	v27 =	vld [tilespmem:$0x1FE40]  }
0x505: {  	v23 =	vld.idx.msk [tilespmem:v23+s11+$0x0], $0xffff  }
0x506: {  	v13 =	vld.idx.msk [tilespmem:v36+s11+$0x0], $0xffff;
	v24 =	vor.u32 v34, v6  }
0x507: {  	v12 =	vor.u32 v30, v15;
	v15 =	vor.u32 v34, v14;
	v8 =	vld.idx.msk [tilespmem:v9+s11+$0x0], $0xffff  }
0x508: {  	v36 =	vor.u32 v34, v60;
	v11 =	vld.idx.msk [tilespmem:v11+s11+$0x0], $0xffff  }
0x509: {  	v10 =	vld.idx.msk [tilespmem:v10+s11+$0x0], $0xffff;
	[tilespmem:v26+s17+$0x0] =	vst.idx.msk $0xffff, v19;
	v20 =	vor.u32 v27, v3  }
0x50a: {  	v16 =	vor.u32 v30, v16;
	v28 =	vld [tilespmem:$0x1FE50];
	v22 =	vor.u32 v27, v0  }
0x50b: {  	[tilespmem:v24+s17+$0x0] =	vst.idx.msk $0xffff, v23  }
0x50c: {  	[tilespmem:v15+s17+$0x0] =	vst.idx.msk $0xffff, v13  }
0x50d: {  	v9 =	vor.u32 v30, v18;
	[tilespmem:v36+s17+$0x0] =	vst.idx.msk $0xffff, v8  }
0x50e: {  	v21 =	vor.u32 v30, v56;
	[tilespmem:v20+s17+$0x0] =	vst.idx.msk $0xffff, v11  }
0x50f: {  	v16 =	vld.idx.msk [tilespmem:v16+s11+$0x0], $0xffff;
	v38 =	vor.u32 v28, v2;
	[tilespmem:v22+s17+$0x0] =	vst.idx.msk $0xffff, v10  }
0x510: {  	v24 =	vor.u32 v27, v5;
	v23 =	vor.u32 v28, v1;
	v29 =	vld [tilespmem:$0x1FE60]  }
0x511: {  	v12 =	vld.idx.msk [tilespmem:v12+s11+$0x0], $0xffff  }
0x512: {  	v9 =	vld.idx.msk [tilespmem:v9+s11+$0x0], $0xffff;
	v56 =	vor.u32 v27, v6  }
0x513: {  	v18 =	vor.u32 v27, v14;
	v11 =	vld.idx.msk [tilespmem:v21+s11+$0x0], $0xffff  }
0x514: {  	v21 =	vor.u32 v27, v60;
	v19 =	vld.idx.msk [tilespmem:v38+s11+$0x0], $0xffff  }
0x515: {  	v23 =	vld.idx.msk [tilespmem:v23+s11+$0x0], $0xffff;
	[tilespmem:v24+s17+$0x0] =	vst.idx.msk $0xffff, v16;
	v10 =	vor.u32 v29, v3  }
0x516: {  	v13 =	vor.u32 v28, v4;
	v36 =	vld [tilespmem:$0x1FE70];
	v24 =	vor.u32 v29, v0  }
0x517: {  	[tilespmem:v56+s17+$0x0] =	vst.idx.msk $0xffff, v12  }
0x518: {  	v8 =	vor.u32 v28, v7;
	[tilespmem:v18+s17+$0x0] =	vst.idx.msk $0xffff, v9  }
0x519: {  	v20 =	vor.u32 v28, v17;
	[tilespmem:v21+s17+$0x0] =	vst.idx.msk $0xffff, v11  }
0x51a: {  	v22 =	vor.u32 v28, v44;
	[tilespmem:v10+s17+$0x0] =	vst.idx.msk $0xffff, v19  }
0x51b: {  	v13 =	vld.idx.msk [tilespmem:v13+s11+$0x0], $0xffff;
	v16 =	vor.u32 v36, v2;
	[tilespmem:v24+s17+$0x0] =	vst.idx.msk $0xffff, v23  }
0x51c: {  	v56 =	vor.u32 v29, v5;
	v12 =	vor.u32 v36, v1;
	v26 =	vld [tilespmem:$0x1FD50]  }
0x51d: {  	v8 =	vld.idx.msk [tilespmem:v8+s11+$0x0], $0xffff  }
0x51e: {  	v20 =	vld.idx.msk [tilespmem:v20+s11+$0x0], $0xffff;
	v38 =	vor.u32 v29, v6  }
0x51f: {  	v21 =	vor.u32 v29, v14;
	v10 =	vld.idx.msk [tilespmem:v22+s11+$0x0], $0xffff  }
0x520: {  	v22 =	vor.u32 v29, v60;
	v16 =	vld.idx.msk [tilespmem:v16+s11+$0x0], $0xffff  }
0x521: {  	v9 =	vor.u32 v36, v4;
	[tilespmem:v56+s17+$0x0] =	vst.idx.msk $0xffff, v13;
	v12 =	vld.idx.msk [tilespmem:v12+s11+$0x0], $0xffff;
	v23 =	vor.u32 v26, v3  }
0x522: {  	v24 =	vor.u32 v36, v44;
	v25 =	vld [tilespmem:$0x1FD60];
	v56 =	vor.u32 v26, v0  }
0x523: {  	[tilespmem:v38+s17+$0x0] =	vst.idx.msk $0xffff, v8  }
0x524: {  	[tilespmem:v21+s17+$0x0] =	vst.idx.msk $0xffff, v20  }
0x525: {  	v11 =	vor.u32 v36, v7;
	[tilespmem:v22+s17+$0x0] =	vst.idx.msk $0xffff, v10  }
0x526: {  	v19 =	vor.u32 v36, v17;
	v9 =	vld.idx.msk [tilespmem:v9+s11+$0x0], $0xffff;
	v38 =	vor.u32 v26, v5;
	[tilespmem:v23+s17+$0x0] =	vst.idx.msk $0xffff, v16  }
0x527: {  	v21 =	vor.u32 v26, v6;
	v13 =	vor.u32 v25, v2;
	v23 =	vld.idx.msk [tilespmem:v24+s11+$0x0], $0xffff;
	[tilespmem:v56+s17+$0x0] =	vst.idx.msk $0xffff, v12  }
0x528: {  	v22 =	vor.u32 v26, v14;
	v8 =	vor.u32 v25, v1;
	v24 =	vor.u32 v26, v60;
	v26 =	vld [tilespmem:$0x1FD70];
	_ =	sdelay $0x1  }
0x529: {  	v11 =	vld.idx.msk [tilespmem:v11+s11+$0x0], $0xffff;
	v20 =	vor.u32 v25, v4  }
0x52a: {  	v19 =	vld.idx.msk [tilespmem:v19+s11+$0x0], $0xffff  }
0x52b: {  	v13 =	vld.idx.msk [tilespmem:v13+s11+$0x0], $0xffff  }
0x52c: {  	v10 =	vor.u32 v25, v7;
	[tilespmem:v38+s17+$0x0] =	vst.idx.msk $0xffff, v9;
	v8 =	vld.idx.msk [tilespmem:v8+s11+$0x0], $0xffff;
	v12 =	vor.u32 v26, v3  }
0x52d: {  	v16 =	vor.u32 v25, v17;
	v56 =	vor.u32 v25, v44;
	v25 =	vld [tilespmem:$0x1FD80];
	v38 =	vor.u32 v26, v0  }
0x52e: {  	[tilespmem:v21+s17+$0x0] =	vst.idx.msk $0xffff, v11;
	v20 =	vld.idx.msk [tilespmem:v20+s11+$0x0], $0xffff;
	v21 =	vor.u32 v26, v5  }
0x52f: {  	[tilespmem:v22+s17+$0x0] =	vst.idx.msk $0xffff, v19  }
0x530: {  	[tilespmem:v24+s17+$0x0] =	vst.idx.msk $0xffff, v23  }
0x531: {  	v22 =	vor.u32 v26, v6;
	v24 =	vor.u32 v26, v14;
	[tilespmem:v12+s17+$0x0] =	vst.idx.msk $0xffff, v13  }
0x532: {  	v9 =	vor.u32 v25, v2;
	v11 =	vor.u32 v25, v1;
	v13 =	vld.idx.msk [tilespmem:v56+s11+$0x0], $0xffff;
	[tilespmem:v38+s17+$0x0] =	vst.idx.msk $0xffff, v8  }
0x533: {  	v19 =	vor.u32 v25, v4;
	v56 =	vor.u32 v26, v60;
	v26 =	vld [tilespmem:$0x1FD90];
	[tilespmem:v21+s17+$0x0] =	vst.idx.msk $0xffff, v20  }
0x534: {  	v23 =	vor.u32 v25, v7;
	v12 =	vor.u32 v25, v17;
	v38 =	vor.u32 v25, v44;
	v25 =	vld [tilespmem:$0x1FDA0]  }
0x535: {  	v10 =	vld.idx.msk [tilespmem:v10+s11+$0x0], $0xffff  }
0x536: {  	v16 =	vld.idx.msk [tilespmem:v16+s11+$0x0], $0xffff;
	_ =	sdelay $0x1  }
0x537: {  	v9 =	vld.idx.msk [tilespmem:v9+s11+$0x0], $0xffff;
	v8 =	vor.u32 v26, v3  }
0x538: {  	v11 =	vld.idx.msk [tilespmem:v11+s11+$0x0], $0xffff;
	v21 =	vor.u32 v26, v0;
	v20 =	vor.u32 v25, v2  }
0x539: {  	[tilespmem:v22+s17+$0x0] =	vst.idx.msk $0xffff, v10;
	v19 =	vld.idx.msk [tilespmem:v19+s11+$0x0], $0xffff;
	v22 =	vor.u32 v26, v5;
	v10 =	vor.u32 v25, v1  }
0x53a: {  	[tilespmem:v24+s17+$0x0] =	vst.idx.msk $0xffff, v16;
	v23 =	vld.idx.msk [tilespmem:v23+s11+$0x0], $0xffff;
	v24 =	vor.u32 v26, v6;
	v16 =	vor.u32 v25, v4  }
0x53b: {  	[tilespmem:v56+s17+$0x0] =	vst.idx.msk $0xffff, v13;
	v12 =	vld.idx.msk [tilespmem:v12+s11+$0x0], $0xffff;
	v56 =	vor.u32 v26, v14;
	v13 =	vor.u32 v25, v7  }
0x53c: {  	[tilespmem:v8+s17+$0x0] =	vst.idx.msk $0xffff, v9;
	v8 =	vor.u32 v25, v17;
	v9 =	vld.idx.msk [tilespmem:v38+s11+$0x0], $0xffff;
	v38 =	vor.u32 v26, v60  }
0x53d: {  	[tilespmem:v21+s17+$0x0] =	vst.idx.msk $0xffff, v11;
	v11 =	vor.u32 v40, v3;
	v21 =	vor.u32 v25, v44;
	v20 =	vld.idx.msk [tilespmem:v20+s11+$0x0], $0xffff  }
0x53e: {  	[tilespmem:v22+s17+$0x0] =	vst.idx.msk $0xffff, v19;
	v19 =	vor.u32 v37, v2;
	v22 =	vor.u32 v40, v0;
	v10 =	vld.idx.msk [tilespmem:v10+s11+$0x0], $0xffff  }
0x53f: {  	[tilespmem:v24+s17+$0x0] =	vst.idx.msk $0xffff, v23;
	v23 =	vor.u32 v37, v1;
	v24 =	vor.u32 v40, v5;
	v16 =	vld.idx.msk [tilespmem:v16+s11+$0x0], $0xffff  }
0x540: {  	[tilespmem:v56+s17+$0x0] =	vst.idx.msk $0xffff, v12;
	v12 =	vor.u32 v37, v4;
	v56 =	vor.u32 v40, v6;
	v13 =	vld.idx.msk [tilespmem:v13+s11+$0x0], $0xffff  }
0x541: {  	[tilespmem:v38+s17+$0x0] =	vst.idx.msk $0xffff, v9;
	v9 =	vor.u32 v37, v7;
	v8 =	vld.idx.msk [tilespmem:v8+s11+$0x0], $0xffff;
	v38 =	vor.u32 v40, v14  }
0x542: {  	[tilespmem:v11+s17+$0x0] =	vst.idx.msk $0xffff, v20;
	v11 =	vor.u32 v37, v17;
	v20 =	vld.idx.msk [tilespmem:v21+s11+$0x0], $0xffff;
	v21 =	vor.u32 v40, v60  }
0x543: {  	[tilespmem:v22+s17+$0x0] =	vst.idx.msk $0xffff, v10;
	v10 =	vor.u32 v54, v3;
	v22 =	vor.u32 v37, v44;
	v19 =	vld.idx.msk [tilespmem:v19+s11+$0x0], $0xffff  }
0x544: {  	[tilespmem:v24+s17+$0x0] =	vst.idx.msk $0xffff, v16;
	v16 =	vor.u32 v35, v2;
	v24 =	vor.u32 v54, v0;
	v23 =	vld.idx.msk [tilespmem:v23+s11+$0x0], $0xffff  }
0x545: {  	[tilespmem:v56+s17+$0x0] =	vst.idx.msk $0xffff, v13;
	v56 =	vor.u32 v35, v1;
	v37 =	vor.u32 v54, v5;
	v12 =	vld.idx.msk [tilespmem:v12+s11+$0x0], $0xffff  }
0x546: {  	[tilespmem:v38+s17+$0x0] =	vst.idx.msk $0xffff, v8;
	v8 =	vor.u32 v35, v4;
	v9 =	vld.idx.msk [tilespmem:v9+s11+$0x0], $0xffff;
	v38 =	vor.u32 v54, v6  }
0x547: {  	[tilespmem:v21+s17+$0x0] =	vst.idx.msk $0xffff, v20;
	v20 =	vor.u32 v35, v7;
	v11 =	vld.idx.msk [tilespmem:v11+s11+$0x0], $0xffff;
	v21 =	vor.u32 v54, v14  }
0x548: {  	[tilespmem:v10+s17+$0x0] =	vst.idx.msk $0xffff, v19;
	v10 =	vor.u32 v35, v17;
	v40 =	vld.idx.msk [tilespmem:v22+s11+$0x0], $0xffff;
	v22 =	vor.u32 v54, v60  }
0x549: {  	[tilespmem:v24+s17+$0x0] =	vst.idx.msk $0xffff, v23;
	v23 =	vor.u32 v49, v3;
	v24 =	vor.u32 v35, v44;
	v16 =	vld.idx.msk [tilespmem:v16+s11+$0x0], $0xffff  }
0x54a: {  	v2 =	vor.u32 v43, v2;
	[tilespmem:v37+s17+$0x0] =	vst.idx.msk $0xffff, v12;
	v12 =	vld.idx.msk [tilespmem:v56+s11+$0x0], $0xffff;
	v56 =	vor.u32 v49, v0  }
0x54b: {  	v1 =	vor.u32 v43, v1;
	[tilespmem:v38+s17+$0x0] =	vst.idx.msk $0xffff, v9;
	v8 =	vld.idx.msk [tilespmem:v8+s11+$0x0], $0xffff;
	v9 =	vor.u32 v49, v5  }
0x54c: {  	v4 =	vor.u32 v43, v4;
	v35 =	vor.u32 v49, v6;
	[tilespmem:v21+s17+$0x0] =	vst.idx.msk $0xffff, v11;
	v11 =	vld.idx.msk [tilespmem:v20+s11+$0x0], $0xffff  }
0x54d: {  	v7 =	vor.u32 v43, v7;
	v37 =	vor.u32 v49, v14;
	[tilespmem:v22+s17+$0x0] =	vst.idx.msk $0xffff, v40;
	v10 =	vld.idx.msk [tilespmem:v10+s11+$0x0], $0xffff  }
0x54e: {  	v54 =	vor.u32 v49, v60;
	v40 =	vor.u32 v43, v17;
	[tilespmem:v23+s17+$0x0] =	vst.idx.msk $0xffff, v16;
	v38 =	vld.idx.msk [tilespmem:v24+s11+$0x0], $0xffff  }
0x54f: {  	v3 =	vor.u32 v32, v3;
	[tilespmem:v56+s17+$0x0] =	vst.idx.msk $0xffff, v12;
	v56 =	vor.u32 v43, v44;
	v2 =	vld.idx.msk [tilespmem:v2+s11+$0x0], $0xffff  }
0x550: {  	v0 =	vor.u32 v32, v0;
	v1 =	vld.idx.msk [tilespmem:v1+s11+$0x0], $0xffff;
	[tilespmem:v9+s17+$0x0] =	vst.idx.msk $0xffff, v8  }
0x551: {  	v5 =	vor.u32 v32, v5;
	[tilespmem:v35+s17+$0x0] =	vst.idx.msk $0xffff, v11;
	v4 =	vld.idx.msk [tilespmem:v4+s11+$0x0], $0xffff  }
0x552: {  	v6 =	vor.u32 v32, v6;
	[tilespmem:v37+s17+$0x0] =	vst.idx.msk $0xffff, v10;
	v7 =	vld.idx.msk [tilespmem:v7+s11+$0x0], $0xffff  }
0x553: {  	v9 =	vor.u32 v32, v14;
	[tilespmem:v54+s17+$0x0] =	vst.idx.msk $0xffff, v38;
	v8 =	vld.idx.msk [tilespmem:v40+s11+$0x0], $0xffff  }
0x554: {  	[tilespmem:v3+s17+$0x0] =	vst.idx.msk $0xffff, v2;
	v2 =	vld.idx.msk [tilespmem:v56+s11+$0x0], $0xffff;
	v3 =	vor.u32 v32, v60  }
0x555: {  	[tilespmem:v0+s17+$0x0] =	vst.idx.msk $0xffff, v1  }
0x556: {  	[tilespmem:v5+s17+$0x0] =	vst.idx.msk $0xffff, v4  }
0x557: {  	[tilespmem:v6+s17+$0x0] =	vst.idx.msk $0xffff, v7  }
0x558: {  	[tilespmem:v9+s17+$0x0] =	vst.idx.msk $0xffff, v8  }
0x559: {  	[tilespmem:v3+s17+$0x0] =	vst.idx.msk $0xffff, v2  }
0x55a: {  	v43 =	vld [tilespmem:$0x1FFF0]  }
0x55b: {  	v44 =	vmov v45;
	v45 =	vmov v48;
	v48 =	vld [tilespmem:$0x1FFE0]  }
0x55c: {  	v56 =	vmov v57;
	v57 =	vld [tilespmem:$0x1FF80]  }
0x55d: {  	v6 =	vmov v58;
	v58 =	vld [tilespmem:$0x1FFD0]  }
0x55e: {  	v1 =	vld [tilespmem:$0x1FFB0]  }
0x55f: {  	v2 =	vld [tilespmem:$0x1FFC0]  }
0x560: {  	v3 =	vld [tilespmem:$0x1FF50]  }
0x561: {  	v22 =	vld [tilespmem:$0x1FE80]  }
0x562: {  	s20 =	sadd.s32 $0x1, s20;
	v49 =	vmov v62;
	v62 =	vmov v61;
	v61 =	vld [tilespmem:$0x1FF40]  }
0x563: {  	p0 =	sne.s32 s20, $0x64;
	v8 =	vld [tilespmem:$0x1FE90]  }
.Ltmp5:
0x564: {  	s21 =	sshll.u32 s21, $0xF;
	v9 =	vld [tilespmem:$0x1FEA0];
	(pc) =	sbr.rel @p0 .LBB2_2-.Ltmp5, $4  }
0x565: {  	s21 =	sand.u32 $0x38000, s21;
	v7 =	vld [tilespmem:$0x1FEB0]  }
0x566: {  	s21 =	sor.u32 s21, s22;
	v5 =	vld [tilespmem:$0x1FEC0]  }
0x567: {  	s21 =	sadd.s32 s21, s23;
	v31 =	vmovc v41;
	v30 =	vmovc v34;
	v26 =	vmov v42;
	v25 =	vmov v27;
	v27 =	vmov v28;
	v4 =	vld [tilespmem:$0x1FED0]  }
0x568: {  	v28 =	vmovc v29;
	v29 =	vmovc v36;
	v54 =	vmov v47;
	v60 =	vmov v50;
	v32 =	vmov v39;
	[hbm4b:s21+s14] =	stream.strided.scatter [tilespmem:s17], [sflag:$0x3], $0x2000, s15, s14, $0x38;
	v24 =	vld [tilespmem:$0x1FEE0]  }
0x569: {  	s19 =	sadd.s32 $0x1, s19  }
0x56a: {  	_ =	swait.ge [sflag:s18], $0x2000;
	p0 =	sne.s32 s19, s7  }
.Ltmp6:
0x56b: {  	[sflag:s18] =	ssyncset.done $0x0;
	(pc) =	sbr.rel @p0 .LBB2_1-.Ltmp6, $4  }
0x56c: {  	[sflag:s18] =	ssyncadd.s32 $0xFFFFE000  }
0x56d: {  	_ =	swait.ge [sflag:s16], $0x2000  }
0x56e: {  	[sflag:s16] =	ssyncset.done $0x0  }
0x56f: {  	[sflag:s16] =	ssyncadd.s32 $0xFFFFE000  }
0x570: {  	_ =	sfence.sel $0x180000  }
0x571: {  	[bflag:$0x0] =	sbarrier.arrive $0xFFFF  }
0x572: {  	p0 =	sne.s32 s2, $0x0;
	_ =	strace $0x90000047  }
0x573: {  	s0 =	sadd.s32 @!p0 $0x100000, s0;
	[bflag:$0x2] =	sbarrier.arrive $0xFFFF  }
0x574: {  	[sflag:s0] =	ssyncadd.tile.s32 @!p0 $0x1;
	_ =	shalt  }
.Lfunc_end2:
_tile_overlayer_lowered:
.L_overlay_start_2:
0x575: {  	(tag) =	ssettag $0x2  }
0x576: {  	s0 =	rddreg [dreg:$0x0];
	s2 =	stileid.u32  }
0x577: {  	s1 =	rddreg [dreg:$0x1];
	p0 =	sne.s32 s2, $0x0  }
0x578: {  	s3 =	rddreg [dreg:$0x2];
	[bflag:$0x3] =	sbarrier.arrive $0xFFFF;
	s2 =	simm.s32 @!p0 $0x1C04  }
0x579: {  	[timem:s3], [sflag:s2] =	dma.local @!p0 [hbm:s0], s1  }
0x57a: {  	s0 =	simm.s32 @!p0 $0x4  }
0x57b: {  	_ =	swait.ge @!p0 [sflag:s0], s1  }
0x57c: {  	s1 =	ssub.s32 @!p0 $0x0, s1;
	[sflag:s0] =	ssyncset.done @!p0 $0x0  }
0x57d: {  	[sflag:s0] =	ssyncadd.s32 @!p0 s1  }
0x57e: {  	[bflag:$0x3] =	sbarrier.arrive $0xFFFF  }
0x57f: {  	_ =	shalt  }

</sc_bundles>
